<compile_context>
chip_gen: v7x
topology: tpu7x:2x2x1
jax: 0.10.2.dev20260603
libtpu: 0.0.44.dev20260713+nightly
codegen_flags: <defaults>
</compile_context>

<pallas_src>
import functools

import jax
import jax.numpy as jnp
from jax import lax
from jax.experimental import pallas as pl
from jax.experimental.pallas import tpu as pltpu
from jax.experimental.pallas import tpu_sc as plsc

NC, NS = 2, 16
NW = NC * NS
LANES = 16
KPAD = 102400
SLICE = KPAD // NW
TPW = SLICE // 128
BLK = 6400
CPT = LANES
NCAND = NW * CPT
TOPK = 6
PAD_D2 = 1e30


def _dist_body(nkeys, q_ref, kt_ref, o_ref, k2_ref):
    i = pl.program_id(0)
    q = q_ref[...]
    kb = kt_ref[...]
    qk = lax.dot_general(q, kb, (((1,), (0,)), ((), ())),
                         preferred_element_type=jnp.float32,
                         precision=lax.Precision.HIGHEST)
    ones = jnp.ones((1, kb.shape[0]), jnp.float32)
    kk = lax.dot_general(ones, kb * kb, (((1,), (0,)), ((), ())),
                         preferred_element_type=jnp.float32,
                         precision=lax.Precision.HIGHEST)
    qq = jnp.sum(q * q, axis=1, keepdims=True)
    d2 = qq + kk - 2.0 * qk
    gid = i * BLK + lax.broadcasted_iota(jnp.int32, d2.shape, 1)
    d2 = jnp.where(gid >= nkeys, jnp.full_like(d2, PAD_D2), d2)
    nq = d2.shape[0]
    o_ref[...] = jnp.transpose(d2.reshape(nq, BLK // 128, 128), (1, 0, 2))
    dd = kb.shape[0]
    h = BLK // 2
    k2_ref[:, pl.ds(0, dd)] = lax.transpose(kb[:, :h], (1, 0))
    k2_ref[:, pl.ds(dd, dd)] = lax.transpose(kb[:, h:], (1, 0))


def _sc_topk_body(nq, d2_hbm, keys2_hbm, rows_out, idx_out,
                  d2_v, idx_v, rows_v, sem):
    wid = lax.axis_index("s") * NC + lax.axis_index("c")
    base = wid * SLICE
    pltpu.sync_copy(d2_hbm.at[pl.ds(wid * TPW, TPW)], d2_v)
    lanes = lax.iota(jnp.int32, LANES)
    inf_v = jnp.full((LANES,), jnp.inf, jnp.float32)
    zero_i = jnp.zeros((LANES,), jnp.int32)

    def step(i, carry):
        off = base + i * CPT
        tt = i // 8
        lo = (i % 8) * CPT
        out = []
        for r in range(nq):
            bv, bi = carry[r]
            v = d2_v[tt, r, pl.ds(lo, CPT)]
            iv = lanes + off
            vd, ivd = plsc.sort_key_val(v, iv, descending=True)
            take = vd < bv
            mv = jnp.where(take, vd, bv)
            mi = jnp.where(take, ivd, bi)
            out.append(tuple(plsc.sort_key_val(mv, mi)))
        return tuple(out)

    init = tuple((inf_v, zero_i) for _ in range(nq))
    res = plsc.parallel_loop(0, SLICE // CPT, 1, unroll=4, carry=init)(step)
    for r in range(nq):
        bv, bi = res[r]
        idx_v[...] = bi
        prow = (bi // BLK) * (BLK // 2) + lax.rem(bi, BLK // 2)
        pltpu.async_copy(keys2_hbm.at[prow], rows_v, sem).wait()
        pltpu.sync_copy(rows_v, rows_out.at[pl.ds(r * NCAND + wid * CPT, CPT)])
        pltpu.sync_copy(idx_v, idx_out.at[r * (NCAND // 128) + wid // 8,
                                          pl.ds((wid % 8) * CPT, CPT)])


def _final_body(q_ref, rows_ref, ci_ref, vals_ref, idx_ref):
    q = q_ref[...]
    nq, dd = q.shape
    rows = rows_ref[...].reshape(nq, NCAND, 2 * dd)
    qpad = jnp.concatenate([q, q], axis=1)
    diff = qpad[:, None, :] - rows
    sq = diff * diff
    s_lo = jnp.sum(sq[:, :, :dd], axis=2)
    s_hi = jnp.sum(sq[:, :, dd:], axis=2)
    im = ci_ref[...].reshape(nq, NCAND)
    half = jnp.bitwise_and(im // (BLK // 2), 1)
    d2 = jnp.where(half == 0, s_lo, s_hi)
    dist = jnp.sqrt(d2)
    intmax = jnp.int32(2147483647)
    big = jnp.float32(3e38)
    work = dist
    vs, ids = [], []
    for _ in range(TOPK):
        m = jnp.min(work, axis=1, keepdims=True)
        tie = jnp.where(work == m, im, intmax)
        ci = jnp.min(tie, axis=1, keepdims=True)
        vs.append(m)
        ids.append(ci)
        work = jnp.where(im == ci, big, work)
    vals_ref[...] = jnp.concatenate(vs, axis=1)
    idx_ref[...] = jnp.concatenate(ids, axis=1)


def kernel(queries, keys, k):
    nq, d = queries.shape
    nkeys = keys.shape[0]
    keys_t = keys.T

    d2, keys2 = pl.pallas_call(
        functools.partial(_dist_body, nkeys),
        grid=(KPAD // BLK,),
        in_specs=[
            pl.BlockSpec((nq, d), lambda i: (0, 0)),
            pl.BlockSpec((d, BLK), lambda i: (0, i)),
        ],
        out_specs=[
            pl.BlockSpec((BLK // 128, nq, 128), lambda i: (i, 0, 0)),
            pl.BlockSpec((BLK // 2, 2 * d), lambda i: (i, 0)),
        ],
        out_shape=[
            jax.ShapeDtypeStruct((KPAD // 128, nq, 128), jnp.float32),
            jax.ShapeDtypeStruct((KPAD // 2, 2 * d), jnp.float32),
        ],
    )(queries, keys_t)

    mesh = plsc.VectorSubcoreMesh(core_axis_name="c", subcore_axis_name="s",
                                  num_cores=NC, num_subcores=NS)
    sc_params = pltpu.CompilerParams(needs_layout_passes=False,
                                     use_tc_tiling_on_sc=False)
    sc_topk = functools.partial(
        pl.kernel,
        out_type=(jax.ShapeDtypeStruct((nq * NCAND, 128), jnp.float32),
                  jax.ShapeDtypeStruct((nq * NCAND // 128, 128), jnp.int32)),
        mesh=mesh,
        compiler_params=sc_params,
        scratch_types=[
            pltpu.VMEM((TPW, nq, 128), jnp.float32),
            pltpu.VMEM((CPT,), jnp.int32),
            pltpu.VMEM((CPT, 128), jnp.float32),
            pltpu.SemaphoreType.DMA,
        ],
    )(functools.partial(_sc_topk_body, nq))
    rows, cidx = sc_topk(d2, keys2)

    vals, idx = pl.pallas_call(
        _final_body,
        in_specs=[
            pl.BlockSpec(queries.shape, lambda: (0, 0)),
            pl.BlockSpec((nq * NCAND, 128), lambda: (0, 0)),
            pl.BlockSpec((nq * NCAND // 128, 128), lambda: (0, 0)),
        ],
        out_specs=[
            pl.BlockSpec((nq, TOPK), lambda: (0, 0)),
            pl.BlockSpec((nq, TOPK), lambda: (0, 0)),
        ],
        out_shape=[
            jax.ShapeDtypeStruct((nq, TOPK), jnp.float32),
            jax.ShapeDtypeStruct((nq, TOPK), jnp.int32),
        ],
    )(queries, rows, cidx)
    return vals, idx

# --- scband reference (transcript-rebuilt; emitter-appended) ---
"""Pipeline reference for scband-mlmodel-9603546874119 (READ-ONLY COPY).

The authoritative reference and input builder live on the scoring server;
editing this copy changes nothing except your own understanding.
"""

import jax, jax.numpy as jnp
import numpy as np


def setup_inputs(seed: int = 0) -> dict:
    key = jax.random.key(seed)
    kq, kk = jax.random.split(key)
    queries = jax.random.normal(kq, (8, 64), dtype=jnp.float32)
    keys = jax.random.normal(kk, (100000, 64), dtype=jnp.float32)
    return {"queries": queries, "keys": keys, "k": 6}


def reference(queries, keys, k):
    # Faithful translation of MLModel.knn: broadcast-expand x and y to
    # [Q, K, d], take L2 norm over the feature dim, then top-k smallest.
    size = (queries.shape[0], keys.shape[0], queries.shape[1])
    x = jnp.broadcast_to(queries[:, None, :], size)
    y = jnp.broadcast_to(keys[None, :, :], size)
    dist = jnp.sqrt(jnp.sum((x - y) ** 2, axis=2))  # p=2 norm
    dist = dist + jnp.asarray(k, dist.dtype) * jnp.zeros((), dist.dtype)
    # torch.topk(dist, k, largest=False) == top_k of negated distances
    neg_vals, indices = jax.lax.top_k(-dist, 6)
    sim_scores = -neg_vals
    return (sim_scores, indices)

if __name__ == "__main__":
    import jax
    _d = setup_inputs()
    print(jax.jit(kernel)(*tuple(_d.values())))

</pallas_src>

<mosaic_0001>
#map = affine_map<(d0, d1) -> (0, 0, 0)>
#map1 = affine_map<(d0, d1) -> (0, 0)>
module attributes {stable_mosaic.version = 14 : i64} {
  func.func @_sc_topk_body(%arg0: i32, %arg1: i32, %arg2: memref<800x8x128xf32, #tpu.memory_space<hbm>>, %arg3: memref<51200x128xf32, #tpu.memory_space<hbm>>, %arg4: memref<4096x128xf32, #tpu.memory_space<hbm>>, %arg5: memref<32x128xi32, #tpu.memory_space<hbm>>, %arg6: memref<25x8x128xf32, #tpu.memory_space<vmem>>, %arg7: memref<16xi32, #tpu.memory_space<vmem>>, %arg8: memref<16x128xf32, #tpu.memory_space<vmem>>, %arg9: memref<!tpu.dma_semaphore, #tpu.memory_space<semaphore_mem>>) attributes {dimension_semantics = [#tpu.dimension_semantics<core_parallel>, #tpu.dimension_semantics<subcore_parallel>], iteration_bounds = array<i64: 2, 16>, scalar_prefetch = 0 : i64, scratch_operands = 4 : i64, tpu.core_type = #tpu.core_type<sc_vector_subcore>, window_params = [{transform_indices = #map}, {transform_indices = #map1}, {transform_indices = #map1}, {transform_indices = #map1}]} {
    %mul3A = arith.constant 2 : i32
    %mul3A_0 = arith.muli %arg1, %mul3A : i32
    %add3A = arith.addi %mul3A_0, %arg0 : i32
    %mul3A_1 = arith.constant 3200 : i32
    %mul3A_2 = arith.muli %add3A, %mul3A_1 : i32
    %mul3A_3 = arith.constant 25 : i32
    %mul3A_4 = arith.muli %add3A, %mul3A_3 : i32
    "tpu.region"() ({
      %run_scoped3A = tpu.sem_alloc : memref<!tpu.dma_semaphore, #tpu.memory_space<semaphore_mem>>
      %dma_start3A_750 = arith.constant 0 : i32
      %dma_start3A_751 = arith.constant 0 : i32
      %dma_start3A_752 = tpu.memref_slice %arg2[%mul3A_4, %dma_start3A_750, %dma_start3A_751] : memref<800x8x128xf32, #tpu.memory_space<hbm>> -> memref<25x8x128xf32, #tpu.memory_space<hbm>>
      %dma_start3A_753 = arith.constant 0 : i32
      %dma_start3A_754 = arith.constant 0 : i32
      %dma_start3A_755 = tpu.memref_slice %arg2[%mul3A_4, %dma_start3A_753, %dma_start3A_754] : memref<800x8x128xf32, #tpu.memory_space<hbm>> -> memref<25x8x128xf32, #tpu.memory_space<hbm>>
      tpu.enqueue_dma source(%dma_start3A_755 : memref<25x8x128xf32, #tpu.memory_space<hbm>>) target(%arg6 : memref<25x8x128xf32, #tpu.memory_space<vmem>>) target_semaphore(%run_scoped3A : memref<!tpu.dma_semaphore, #tpu.memory_space<semaphore_mem>>)
      %dma_wait3A_756 = arith.constant 0 : i32
      %dma_wait3A_757 = arith.constant 0 : i32
      %dma_wait3A_758 = tpu.memref_slice %arg2[%mul3A_4, %dma_wait3A_756, %dma_wait3A_757] : memref<800x8x128xf32, #tpu.memory_space<hbm>> -> memref<25x8x128xf32, #tpu.memory_space<hbm>>
      %dma_wait3A_759 = arith.constant 0 : i32
      %dma_wait3A_760 = arith.constant 0 : i32
      %dma_wait3A_761 = tpu.memref_slice %arg2[%mul3A_4, %dma_wait3A_759, %dma_wait3A_760] : memref<800x8x128xf32, #tpu.memory_space<hbm>> -> memref<25x8x128xf32, #tpu.memory_space<hbm>>
      tpu.wait_dma2 semaphore(%run_scoped3A : memref<!tpu.dma_semaphore, #tpu.memory_space<semaphore_mem>>) src(%dma_wait3A_761 : memref<25x8x128xf32, #tpu.memory_space<hbm>>) dst(%arg6 : memref<25x8x128xf32, #tpu.memory_space<vmem>>)
      tpu.yield
    }) : () -> ()
    %iota3A = tpu.iota {dimensions = array<i32: 0>} : vector<16xi32>
    %broadcast_in_dim3A = arith.constant 0x7F800000 : f32
    %broadcast_in_dim3A_5 = vector.broadcast %broadcast_in_dim3A : f32 to vector<16xf32>
    %broadcast_in_dim3A_6 = arith.constant 0 : i32
    %broadcast_in_dim3A_7 = vector.broadcast %broadcast_in_dim3A_6 : i32 to vector<16xi32>
    %parallel_loop3A = arith.constant 0 : i32
    %parallel_loop3A_8 = arith.constant 200 : i32
    %parallel_loop3A_9 = arith.constant 1 : i32
    %parallel_loop3A_10:16 = scf.for %parallel_loop3A_750 = %parallel_loop3A to %parallel_loop3A_8 step %parallel_loop3A_9 iter_args(%parallel_loop3A_751 = %broadcast_in_dim3A_5, %parallel_loop3A_752 = %broadcast_in_dim3A_7, %parallel_loop3A_753 = %broadcast_in_dim3A_5, %parallel_loop3A_754 = %broadcast_in_dim3A_7, %parallel_loop3A_755 = %broadcast_in_dim3A_5, %parallel_loop3A_756 = %broadcast_in_dim3A_7, %parallel_loop3A_757 = %broadcast_in_dim3A_5, %parallel_loop3A_758 = %broadcast_in_dim3A_7, %parallel_loop3A_759 = %broadcast_in_dim3A_5, %parallel_loop3A_760 = %broadcast_in_dim3A_7, %parallel_loop3A_761 = %broadcast_in_dim3A_5, %parallel_loop3A_762 = %broadcast_in_dim3A_7, %parallel_loop3A_763 = %broadcast_in_dim3A_5, %parallel_loop3A_764 = %broadcast_in_dim3A_7, %parallel_loop3A_765 = %broadcast_in_dim3A_5, %parallel_loop3A_766 = %broadcast_in_dim3A_7) -> (vector<16xf32>, vector<16xi32>, vector<16xf32>, vector<16xi32>, vector<16xf32>, vector<16xi32>, vector<16xf32>, vector<16xi32>, vector<16xf32>, vector<16xi32>, vector<16xf32>, vector<16xi32>, vector<16xf32>, vector<16xi32>, vector<16xf32>, vector<16xi32>)  : i32 {
      %parallel_loop3A_767 = arith.constant 16 : i32
      %parallel_loop3A_768 = arith.muli %parallel_loop3A_750, %parallel_loop3A_767 : i32
      %parallel_loop3A_769 = arith.addi %mul3A_2, %parallel_loop3A_768 : i32
      %parallel_loop3A_770 = arith.constant 8 : i32
      %parallel_loop3A_771 = arith.divsi %parallel_loop3A_750, %parallel_loop3A_770 : i32
      %parallel_loop3A_772 = arith.constant 0 : i32
      %parallel_loop3A_773 = arith.cmpi sgt, %parallel_loop3A_750, %parallel_loop3A_772 : i32
      %parallel_loop3A_774 = arith.extui %parallel_loop3A_773 : i1 to i32
      %parallel_loop3A_775 = arith.constant 0 : i32
      %parallel_loop3A_776 = arith.cmpi slt, %parallel_loop3A_750, %parallel_loop3A_775 : i32
      %parallel_loop3A_777 = arith.extui %parallel_loop3A_776 : i1 to i32
      %parallel_loop3A_778 = arith.subi %parallel_loop3A_774, %parallel_loop3A_777 : i32
      %parallel_loop3A_779 = arith.constant 0 : i32
      %parallel_loop3A_780 = arith.cmpi sgt, %parallel_loop3A_770, %parallel_loop3A_779 : i32
      %parallel_loop3A_781 = arith.extui %parallel_loop3A_780 : i1 to i32
      %parallel_loop3A_782 = arith.constant 0 : i32
      %parallel_loop3A_783 = arith.cmpi slt, %parallel_loop3A_770, %parallel_loop3A_782 : i32
      %parallel_loop3A_784 = arith.extui %parallel_loop3A_783 : i1 to i32
      %parallel_loop3A_785 = arith.subi %parallel_loop3A_781, %parallel_loop3A_784 : i32
      %parallel_loop3A_786 = arith.cmpi ne, %parallel_loop3A_778, %parallel_loop3A_785 : i32
      %parallel_loop3A_787 = arith.remsi %parallel_loop3A_750, %parallel_loop3A_770 : i32
      %parallel_loop3A_788 = arith.constant 0 : i32
      %parallel_loop3A_789 = arith.cmpi ne, %parallel_loop3A_787, %parallel_loop3A_788 : i32
      %parallel_loop3A_790 = arith.andi %parallel_loop3A_786, %parallel_loop3A_789 : i1
      %parallel_loop3A_791 = arith.constant 1 : i32
      %parallel_loop3A_792 = arith.subi %parallel_loop3A_771, %parallel_loop3A_791 : i32
      %parallel_loop3A_793 = arith.select %parallel_loop3A_790, %parallel_loop3A_792, %parallel_loop3A_771 : i32
      %parallel_loop3A_794 = arith.constant 8 : i32
      %parallel_loop3A_795 = arith.constant 0 : i32
      %parallel_loop3A_796 = arith.cmpi eq, %parallel_loop3A_794, %parallel_loop3A_795 : i32
      %parallel_loop3A_797 = arith.constant 1 : i32
      %parallel_loop3A_798 = arith.select %parallel_loop3A_796, %parallel_loop3A_797, %parallel_loop3A_794 : i32
      %parallel_loop3A_799 = arith.remsi %parallel_loop3A_750, %parallel_loop3A_798 : i32
      %parallel_loop3A_800 = arith.constant 0 : i32
      %parallel_loop3A_801 = arith.cmpi ne, %parallel_loop3A_799, %parallel_loop3A_800 : i32
      %parallel_loop3A_802 = arith.constant 0 : i32
      %parallel_loop3A_803 = arith.cmpi slt, %parallel_loop3A_799, %parallel_loop3A_802 : i32
      %parallel_loop3A_804 = arith.constant 0 : i32
      %parallel_loop3A_805 = arith.cmpi slt, %parallel_loop3A_798, %parallel_loop3A_804 : i32
      %parallel_loop3A_806 = arith.xori %parallel_loop3A_803, %parallel_loop3A_805 : i1
      %parallel_loop3A_807 = arith.andi %parallel_loop3A_806, %parallel_loop3A_801 : i1
      %parallel_loop3A_808 = arith.addi %parallel_loop3A_799, %parallel_loop3A_798 : i32
      %parallel_loop3A_809 = arith.select %parallel_loop3A_807, %parallel_loop3A_808, %parallel_loop3A_799 : i32
      %parallel_loop3A_810 = arith.constant 16 : i32
      %parallel_loop3A_811 = arith.muli %parallel_loop3A_809, %parallel_loop3A_810 : i32
      %parallel_loop3A_812 = arith.constant 0 : i32
      %parallel_loop3A_813 = arith.index_cast %parallel_loop3A_793 : i32 to index
      %parallel_loop3A_814 = arith.index_cast %parallel_loop3A_812 : i32 to index
      %parallel_loop3A_815 = arith.index_cast %parallel_loop3A_811 : i32 to index
      %parallel_loop3A_816 = tpu.vector_load %arg6[%parallel_loop3A_813, %parallel_loop3A_814, %parallel_loop3A_815] {strides = array<i32>} : memref<25x8x128xf32, #tpu.memory_space<vmem>>, vector<16xf32>,
      %parallel_loop3A_817 = vector.broadcast %parallel_loop3A_769 : i32 to vector<16xi32>
      %parallel_loop3A_818 = arith.addi %iota3A, %parallel_loop3A_817 : vector<16xi32>
      %parallel_loop3A_819 = arith.constant dense<true> : vector<16xi1>
      %parallel_loop3A_820, %parallel_loop3A_821, %parallel_loop3A_822 = tpu.sort %parallel_loop3A_816, %parallel_loop3A_818 masked %parallel_loop3A_819 {descending = true} : (vector<16xf32>, vector<16xi32>, vector<16xi1>) -> (vector<16xi1>, vector<16xf32>, vector<16xi32>)
      %parallel_loop3A_823 = arith.cmpf olt, %parallel_loop3A_821, %parallel_loop3A_751 : vector<16xf32>
      %parallel_loop3A_824 = arith.select %parallel_loop3A_823, %parallel_loop3A_821, %parallel_loop3A_751 : vector<16xi1>, vector<16xf32>
      %parallel_loop3A_825 = arith.select %parallel_loop3A_823, %parallel_loop3A_822, %parallel_loop3A_752 : vector<16xi1>, vector<16xi32>
      %parallel_loop3A_826 = arith.constant dense<true> : vector<16xi1>
      %parallel_loop3A_827, %parallel_loop3A_828, %parallel_loop3A_829 = tpu.sort %parallel_loop3A_824, %parallel_loop3A_825 masked %parallel_loop3A_826 : (vector<16xf32>, vector<16xi32>, vector<16xi1>) -> (vector<16xi1>, vector<16xf32>, vector<16xi32>)
      %parallel_loop3A_830 = arith.constant 1 : i32
      %parallel_loop3A_831 = arith.index_cast %parallel_loop3A_793 : i32 to index
      %parallel_loop3A_832 = arith.index_cast %parallel_loop3A_830 : i32 to index
      %parallel_loop3A_833 = arith.index_cast %parallel_loop3A_811 : i32 to index
      %parallel_loop3A_834 = tpu.vector_load %arg6[%parallel_loop3A_831, %parallel_loop3A_832, %parallel_loop3A_833] {strides = array<i32>} : memref<25x8x128xf32, #tpu.memory_space<vmem>>, vector<16xf32>,
      %parallel_loop3A_835 = vector.broadcast %parallel_loop3A_769 : i32 to vector<16xi32>
      %parallel_loop3A_836 = arith.addi %iota3A, %parallel_loop3A_835 : vector<16xi32>
      %parallel_loop3A_837 = arith.constant dense<true> : vector<16xi1>
      %parallel_loop3A_838, %parallel_loop3A_839, %parallel_loop3A_840 = tpu.sort %parallel_loop3A_834, %parallel_loop3A_836 masked %parallel_loop3A_837 {descending = true} : (vector<16xf32>, vector<16xi32>, vector<16xi1>) -> (vector<16xi1>, vector<16xf32>, vector<16xi32>)
      %parallel_loop3A_841 = arith.cmpf olt, %parallel_loop3A_839, %parallel_loop3A_753 : vector<16xf32>
      %parallel_loop3A_842 = arith.select %parallel_loop3A_841, %parallel_loop3A_839, %parallel_loop3A_753 : vector<16xi1>, vector<16xf32>
      %parallel_loop3A_843 = arith.select %parallel_loop3A_841, %parallel_loop3A_840, %parallel_loop3A_754 : vector<16xi1>, vector<16xi32>
      %parallel_loop3A_844 = arith.constant dense<true> : vector<16xi1>
      %parallel_loop3A_845, %parallel_loop3A_846, %parallel_loop3A_847 = tpu.sort %parallel_loop3A_842, %parallel_loop3A_843 masked %parallel_loop3A_844 : (vector<16xf32>, vector<16xi32>, vector<16xi1>) -> (vector<16xi1>, vector<16xf32>, vector<16xi32>)
      %parallel_loop3A_848 = arith.constant 2 : i32
      %parallel_loop3A_849 = arith.index_cast %parallel_loop3A_793 : i32 to index
      %parallel_loop3A_850 = arith.index_cast %parallel_loop3A_848 : i32 to index
      %parallel_loop3A_851 = arith.index_cast %parallel_loop3A_811 : i32 to index
      %parallel_loop3A_852 = tpu.vector_load %arg6[%parallel_loop3A_849, %parallel_loop3A_850, %parallel_loop3A_851] {strides = array<i32>} : memref<25x8x128xf32, #tpu.memory_space<vmem>>, vector<16xf32>,
      %parallel_loop3A_853 = vector.broadcast %parallel_loop3A_769 : i32 to vector<16xi32>
      %parallel_loop3A_854 = arith.addi %iota3A, %parallel_loop3A_853 : vector<16xi32>
      %parallel_loop3A_855 = arith.constant dense<true> : vector<16xi1>
      %parallel_loop3A_856, %parallel_loop3A_857, %parallel_loop3A_858 = tpu.sort %parallel_loop3A_852, %parallel_loop3A_854 masked %parallel_loop3A_855 {descending = true} : (vector<16xf32>, vector<16xi32>, vector<16xi1>) -> (vector<16xi1>, vector<16xf32>, vector<16xi32>)
      %parallel_loop3A_859 = arith.cmpf olt, %parallel_loop3A_857, %parallel_loop3A_755 : vector<16xf32>
      %parallel_loop3A_860 = arith.select %parallel_loop3A_859, %parallel_loop3A_857, %parallel_loop3A_755 : vector<16xi1>, vector<16xf32>
      %parallel_loop3A_861 = arith.select %parallel_loop3A_859, %parallel_loop3A_858, %parallel_loop3A_756 : vector<16xi1>, vector<16xi32>
      %parallel_loop3A_862 = arith.constant dense<true> : vector<16xi1>
      %parallel_loop3A_863, %parallel_loop3A_864, %parallel_loop3A_865 = tpu.sort %parallel_loop3A_860, %parallel_loop3A_861 masked %parallel_loop3A_862 : (vector<16xf32>, vector<16xi32>, vector<16xi1>) -> (vector<16xi1>, vector<16xf32>, vector<16xi32>)
      %parallel_loop3A_866 = arith.constant 3 : i32
      %parallel_loop3A_867 = arith.index_cast %parallel_loop3A_793 : i32 to index
      %parallel_loop3A_868 = arith.index_cast %parallel_loop3A_866 : i32 to index
      %parallel_loop3A_869 = arith.index_cast %parallel_loop3A_811 : i32 to index
      %parallel_loop3A_870 = tpu.vector_load %arg6[%parallel_loop3A_867, %parallel_loop3A_868, %parallel_loop3A_869] {strides = array<i32>} : memref<25x8x128xf32, #tpu.memory_space<vmem>>, vector<16xf32>,
      %parallel_loop3A_871 = vector.broadcast %parallel_loop3A_769 : i32 to vector<16xi32>
      %parallel_loop3A_872 = arith.addi %iota3A, %parallel_loop3A_871 : vector<16xi32>
      %parallel_loop3A_873 = arith.constant dense<true> : vector<16xi1>
      %parallel_loop3A_874, %parallel_loop3A_875, %parallel_loop3A_876 = tpu.sort %parallel_loop3A_870, %parallel_loop3A_872 masked %parallel_loop3A_873 {descending = true} : (vector<16xf32>, vector<16xi32>, vector<16xi1>) -> (vector<16xi1>, vector<16xf32>, vector<16xi32>)
      %parallel_loop3A_877 = arith.cmpf olt, %parallel_loop3A_875, %parallel_loop3A_757 : vector<16xf32>
      %parallel_loop3A_878 = arith.select %parallel_loop3A_877, %parallel_loop3A_875, %parallel_loop3A_757 : vector<16xi1>, vector<16xf32>
      %parallel_loop3A_879 = arith.select %parallel_loop3A_877, %parallel_loop3A_876, %parallel_loop3A_758 : vector<16xi1>, vector<16xi32>
      %parallel_loop3A_880 = arith.constant dense<true> : vector<16xi1>
      %parallel_loop3A_881, %parallel_loop3A_882, %parallel_loop3A_883 = tpu.sort %parallel_loop3A_878, %parallel_loop3A_879 masked %parallel_loop3A_880 : (vector<16xf32>, vector<16xi32>, vector<16xi1>) -> (vector<16xi1>, vector<16xf32>, vector<16xi32>)
      %parallel_loop3A_884 = arith.constant 4 : i32
      %parallel_loop3A_885 = arith.index_cast %parallel_loop3A_793 : i32 to index
      %parallel_loop3A_886 = arith.index_cast %parallel_loop3A_884 : i32 to index
      %parallel_loop3A_887 = arith.index_cast %parallel_loop3A_811 : i32 to index
      %parallel_loop3A_888 = tpu.vector_load %arg6[%parallel_loop3A_885, %parallel_loop3A_886, %parallel_loop3A_887] {strides = array<i32>} : memref<25x8x128xf32, #tpu.memory_space<vmem>>, vector<16xf32>,
      %parallel_loop3A_889 = vector.broadcast %parallel_loop3A_769 : i32 to vector<16xi32>
      %parallel_loop3A_890 = arith.addi %iota3A, %parallel_loop3A_889 : vector<16xi32>
      %parallel_loop3A_891 = arith.constant dense<true> : vector<16xi1>
      %parallel_loop3A_892, %parallel_loop3A_893, %parallel_loop3A_894 = tpu.sort %parallel_loop3A_888, %parallel_loop3A_890 masked %parallel_loop3A_891 {descending = true} : (vector<16xf32>, vector<16xi32>, vector<16xi1>) -> (vector<16xi1>, vector<16xf32>, vector<16xi32>)
      %parallel_loop3A_895 = arith.cmpf olt, %parallel_loop3A_893, %parallel_loop3A_759 : vector<16xf32>
      %parallel_loop3A_896 = arith.select %parallel_loop3A_895, %parallel_loop3A_893, %parallel_loop3A_759 : vector<16xi1>, vector<16xf32>
      %parallel_loop3A_897 = arith.select %parallel_loop3A_895, %parallel_loop3A_894, %parallel_loop3A_760 : vector<16xi1>, vector<16xi32>
      %parallel_loop3A_898 = arith.constant dense<true> : vector<16xi1>
      %parallel_loop3A_899, %parallel_loop3A_900, %parallel_loop3A_901 = tpu.sort %parallel_loop3A_896, %parallel_loop3A_897 masked %parallel_loop3A_898 : (vector<16xf32>, vector<16xi32>, vector<16xi1>) -> (vector<16xi1>, vector<16xf32>, vector<16xi32>)
      %parallel_loop3A_902 = arith.constant 5 : i32
      %parallel_loop3A_903 = arith.index_cast %parallel_loop3A_793 : i32 to index
      %parallel_loop3A_904 = arith.index_cast %parallel_loop3A_902 : i32 to index
      %parallel_loop3A_905 = arith.index_cast %parallel_loop3A_811 : i32 to index
      %parallel_loop3A_906 = tpu.vector_load %arg6[%parallel_loop3A_903, %parallel_loop3A_904, %parallel_loop3A_905] {strides = array<i32>} : memref<25x8x128xf32, #tpu.memory_space<vmem>>, vector<16xf32>,
      %parallel_loop3A_907 = vector.broadcast %parallel_loop3A_769 : i32 to vector<16xi32>
      %parallel_loop3A_908 = arith.addi %iota3A, %parallel_loop3A_907 : vector<16xi32>
      %parallel_loop3A_909 = arith.constant dense<true> : vector<16xi1>
      %parallel_loop3A_910, %parallel_loop3A_911, %parallel_loop3A_912 = tpu.sort %parallel_loop3A_906, %parallel_loop3A_908 masked %parallel_loop3A_909 {descending = true} : (vector<16xf32>, vector<16xi32>, vector<16xi1>) -> (vector<16xi1>, vector<16xf32>, vector<16xi32>)
      %parallel_loop3A_913 = arith.cmpf olt, %parallel_loop3A_911, %parallel_loop3A_761 : vector<16xf32>
      %parallel_loop3A_914 = arith.select %parallel_loop3A_913, %parallel_loop3A_911, %parallel_loop3A_761 : vector<16xi1>, vector<16xf32>
      %parallel_loop3A_915 = arith.select %parallel_loop3A_913, %parallel_loop3A_912, %parallel_loop3A_762 : vector<16xi1>, vector<16xi32>
      %parallel_loop3A_916 = arith.constant dense<true> : vector<16xi1>
      %parallel_loop3A_917, %parallel_loop3A_918, %parallel_loop3A_919 = tpu.sort %parallel_loop3A_914, %parallel_loop3A_915 masked %parallel_loop3A_916 : (vector<16xf32>, vector<16xi32>, vector<16xi1>) -> (vector<16xi1>, vector<16xf32>, vector<16xi32>)
      %parallel_loop3A_920 = arith.constant 6 : i32
      %parallel_loop3A_921 = arith.index_cast %parallel_loop3A_793 : i32 to index
      %parallel_loop3A_922 = arith.index_cast %parallel_loop3A_920 : i32 to index
      %parallel_loop3A_923 = arith.index_cast %parallel_loop3A_811 : i32 to index
      %parallel_loop3A_924 = tpu.vector_load %arg6[%parallel_loop3A_921, %parallel_loop3A_922, %parallel_loop3A_923] {strides = array<i32>} : memref<25x8x128xf32, #tpu.memory_space<vmem>>, vector<16xf32>,
      %parallel_loop3A_925 = vector.broadcast %parallel_loop3A_769 : i32 to vector<16xi32>
      %parallel_loop3A_926 = arith.addi %iota3A, %parallel_loop3A_925 : vector<16xi32>
      %parallel_loop3A_927 = arith.constant dense<true> : vector<16xi1>
      %parallel_loop3A_928, %parallel_loop3A_929, %parallel_loop3A_930 = tpu.sort %parallel_loop3A_924, %parallel_loop3A_926 masked %parallel_loop3A_927 {descending = true} : (vector<16xf32>, vector<16xi32>, vector<16xi1>) -> (vector<16xi1>, vector<16xf32>, vector<16xi32>)
      %parallel_loop3A_931 = arith.cmpf olt, %parallel_loop3A_929, %parallel_loop3A_763 : vector<16xf32>
      %parallel_loop3A_932 = arith.select %parallel_loop3A_931, %parallel_loop3A_929, %parallel_loop3A_763 : vector<16xi1>, vector<16xf32>
      %parallel_loop3A_933 = arith.select %parallel_loop3A_931, %parallel_loop3A_930, %parallel_loop3A_764 : vector<16xi1>, vector<16xi32>
      %parallel_loop3A_934 = arith.constant dense<true> : vector<16xi1>
      %parallel_loop3A_935, %parallel_loop3A_936, %parallel_loop3A_937 = tpu.sort %parallel_loop3A_932, %parallel_loop3A_933 masked %parallel_loop3A_934 : (vector<16xf32>, vector<16xi32>, vector<16xi1>) -> (vector<16xi1>, vector<16xf32>, vector<16xi32>)
      %parallel_loop3A_938 = arith.constant 7 : i32
      %parallel_loop3A_939 = arith.index_cast %parallel_loop3A_793 : i32 to index
      %parallel_loop3A_940 = arith.index_cast %parallel_loop3A_938 : i32 to index
      %parallel_loop3A_941 = arith.index_cast %parallel_loop3A_811 : i32 to index
      %parallel_loop3A_942 = tpu.vector_load %arg6[%parallel_loop3A_939, %parallel_loop3A_940, %parallel_loop3A_941] {strides = array<i32>} : memref<25x8x128xf32, #tpu.memory_space<vmem>>, vector<16xf32>,
      %parallel_loop3A_943 = vector.broadcast %parallel_loop3A_769 : i32 to vector<16xi32>
      %parallel_loop3A_944 = arith.addi %iota3A, %parallel_loop3A_943 : vector<16xi32>
      %parallel_loop3A_945 = arith.constant dense<true> : vector<16xi1>
      %parallel_loop3A_946, %parallel_loop3A_947, %parallel_loop3A_948 = tpu.sort %parallel_loop3A_942, %parallel_loop3A_944 masked %parallel_loop3A_945 {descending = true} : (vector<16xf32>, vector<16xi32>, vector<16xi1>) -> (vector<16xi1>, vector<16xf32>, vector<16xi32>)
      %parallel_loop3A_949 = arith.cmpf olt, %parallel_loop3A_947, %parallel_loop3A_765 : vector<16xf32>
      %parallel_loop3A_950 = arith.select %parallel_loop3A_949, %parallel_loop3A_947, %parallel_loop3A_765 : vector<16xi1>, vector<16xf32>
      %parallel_loop3A_951 = arith.select %parallel_loop3A_949, %parallel_loop3A_948, %parallel_loop3A_766 : vector<16xi1>, vector<16xi32>
      %parallel_loop3A_952 = arith.constant dense<true> : vector<16xi1>
      %parallel_loop3A_953, %parallel_loop3A_954, %parallel_loop3A_955 = tpu.sort %parallel_loop3A_950, %parallel_loop3A_951 masked %parallel_loop3A_952 : (vector<16xf32>, vector<16xi32>, vector<16xi1>) -> (vector<16xi1>, vector<16xf32>, vector<16xi32>)
      scf.yield %parallel_loop3A_828, %parallel_loop3A_829, %parallel_loop3A_846, %parallel_loop3A_847, %parallel_loop3A_864, %parallel_loop3A_865, %parallel_loop3A_882, %parallel_loop3A_883, %parallel_loop3A_900, %parallel_loop3A_901, %parallel_loop3A_918, %parallel_loop3A_919, %parallel_loop3A_936, %parallel_loop3A_937, %parallel_loop3A_954, %parallel_loop3A_955 : vector<16xf32>, vector<16xi32>, vector<16xf32>, vector<16xi32>, vector<16xf32>, vector<16xi32>, vector<16xf32>, vector<16xi32>, vector<16xf32>, vector<16xi32>, vector<16xf32>, vector<16xi32>, vector<16xf32>, vector<16xi32>, vector<16xf32>, vector<16xi32>
    } {sc.loop_unroll_factor = 4 : i64, sc.parallel_access}
    %swap3A = arith.constant 0 : index
    %swap3A_11 = tpu.vector_load %arg7[%swap3A] {strides = array<i32>} : memref<16xi32, #tpu.memory_space<vmem>>, vector<16xi32>,
    tpu.vector_store %arg7[%swap3A], %parallel_loop3A_10#1 {strides = array<i32>} : memref<16xi32, #tpu.memory_space<vmem>>, vector<16xi32>,
    %jit3A = arith.constant 6400 : i32
    %div3A = vector.broadcast %jit3A : i32 to vector<16xi32>
    %div3A_12 = arith.divsi %parallel_loop3A_10#1, %div3A : vector<16xi32>
    %sign3A = arith.constant 0 : i32
    %sign3A_13 = vector.broadcast %sign3A : i32 to vector<16xi32>
    %sign3A_14 = arith.cmpi sgt, %parallel_loop3A_10#1, %sign3A_13 : vector<16xi32>
    %sign3A_15 = arith.extui %sign3A_14 : vector<16xi1> to vector<16xi32>
    %sign3A_16 = arith.constant 0 : i32
    %sign3A_17 = vector.broadcast %sign3A_16 : i32 to vector<16xi32>
    %sign3A_18 = arith.cmpi slt, %parallel_loop3A_10#1, %sign3A_17 : vector<16xi32>
    %sign3A_19 = arith.extui %sign3A_18 : vector<16xi1> to vector<16xi32>
    %sign3A_20 = arith.subi %sign3A_15, %sign3A_19 : vector<16xi32>
    %sign3A_21 = arith.constant 0 : i32
    %sign3A_22 = arith.cmpi sgt, %jit3A, %sign3A_21 : i32
    %sign3A_23 = arith.extui %sign3A_22 : i1 to i32
    %sign3A_24 = arith.constant 0 : i32
    %sign3A_25 = arith.cmpi slt, %jit3A, %sign3A_24 : i32
    %sign3A_26 = arith.extui %sign3A_25 : i1 to i32
    %sign3A_27 = arith.subi %sign3A_23, %sign3A_26 : i32
    %ne3A = vector.broadcast %sign3A_27 : i32 to vector<16xi32>
    %ne3A_28 = arith.cmpi ne, %sign3A_20, %ne3A : vector<16xi32>
    %rem3A = vector.broadcast %jit3A : i32 to vector<16xi32>
    %rem3A_29 = arith.remsi %parallel_loop3A_10#1, %rem3A : vector<16xi32>
    %ne3A_30 = arith.constant 0 : i32
    %ne3A_31 = vector.broadcast %ne3A_30 : i32 to vector<16xi32>
    %ne3A_32 = arith.cmpi ne, %rem3A_29, %ne3A_31 : vector<16xi32>
    %and3A = arith.andi %ne3A_28, %ne3A_32 : vector<16xi1>
    %sub3A = arith.constant 1 : i32
    %sub3A_33 = vector.broadcast %sub3A : i32 to vector<16xi32>
    %sub3A_34 = arith.subi %div3A_12, %sub3A_33 : vector<16xi32>
    %select_n3A = arith.select %and3A, %sub3A_34, %div3A_12 : vector<16xi1>, vector<16xi32>
    %mul3A_35 = arith.constant 3200 : i32
    %mul3A_36 = vector.broadcast %mul3A_35 : i32 to vector<16xi32>
    %mul3A_37 = arith.muli %select_n3A, %mul3A_36 : vector<16xi32>
    %rem3A_38 = arith.constant 3200 : i32
    %rem3A_39 = vector.broadcast %rem3A_38 : i32 to vector<16xi32>
    %rem3A_40 = arith.remsi %parallel_loop3A_10#1, %rem3A_39 : vector<16xi32>
    %add3A_41 = arith.addi %mul3A_37, %rem3A_40 : vector<16xi32>
    %dma_start3A = arith.constant 0 : i32
    %dma_start3A_42 = arith.constant 0 : i32
    %dma_start3A_43 = tpu.memref_slice %arg3[%dma_start3A, %dma_start3A_42] : memref<51200x128xf32, #tpu.memory_space<hbm>> -> memref<51200x128xf32, #tpu.memory_space<hbm>>
    tpu.enqueue_indirect_dma source(%dma_start3A_43 : memref<51200x128xf32, #tpu.memory_space<hbm>>) target(%arg8 : memref<16x128xf32, #tpu.memory_space<vmem>>) offsets(%add3A_41 : vector<16xi32>) semaphore(%arg9 : memref<!tpu.dma_semaphore, #tpu.memory_space<semaphore_mem>>)
    %dma_wait3A = arith.constant 0 : i32
    %dma_wait3A_44 = arith.constant 0 : i32
    %dma_wait3A_45 = tpu.memref_slice %arg3[%dma_wait3A, %dma_wait3A_44] : memref<51200x128xf32, #tpu.memory_space<hbm>> -> memref<51200x128xf32, #tpu.memory_space<hbm>>
    tpu.wait_indirect_dma semaphore(%arg9 : memref<!tpu.dma_semaphore, #tpu.memory_space<semaphore_mem>>) src(%dma_wait3A_45 : memref<51200x128xf32, #tpu.memory_space<hbm>>) dst(%arg8 : memref<16x128xf32, #tpu.memory_space<vmem>>)
    %mul3A_46 = arith.constant 16 : i32
    %mul3A_47 = arith.muli %add3A, %mul3A_46 : i32
    %add3A_48 = arith.constant 0 : i32
    %add3A_49 = arith.addi %add3A_48, %mul3A_47 : i32
    "tpu.region"() ({
      %run_scoped3A = tpu.sem_alloc : memref<!tpu.dma_semaphore, #tpu.memory_space<semaphore_mem>>
      %dma_start3A_750 = arith.constant 0 : i32
      %dma_start3A_751 = tpu.memref_slice %arg4[%add3A_49, %dma_start3A_750] : memref<4096x128xf32, #tpu.memory_space<hbm>> -> memref<16x128xf32, #tpu.memory_space<hbm>>
      %dma_start3A_752 = arith.constant 0 : i32
      %dma_start3A_753 = tpu.memref_slice %arg4[%add3A_49, %dma_start3A_752] : memref<4096x128xf32, #tpu.memory_space<hbm>> -> memref<16x128xf32, #tpu.memory_space<hbm>>
      tpu.enqueue_dma source(%arg8 : memref<16x128xf32, #tpu.memory_space<vmem>>) target(%dma_start3A_753 : memref<16x128xf32, #tpu.memory_space<hbm>>) target_semaphore(%run_scoped3A : memref<!tpu.dma_semaphore, #tpu.memory_space<semaphore_mem>>)
      %dma_wait3A_754 = arith.constant 0 : i32
      %dma_wait3A_755 = tpu.memref_slice %arg4[%add3A_49, %dma_wait3A_754] : memref<4096x128xf32, #tpu.memory_space<hbm>> -> memref<16x128xf32, #tpu.memory_space<hbm>>
      %dma_wait3A_756 = arith.constant 0 : i32
      %dma_wait3A_757 = tpu.memref_slice %arg4[%add3A_49, %dma_wait3A_756] : memref<4096x128xf32, #tpu.memory_space<hbm>> -> memref<16x128xf32, #tpu.memory_space<hbm>>
      tpu.wait_dma2 semaphore(%run_scoped3A : memref<!tpu.dma_semaphore, #tpu.memory_space<semaphore_mem>>) src(%arg8 : memref<16x128xf32, #tpu.memory_space<vmem>>) dst(%dma_wait3A_757 : memref<16x128xf32, #tpu.memory_space<hbm>>)
      tpu.yield
    }) : () -> ()
    %jit3A_50 = arith.constant 8 : i32
    %div3A_51 = arith.divsi %add3A, %jit3A_50 : i32
    %sign3A_52 = arith.constant 0 : i32
    %sign3A_53 = arith.cmpi sgt, %add3A, %sign3A_52 : i32
    %sign3A_54 = arith.extui %sign3A_53 : i1 to i32
    %sign3A_55 = arith.constant 0 : i32
    %sign3A_56 = arith.cmpi slt, %add3A, %sign3A_55 : i32
    %sign3A_57 = arith.extui %sign3A_56 : i1 to i32
    %sign3A_58 = arith.subi %sign3A_54, %sign3A_57 : i32
    %sign3A_59 = arith.constant 0 : i32
    %sign3A_60 = arith.cmpi sgt, %jit3A_50, %sign3A_59 : i32
    %sign3A_61 = arith.extui %sign3A_60 : i1 to i32
    %sign3A_62 = arith.constant 0 : i32
    %sign3A_63 = arith.cmpi slt, %jit3A_50, %sign3A_62 : i32
    %sign3A_64 = arith.extui %sign3A_63 : i1 to i32
    %sign3A_65 = arith.subi %sign3A_61, %sign3A_64 : i32
    %ne3A_66 = arith.cmpi ne, %sign3A_58, %sign3A_65 : i32
    %rem3A_67 = arith.remsi %add3A, %jit3A_50 : i32
    %ne3A_68 = arith.constant 0 : i32
    %ne3A_69 = arith.cmpi ne, %rem3A_67, %ne3A_68 : i32
    %and3A_70 = arith.andi %ne3A_66, %ne3A_69 : i1
    %sub3A_71 = arith.constant 1 : i32
    %sub3A_72 = arith.subi %div3A_51, %sub3A_71 : i32
    %select_n3A_73 = arith.select %and3A_70, %sub3A_72, %div3A_51 : i32
    %add3A_74 = arith.constant 0 : i32
    %add3A_75 = arith.addi %add3A_74, %select_n3A_73 : i32
    %jit3A_76 = arith.constant 8 : i32
    %eq3A = arith.constant 0 : i32
    %eq3A_77 = arith.cmpi eq, %jit3A_76, %eq3A : i32
    %jit3A_78 = arith.constant 1 : i32
    %select_n3A_79 = arith.select %eq3A_77, %jit3A_78, %jit3A_76 : i32
    %rem3A_80 = arith.remsi %add3A, %select_n3A_79 : i32
    %ne3A_81 = arith.constant 0 : i32
    %ne3A_82 = arith.cmpi ne, %rem3A_80, %ne3A_81 : i32
    %lt3A = arith.constant 0 : i32
    %lt3A_83 = arith.cmpi slt, %rem3A_80, %lt3A : i32
    %lt3A_84 = arith.constant 0 : i32
    %lt3A_85 = arith.cmpi slt, %select_n3A_79, %lt3A_84 : i32
    %ne3A_86 = arith.xori %lt3A_83, %lt3A_85 : i1
    %and3A_87 = arith.andi %ne3A_86, %ne3A_82 : i1
    %add3A_88 = arith.addi %rem3A_80, %select_n3A_79 : i32
    %select_n3A_89 = arith.select %and3A_87, %add3A_88, %rem3A_80 : i32
    %mul3A_90 = arith.constant 16 : i32
    %mul3A_91 = arith.muli %select_n3A_89, %mul3A_90 : i32
    "tpu.region"() ({
      %run_scoped3A = tpu.sem_alloc : memref<!tpu.dma_semaphore, #tpu.memory_space<semaphore_mem>>
      %dma_start3A_750 = tpu.memref_slice %arg5[%add3A_75, %mul3A_91] : memref<32x128xi32, #tpu.memory_space<hbm>> -> memref<1x16xi32, #tpu.memory_space<hbm>>
      %dma_start3A_751 = tpu.memref_squeeze %dma_start3A_750 : memref<1x16xi32, #tpu.memory_space<hbm>> -> memref<16xi32, #tpu.memory_space<hbm>>
      %dma_start3A_752 = tpu.memref_slice %arg5[%add3A_75, %mul3A_91] : memref<32x128xi32, #tpu.memory_space<hbm>> -> memref<1x16xi32, #tpu.memory_space<hbm>>
      %dma_start3A_753 = tpu.memref_squeeze %dma_start3A_752 : memref<1x16xi32, #tpu.memory_space<hbm>> -> memref<16xi32, #tpu.memory_space<hbm>>
      tpu.enqueue_dma source(%arg7 : memref<16xi32, #tpu.memory_space<vmem>>) target(%dma_start3A_753 : memref<16xi32, #tpu.memory_space<hbm>>) target_semaphore(%run_scoped3A : memref<!tpu.dma_semaphore, #tpu.memory_space<semaphore_mem>>)
      %dma_wait3A_754 = tpu.memref_slice %arg5[%add3A_75, %mul3A_91] : memref<32x128xi32, #tpu.memory_space<hbm>> -> memref<1x16xi32, #tpu.memory_space<hbm>>
      %dma_wait3A_755 = tpu.memref_squeeze %dma_wait3A_754 : memref<1x16xi32, #tpu.memory_space<hbm>> -> memref<16xi32, #tpu.memory_space<hbm>>
      %dma_wait3A_756 = tpu.memref_slice %arg5[%add3A_75, %mul3A_91] : memref<32x128xi32, #tpu.memory_space<hbm>> -> memref<1x16xi32, #tpu.memory_space<hbm>>
      %dma_wait3A_757 = tpu.memref_squeeze %dma_wait3A_756 : memref<1x16xi32, #tpu.memory_space<hbm>> -> memref<16xi32, #tpu.memory_space<hbm>>
      tpu.wait_dma2 semaphore(%run_scoped3A : memref<!tpu.dma_semaphore, #tpu.memory_space<semaphore_mem>>) src(%arg7 : memref<16xi32, #tpu.memory_space<vmem>>) dst(%dma_wait3A_757 : memref<16xi32, #tpu.memory_space<hbm>>)
      tpu.yield
    }) : () -> ()
    %swap3A_92 = arith.constant 0 : index
    %swap3A_93 = tpu.vector_load %arg7[%swap3A_92] {strides = array<i32>} : memref<16xi32, #tpu.memory_space<vmem>>, vector<16xi32>,
    tpu.vector_store %arg7[%swap3A_92], %parallel_loop3A_10#3 {strides = array<i32>} : memref<16xi32, #tpu.memory_space<vmem>>, vector<16xi32>,
    %jit3A_94 = arith.constant 6400 : i32
    %div3A_95 = vector.broadcast %jit3A_94 : i32 to vector<16xi32>
    %div3A_96 = arith.divsi %parallel_loop3A_10#3, %div3A_95 : vector<16xi32>
    %sign3A_97 = arith.constant 0 : i32
    %sign3A_98 = vector.broadcast %sign3A_97 : i32 to vector<16xi32>
    %sign3A_99 = arith.cmpi sgt, %parallel_loop3A_10#3, %sign3A_98 : vector<16xi32>
    %sign3A_100 = arith.extui %sign3A_99 : vector<16xi1> to vector<16xi32>
    %sign3A_101 = arith.constant 0 : i32
    %sign3A_102 = vector.broadcast %sign3A_101 : i32 to vector<16xi32>
    %sign3A_103 = arith.cmpi slt, %parallel_loop3A_10#3, %sign3A_102 : vector<16xi32>
    %sign3A_104 = arith.extui %sign3A_103 : vector<16xi1> to vector<16xi32>
    %sign3A_105 = arith.subi %sign3A_100, %sign3A_104 : vector<16xi32>
    %sign3A_106 = arith.constant 0 : i32
    %sign3A_107 = arith.cmpi sgt, %jit3A_94, %sign3A_106 : i32
    %sign3A_108 = arith.extui %sign3A_107 : i1 to i32
    %sign3A_109 = arith.constant 0 : i32
    %sign3A_110 = arith.cmpi slt, %jit3A_94, %sign3A_109 : i32
    %sign3A_111 = arith.extui %sign3A_110 : i1 to i32
    %sign3A_112 = arith.subi %sign3A_108, %sign3A_111 : i32
    %ne3A_113 = vector.broadcast %sign3A_112 : i32 to vector<16xi32>
    %ne3A_114 = arith.cmpi ne, %sign3A_105, %ne3A_113 : vector<16xi32>
    %rem3A_115 = vector.broadcast %jit3A_94 : i32 to vector<16xi32>
    %rem3A_116 = arith.remsi %parallel_loop3A_10#3, %rem3A_115 : vector<16xi32>
    %ne3A_117 = arith.constant 0 : i32
    %ne3A_118 = vector.broadcast %ne3A_117 : i32 to vector<16xi32>
    %ne3A_119 = arith.cmpi ne, %rem3A_116, %ne3A_118 : vector<16xi32>
    %and3A_120 = arith.andi %ne3A_114, %ne3A_119 : vector<16xi1>
    %sub3A_121 = arith.constant 1 : i32
    %sub3A_122 = vector.broadcast %sub3A_121 : i32 to vector<16xi32>
    %sub3A_123 = arith.subi %div3A_96, %sub3A_122 : vector<16xi32>
    %select_n3A_124 = arith.select %and3A_120, %sub3A_123, %div3A_96 : vector<16xi1>, vector<16xi32>
    %mul3A_125 = arith.constant 3200 : i32
    %mul3A_126 = vector.broadcast %mul3A_125 : i32 to vector<16xi32>
    %mul3A_127 = arith.muli %select_n3A_124, %mul3A_126 : vector<16xi32>
    %rem3A_128 = arith.constant 3200 : i32
    %rem3A_129 = vector.broadcast %rem3A_128 : i32 to vector<16xi32>
    %rem3A_130 = arith.remsi %parallel_loop3A_10#3, %rem3A_129 : vector<16xi32>
    %add3A_131 = arith.addi %mul3A_127, %rem3A_130 : vector<16xi32>
    %dma_start3A_132 = arith.constant 0 : i32
    %dma_start3A_133 = arith.constant 0 : i32
    %dma_start3A_134 = tpu.memref_slice %arg3[%dma_start3A_132, %dma_start3A_133] : memref<51200x128xf32, #tpu.memory_space<hbm>> -> memref<51200x128xf32, #tpu.memory_space<hbm>>
    tpu.enqueue_indirect_dma source(%dma_start3A_134 : memref<51200x128xf32, #tpu.memory_space<hbm>>) target(%arg8 : memref<16x128xf32, #tpu.memory_space<vmem>>) offsets(%add3A_131 : vector<16xi32>) semaphore(%arg9 : memref<!tpu.dma_semaphore, #tpu.memory_space<semaphore_mem>>)
    %dma_wait3A_135 = arith.constant 0 : i32
    %dma_wait3A_136 = arith.constant 0 : i32
    %dma_wait3A_137 = tpu.memref_slice %arg3[%dma_wait3A_135, %dma_wait3A_136] : memref<51200x128xf32, #tpu.memory_space<hbm>> -> memref<51200x128xf32, #tpu.memory_space<hbm>>
    tpu.wait_indirect_dma semaphore(%arg9 : memref<!tpu.dma_semaphore, #tpu.memory_space<semaphore_mem>>) src(%dma_wait3A_137 : memref<51200x128xf32, #tpu.memory_space<hbm>>) dst(%arg8 : memref<16x128xf32, #tpu.memory_space<vmem>>)
    %mul3A_138 = arith.constant 16 : i32
    %mul3A_139 = arith.muli %add3A, %mul3A_138 : i32
    %add3A_140 = arith.constant 512 : i32
    %add3A_141 = arith.addi %add3A_140, %mul3A_139 : i32
    "tpu.region"() ({
      %run_scoped3A = tpu.sem_alloc : memref<!tpu.dma_semaphore, #tpu.memory_space<semaphore_mem>>
      %dma_start3A_750 = arith.constant 0 : i32
      %dma_start3A_751 = tpu.memref_slice %arg4[%add3A_141, %dma_start3A_750] : memref<4096x128xf32, #tpu.memory_space<hbm>> -> memref<16x128xf32, #tpu.memory_space<hbm>>
      %dma_start3A_752 = arith.constant 0 : i32
      %dma_start3A_753 = tpu.memref_slice %arg4[%add3A_141, %dma_start3A_752] : memref<4096x128xf32, #tpu.memory_space<hbm>> -> memref<16x128xf32, #tpu.memory_space<hbm>>
      tpu.enqueue_dma source(%arg8 : memref<16x128xf32, #tpu.memory_space<vmem>>) target(%dma_start3A_753 : memref<16x128xf32, #tpu.memory_space<hbm>>) target_semaphore(%run_scoped3A : memref<!tpu.dma_semaphore, #tpu.memory_space<semaphore_mem>>)
      %dma_wait3A_754 = arith.constant 0 : i32
      %dma_wait3A_755 = tpu.memref_slice %arg4[%add3A_141, %dma_wait3A_754] : memref<4096x128xf32, #tpu.memory_space<hbm>> -> memref<16x128xf32, #tpu.memory_space<hbm>>
      %dma_wait3A_756 = arith.constant 0 : i32
      %dma_wait3A_757 = tpu.memref_slice %arg4[%add3A_141, %dma_wait3A_756] : memref<4096x128xf32, #tpu.memory_space<hbm>> -> memref<16x128xf32, #tpu.memory_space<hbm>>
      tpu.wait_dma2 semaphore(%run_scoped3A : memref<!tpu.dma_semaphore, #tpu.memory_space<semaphore_mem>>) src(%arg8 : memref<16x128xf32, #tpu.memory_space<vmem>>) dst(%dma_wait3A_757 : memref<16x128xf32, #tpu.memory_space<hbm>>)
      tpu.yield
    }) : () -> ()
    %jit3A_142 = arith.constant 8 : i32
    %div3A_143 = arith.divsi %add3A, %jit3A_142 : i32
    %sign3A_144 = arith.constant 0 : i32
    %sign3A_145 = arith.cmpi sgt, %add3A, %sign3A_144 : i32
    %sign3A_146 = arith.extui %sign3A_145 : i1 to i32
    %sign3A_147 = arith.constant 0 : i32
    %sign3A_148 = arith.cmpi slt, %add3A, %sign3A_147 : i32
    %sign3A_149 = arith.extui %sign3A_148 : i1 to i32
    %sign3A_150 = arith.subi %sign3A_146, %sign3A_149 : i32
    %sign3A_151 = arith.constant 0 : i32
    %sign3A_152 = arith.cmpi sgt, %jit3A_142, %sign3A_151 : i32
    %sign3A_153 = arith.extui %sign3A_152 : i1 to i32
    %sign3A_154 = arith.constant 0 : i32
    %sign3A_155 = arith.cmpi slt, %jit3A_142, %sign3A_154 : i32
    %sign3A_156 = arith.extui %sign3A_155 : i1 to i32
    %sign3A_157 = arith.subi %sign3A_153, %sign3A_156 : i32
    %ne3A_158 = arith.cmpi ne, %sign3A_150, %sign3A_157 : i32
    %rem3A_159 = arith.remsi %add3A, %jit3A_142 : i32
    %ne3A_160 = arith.constant 0 : i32
    %ne3A_161 = arith.cmpi ne, %rem3A_159, %ne3A_160 : i32
    %and3A_162 = arith.andi %ne3A_158, %ne3A_161 : i1
    %sub3A_163 = arith.constant 1 : i32
    %sub3A_164 = arith.subi %div3A_143, %sub3A_163 : i32
    %select_n3A_165 = arith.select %and3A_162, %sub3A_164, %div3A_143 : i32
    %add3A_166 = arith.constant 4 : i32
    %add3A_167 = arith.addi %add3A_166, %select_n3A_165 : i32
    %jit3A_168 = arith.constant 8 : i32
    %eq3A_169 = arith.constant 0 : i32
    %eq3A_170 = arith.cmpi eq, %jit3A_168, %eq3A_169 : i32
    %jit3A_171 = arith.constant 1 : i32
    %select_n3A_172 = arith.select %eq3A_170, %jit3A_171, %jit3A_168 : i32
    %rem3A_173 = arith.remsi %add3A, %select_n3A_172 : i32
    %ne3A_174 = arith.constant 0 : i32
    %ne3A_175 = arith.cmpi ne, %rem3A_173, %ne3A_174 : i32
    %lt3A_176 = arith.constant 0 : i32
    %lt3A_177 = arith.cmpi slt, %rem3A_173, %lt3A_176 : i32
    %lt3A_178 = arith.constant 0 : i32
    %lt3A_179 = arith.cmpi slt, %select_n3A_172, %lt3A_178 : i32
    %ne3A_180 = arith.xori %lt3A_177, %lt3A_179 : i1
    %and3A_181 = arith.andi %ne3A_180, %ne3A_175 : i1
    %add3A_182 = arith.addi %rem3A_173, %select_n3A_172 : i32
    %select_n3A_183 = arith.select %and3A_181, %add3A_182, %rem3A_173 : i32
    %mul3A_184 = arith.constant 16 : i32
    %mul3A_185 = arith.muli %select_n3A_183, %mul3A_184 : i32
    "tpu.region"() ({
      %run_scoped3A = tpu.sem_alloc : memref<!tpu.dma_semaphore, #tpu.memory_space<semaphore_mem>>
      %dma_start3A_750 = tpu.memref_slice %arg5[%add3A_167, %mul3A_185] : memref<32x128xi32, #tpu.memory_space<hbm>> -> memref<1x16xi32, #tpu.memory_space<hbm>>
      %dma_start3A_751 = tpu.memref_squeeze %dma_start3A_750 : memref<1x16xi32, #tpu.memory_space<hbm>> -> memref<16xi32, #tpu.memory_space<hbm>>
      %dma_start3A_752 = tpu.memref_slice %arg5[%add3A_167, %mul3A_185] : memref<32x128xi32, #tpu.memory_space<hbm>> -> memref<1x16xi32, #tpu.memory_space<hbm>>
      %dma_start3A_753 = tpu.memref_squeeze %dma_start3A_752 : memref<1x16xi32, #tpu.memory_space<hbm>> -> memref<16xi32, #tpu.memory_space<hbm>>
      tpu.enqueue_dma source(%arg7 : memref<16xi32, #tpu.memory_space<vmem>>) target(%dma_start3A_753 : memref<16xi32, #tpu.memory_space<hbm>>) target_semaphore(%run_scoped3A : memref<!tpu.dma_semaphore, #tpu.memory_space<semaphore_mem>>)
      %dma_wait3A_754 = tpu.memref_slice %arg5[%add3A_167, %mul3A_185] : memref<32x128xi32, #tpu.memory_space<hbm>> -> memref<1x16xi32, #tpu.memory_space<hbm>>
      %dma_wait3A_755 = tpu.memref_squeeze %dma_wait3A_754 : memref<1x16xi32, #tpu.memory_space<hbm>> -> memref<16xi32, #tpu.memory_space<hbm>>
      %dma_wait3A_756 = tpu.memref_slice %arg5[%add3A_167, %mul3A_185] : memref<32x128xi32, #tpu.memory_space<hbm>> -> memref<1x16xi32, #tpu.memory_space<hbm>>
      %dma_wait3A_757 = tpu.memref_squeeze %dma_wait3A_756 : memref<1x16xi32, #tpu.memory_space<hbm>> -> memref<16xi32, #tpu.memory_space<hbm>>
      tpu.wait_dma2 semaphore(%run_scoped3A : memref<!tpu.dma_semaphore, #tpu.memory_space<semaphore_mem>>) src(%arg7 : memref<16xi32, #tpu.memory_space<vmem>>) dst(%dma_wait3A_757 : memref<16xi32, #tpu.memory_space<hbm>>)
      tpu.yield
    }) : () -> ()
    %swap3A_186 = arith.constant 0 : index
    %swap3A_187 = tpu.vector_load %arg7[%swap3A_186] {strides = array<i32>} : memref<16xi32, #tpu.memory_space<vmem>>, vector<16xi32>,
    tpu.vector_store %arg7[%swap3A_186], %parallel_loop3A_10#5 {strides = array<i32>} : memref<16xi32, #tpu.memory_space<vmem>>, vector<16xi32>,
    %jit3A_188 = arith.constant 6400 : i32
    %div3A_189 = vector.broadcast %jit3A_188 : i32 to vector<16xi32>
    %div3A_190 = arith.divsi %parallel_loop3A_10#5, %div3A_189 : vector<16xi32>
    %sign3A_191 = arith.constant 0 : i32
    %sign3A_192 = vector.broadcast %sign3A_191 : i32 to vector<16xi32>
    %sign3A_193 = arith.cmpi sgt, %parallel_loop3A_10#5, %sign3A_192 : vector<16xi32>
    %sign3A_194 = arith.extui %sign3A_193 : vector<16xi1> to vector<16xi32>
    %sign3A_195 = arith.constant 0 : i32
    %sign3A_196 = vector.broadcast %sign3A_195 : i32 to vector<16xi32>
    %sign3A_197 = arith.cmpi slt, %parallel_loop3A_10#5, %sign3A_196 : vector<16xi32>
    %sign3A_198 = arith.extui %sign3A_197 : vector<16xi1> to vector<16xi32>
    %sign3A_199 = arith.subi %sign3A_194, %sign3A_198 : vector<16xi32>
    %sign3A_200 = arith.constant 0 : i32
    %sign3A_201 = arith.cmpi sgt, %jit3A_188, %sign3A_200 : i32
    %sign3A_202 = arith.extui %sign3A_201 : i1 to i32
    %sign3A_203 = arith.constant 0 : i32
    %sign3A_204 = arith.cmpi slt, %jit3A_188, %sign3A_203 : i32
    %sign3A_205 = arith.extui %sign3A_204 : i1 to i32
    %sign3A_206 = arith.subi %sign3A_202, %sign3A_205 : i32
    %ne3A_207 = vector.broadcast %sign3A_206 : i32 to vector<16xi32>
    %ne3A_208 = arith.cmpi ne, %sign3A_199, %ne3A_207 : vector<16xi32>
    %rem3A_209 = vector.broadcast %jit3A_188 : i32 to vector<16xi32>
    %rem3A_210 = arith.remsi %parallel_loop3A_10#5, %rem3A_209 : vector<16xi32>
    %ne3A_211 = arith.constant 0 : i32
    %ne3A_212 = vector.broadcast %ne3A_211 : i32 to vector<16xi32>
    %ne3A_213 = arith.cmpi ne, %rem3A_210, %ne3A_212 : vector<16xi32>
    %and3A_214 = arith.andi %ne3A_208, %ne3A_213 : vector<16xi1>
    %sub3A_215 = arith.constant 1 : i32
    %sub3A_216 = vector.broadcast %sub3A_215 : i32 to vector<16xi32>
    %sub3A_217 = arith.subi %div3A_190, %sub3A_216 : vector<16xi32>
    %select_n3A_218 = arith.select %and3A_214, %sub3A_217, %div3A_190 : vector<16xi1>, vector<16xi32>
    %mul3A_219 = arith.constant 3200 : i32
    %mul3A_220 = vector.broadcast %mul3A_219 : i32 to vector<16xi32>
    %mul3A_221 = arith.muli %select_n3A_218, %mul3A_220 : vector<16xi32>
    %rem3A_222 = arith.constant 3200 : i32
    %rem3A_223 = vector.broadcast %rem3A_222 : i32 to vector<16xi32>
    %rem3A_224 = arith.remsi %parallel_loop3A_10#5, %rem3A_223 : vector<16xi32>
    %add3A_225 = arith.addi %mul3A_221, %rem3A_224 : vector<16xi32>
    %dma_start3A_226 = arith.constant 0 : i32
    %dma_start3A_227 = arith.constant 0 : i32
    %dma_start3A_228 = tpu.memref_slice %arg3[%dma_start3A_226, %dma_start3A_227] : memref<51200x128xf32, #tpu.memory_space<hbm>> -> memref<51200x128xf32, #tpu.memory_space<hbm>>
    tpu.enqueue_indirect_dma source(%dma_start3A_228 : memref<51200x128xf32, #tpu.memory_space<hbm>>) target(%arg8 : memref<16x128xf32, #tpu.memory_space<vmem>>) offsets(%add3A_225 : vector<16xi32>) semaphore(%arg9 : memref<!tpu.dma_semaphore, #tpu.memory_space<semaphore_mem>>)
    %dma_wait3A_229 = arith.constant 0 : i32
    %dma_wait3A_230 = arith.constant 0 : i32
    %dma_wait3A_231 = tpu.memref_slice %arg3[%dma_wait3A_229, %dma_wait3A_230] : memref<51200x128xf32, #tpu.memory_space<hbm>> -> memref<51200x128xf32, #tpu.memory_space<hbm>>
    tpu.wait_indirect_dma semaphore(%arg9 : memref<!tpu.dma_semaphore, #tpu.memory_space<semaphore_mem>>) src(%dma_wait3A_231 : memref<51200x128xf32, #tpu.memory_space<hbm>>) dst(%arg8 : memref<16x128xf32, #tpu.memory_space<vmem>>)
    %mul3A_232 = arith.constant 16 : i32
    %mul3A_233 = arith.muli %add3A, %mul3A_232 : i32
    %add3A_234 = arith.constant 1024 : i32
    %add3A_235 = arith.addi %add3A_234, %mul3A_233 : i32
    "tpu.region"() ({
      %run_scoped3A = tpu.sem_alloc : memref<!tpu.dma_semaphore, #tpu.memory_space<semaphore_mem>>
      %dma_start3A_750 = arith.constant 0 : i32
      %dma_start3A_751 = tpu.memref_slice %arg4[%add3A_235, %dma_start3A_750] : memref<4096x128xf32, #tpu.memory_space<hbm>> -> memref<16x128xf32, #tpu.memory_space<hbm>>
      %dma_start3A_752 = arith.constant 0 : i32
      %dma_start3A_753 = tpu.memref_slice %arg4[%add3A_235, %dma_start3A_752] : memref<4096x128xf32, #tpu.memory_space<hbm>> -> memref<16x128xf32, #tpu.memory_space<hbm>>
      tpu.enqueue_dma source(%arg8 : memref<16x128xf32, #tpu.memory_space<vmem>>) target(%dma_start3A_753 : memref<16x128xf32, #tpu.memory_space<hbm>>) target_semaphore(%run_scoped3A : memref<!tpu.dma_semaphore, #tpu.memory_space<semaphore_mem>>)
      %dma_wait3A_754 = arith.constant 0 : i32
      %dma_wait3A_755 = tpu.memref_slice %arg4[%add3A_235, %dma_wait3A_754] : memref<4096x128xf32, #tpu.memory_space<hbm>> -> memref<16x128xf32, #tpu.memory_space<hbm>>
      %dma_wait3A_756 = arith.constant 0 : i32
      %dma_wait3A_757 = tpu.memref_slice %arg4[%add3A_235, %dma_wait3A_756] : memref<4096x128xf32, #tpu.memory_space<hbm>> -> memref<16x128xf32, #tpu.memory_space<hbm>>
      tpu.wait_dma2 semaphore(%run_scoped3A : memref<!tpu.dma_semaphore, #tpu.memory_space<semaphore_mem>>) src(%arg8 : memref<16x128xf32, #tpu.memory_space<vmem>>) dst(%dma_wait3A_757 : memref<16x128xf32, #tpu.memory_space<hbm>>)
      tpu.yield
    }) : () -> ()
    %jit3A_236 = arith.constant 8 : i32
    %div3A_237 = arith.divsi %add3A, %jit3A_236 : i32
    %sign3A_238 = arith.constant 0 : i32
    %sign3A_239 = arith.cmpi sgt, %add3A, %sign3A_238 : i32
    %sign3A_240 = arith.extui %sign3A_239 : i1 to i32
    %sign3A_241 = arith.constant 0 : i32
    %sign3A_242 = arith.cmpi slt, %add3A, %sign3A_241 : i32
    %sign3A_243 = arith.extui %sign3A_242 : i1 to i32
    %sign3A_244 = arith.subi %sign3A_240, %sign3A_243 : i32
    %sign3A_245 = arith.constant 0 : i32
    %sign3A_246 = arith.cmpi sgt, %jit3A_236, %sign3A_245 : i32
    %sign3A_247 = arith.extui %sign3A_246 : i1 to i32
    %sign3A_248 = arith.constant 0 : i32
    %sign3A_249 = arith.cmpi slt, %jit3A_236, %sign3A_248 : i32
    %sign3A_250 = arith.extui %sign3A_249 : i1 to i32
    %sign3A_251 = arith.subi %sign3A_247, %sign3A_250 : i32
    %ne3A_252 = arith.cmpi ne, %sign3A_244, %sign3A_251 : i32
    %rem3A_253 = arith.remsi %add3A, %jit3A_236 : i32
    %ne3A_254 = arith.constant 0 : i32
    %ne3A_255 = arith.cmpi ne, %rem3A_253, %ne3A_254 : i32
    %and3A_256 = arith.andi %ne3A_252, %ne3A_255 : i1
    %sub3A_257 = arith.constant 1 : i32
    %sub3A_258 = arith.subi %div3A_237, %sub3A_257 : i32
    %select_n3A_259 = arith.select %and3A_256, %sub3A_258, %div3A_237 : i32
    %add3A_260 = arith.constant 8 : i32
    %add3A_261 = arith.addi %add3A_260, %select_n3A_259 : i32
    %jit3A_262 = arith.constant 8 : i32
    %eq3A_263 = arith.constant 0 : i32
    %eq3A_264 = arith.cmpi eq, %jit3A_262, %eq3A_263 : i32
    %jit3A_265 = arith.constant 1 : i32
    %select_n3A_266 = arith.select %eq3A_264, %jit3A_265, %jit3A_262 : i32
    %rem3A_267 = arith.remsi %add3A, %select_n3A_266 : i32
    %ne3A_268 = arith.constant 0 : i32
    %ne3A_269 = arith.cmpi ne, %rem3A_267, %ne3A_268 : i32
    %lt3A_270 = arith.constant 0 : i32
    %lt3A_271 = arith.cmpi slt, %rem3A_267, %lt3A_270 : i32
    %lt3A_272 = arith.constant 0 : i32
    %lt3A_273 = arith.cmpi slt, %select_n3A_266, %lt3A_272 : i32
    %ne3A_274 = arith.xori %lt3A_271, %lt3A_273 : i1
    %and3A_275 = arith.andi %ne3A_274, %ne3A_269 : i1
    %add3A_276 = arith.addi %rem3A_267, %select_n3A_266 : i32
    %select_n3A_277 = arith.select %and3A_275, %add3A_276, %rem3A_267 : i32
    %mul3A_278 = arith.constant 16 : i32
    %mul3A_279 = arith.muli %select_n3A_277, %mul3A_278 : i32
    "tpu.region"() ({
      %run_scoped3A = tpu.sem_alloc : memref<!tpu.dma_semaphore, #tpu.memory_space<semaphore_mem>>
      %dma_start3A_750 = tpu.memref_slice %arg5[%add3A_261, %mul3A_279] : memref<32x128xi32, #tpu.memory_space<hbm>> -> memref<1x16xi32, #tpu.memory_space<hbm>>
      %dma_start3A_751 = tpu.memref_squeeze %dma_start3A_750 : memref<1x16xi32, #tpu.memory_space<hbm>> -> memref<16xi32, #tpu.memory_space<hbm>>
      %dma_start3A_752 = tpu.memref_slice %arg5[%add3A_261, %mul3A_279] : memref<32x128xi32, #tpu.memory_space<hbm>> -> memref<1x16xi32, #tpu.memory_space<hbm>>
      %dma_start3A_753 = tpu.memref_squeeze %dma_start3A_752 : memref<1x16xi32, #tpu.memory_space<hbm>> -> memref<16xi32, #tpu.memory_space<hbm>>
      tpu.enqueue_dma source(%arg7 : memref<16xi32, #tpu.memory_space<vmem>>) target(%dma_start3A_753 : memref<16xi32, #tpu.memory_space<hbm>>) target_semaphore(%run_scoped3A : memref<!tpu.dma_semaphore, #tpu.memory_space<semaphore_mem>>)
      %dma_wait3A_754 = tpu.memref_slice %arg5[%add3A_261, %mul3A_279] : memref<32x128xi32, #tpu.memory_space<hbm>> -> memref<1x16xi32, #tpu.memory_space<hbm>>
      %dma_wait3A_755 = tpu.memref_squeeze %dma_wait3A_754 : memref<1x16xi32, #tpu.memory_space<hbm>> -> memref<16xi32, #tpu.memory_space<hbm>>
      %dma_wait3A_756 = tpu.memref_slice %arg5[%add3A_261, %mul3A_279] : memref<32x128xi32, #tpu.memory_space<hbm>> -> memref<1x16xi32, #tpu.memory_space<hbm>>
      %dma_wait3A_757 = tpu.memref_squeeze %dma_wait3A_756 : memref<1x16xi32, #tpu.memory_space<hbm>> -> memref<16xi32, #tpu.memory_space<hbm>>
      tpu.wait_dma2 semaphore(%run_scoped3A : memref<!tpu.dma_semaphore, #tpu.memory_space<semaphore_mem>>) src(%arg7 : memref<16xi32, #tpu.memory_space<vmem>>) dst(%dma_wait3A_757 : memref<16xi32, #tpu.memory_space<hbm>>)
      tpu.yield
    }) : () -> ()
    %swap3A_280 = arith.constant 0 : index
    %swap3A_281 = tpu.vector_load %arg7[%swap3A_280] {strides = array<i32>} : memref<16xi32, #tpu.memory_space<vmem>>, vector<16xi32>,
    tpu.vector_store %arg7[%swap3A_280], %parallel_loop3A_10#7 {strides = array<i32>} : memref<16xi32, #tpu.memory_space<vmem>>, vector<16xi32>,
    %jit3A_282 = arith.constant 6400 : i32
    %div3A_283 = vector.broadcast %jit3A_282 : i32 to vector<16xi32>
    %div3A_284 = arith.divsi %parallel_loop3A_10#7, %div3A_283 : vector<16xi32>
    %sign3A_285 = arith.constant 0 : i32
    %sign3A_286 = vector.broadcast %sign3A_285 : i32 to vector<16xi32>
    %sign3A_287 = arith.cmpi sgt, %parallel_loop3A_10#7, %sign3A_286 : vector<16xi32>
    %sign3A_288 = arith.extui %sign3A_287 : vector<16xi1> to vector<16xi32>
    %sign3A_289 = arith.constant 0 : i32
    %sign3A_290 = vector.broadcast %sign3A_289 : i32 to vector<16xi32>
    %sign3A_291 = arith.cmpi slt, %parallel_loop3A_10#7, %sign3A_290 : vector<16xi32>
    %sign3A_292 = arith.extui %sign3A_291 : vector<16xi1> to vector<16xi32>
    %sign3A_293 = arith.subi %sign3A_288, %sign3A_292 : vector<16xi32>
    %sign3A_294 = arith.constant 0 : i32
    %sign3A_295 = arith.cmpi sgt, %jit3A_282, %sign3A_294 : i32
    %sign3A_296 = arith.extui %sign3A_295 : i1 to i32
    %sign3A_297 = arith.constant 0 : i32
    %sign3A_298 = arith.cmpi slt, %jit3A_282, %sign3A_297 : i32
    %sign3A_299 = arith.extui %sign3A_298 : i1 to i32
    %sign3A_300 = arith.subi %sign3A_296, %sign3A_299 : i32
    %ne3A_301 = vector.broadcast %sign3A_300 : i32 to vector<16xi32>
    %ne3A_302 = arith.cmpi ne, %sign3A_293, %ne3A_301 : vector<16xi32>
    %rem3A_303 = vector.broadcast %jit3A_282 : i32 to vector<16xi32>
    %rem3A_304 = arith.remsi %parallel_loop3A_10#7, %rem3A_303 : vector<16xi32>
    %ne3A_305 = arith.constant 0 : i32
    %ne3A_306 = vector.broadcast %ne3A_305 : i32 to vector<16xi32>
    %ne3A_307 = arith.cmpi ne, %rem3A_304, %ne3A_306 : vector<16xi32>
    %and3A_308 = arith.andi %ne3A_302, %ne3A_307 : vector<16xi1>
    %sub3A_309 = arith.constant 1 : i32
    %sub3A_310 = vector.broadcast %sub3A_309 : i32 to vector<16xi32>
    %sub3A_311 = arith.subi %div3A_284, %sub3A_310 : vector<16xi32>
    %select_n3A_312 = arith.select %and3A_308, %sub3A_311, %div3A_284 : vector<16xi1>, vector<16xi32>
    %mul3A_313 = arith.constant 3200 : i32
    %mul3A_314 = vector.broadcast %mul3A_313 : i32 to vector<16xi32>
    %mul3A_315 = arith.muli %select_n3A_312, %mul3A_314 : vector<16xi32>
    %rem3A_316 = arith.constant 3200 : i32
    %rem3A_317 = vector.broadcast %rem3A_316 : i32 to vector<16xi32>
    %rem3A_318 = arith.remsi %parallel_loop3A_10#7, %rem3A_317 : vector<16xi32>
    %add3A_319 = arith.addi %mul3A_315, %rem3A_318 : vector<16xi32>
    %dma_start3A_320 = arith.constant 0 : i32
    %dma_start3A_321 = arith.constant 0 : i32
    %dma_start3A_322 = tpu.memref_slice %arg3[%dma_start3A_320, %dma_start3A_321] : memref<51200x128xf32, #tpu.memory_space<hbm>> -> memref<51200x128xf32, #tpu.memory_space<hbm>>
    tpu.enqueue_indirect_dma source(%dma_start3A_322 : memref<51200x128xf32, #tpu.memory_space<hbm>>) target(%arg8 : memref<16x128xf32, #tpu.memory_space<vmem>>) offsets(%add3A_319 : vector<16xi32>) semaphore(%arg9 : memref<!tpu.dma_semaphore, #tpu.memory_space<semaphore_mem>>)
    %dma_wait3A_323 = arith.constant 0 : i32
    %dma_wait3A_324 = arith.constant 0 : i32
    %dma_wait3A_325 = tpu.memref_slice %arg3[%dma_wait3A_323, %dma_wait3A_324] : memref<51200x128xf32, #tpu.memory_space<hbm>> -> memref<51200x128xf32, #tpu.memory_space<hbm>>
    tpu.wait_indirect_dma semaphore(%arg9 : memref<!tpu.dma_semaphore, #tpu.memory_space<semaphore_mem>>) src(%dma_wait3A_325 : memref<51200x128xf32, #tpu.memory_space<hbm>>) dst(%arg8 : memref<16x128xf32, #tpu.memory_space<vmem>>)
    %mul3A_326 = arith.constant 16 : i32
    %mul3A_327 = arith.muli %add3A, %mul3A_326 : i32
    %add3A_328 = arith.constant 1536 : i32
    %add3A_329 = arith.addi %add3A_328, %mul3A_327 : i32
    "tpu.region"() ({
      %run_scoped3A = tpu.sem_alloc : memref<!tpu.dma_semaphore, #tpu.memory_space<semaphore_mem>>
      %dma_start3A_750 = arith.constant 0 : i32
      %dma_start3A_751 = tpu.memref_slice %arg4[%add3A_329, %dma_start3A_750] : memref<4096x128xf32, #tpu.memory_space<hbm>> -> memref<16x128xf32, #tpu.memory_space<hbm>>
      %dma_start3A_752 = arith.constant 0 : i32
      %dma_start3A_753 = tpu.memref_slice %arg4[%add3A_329, %dma_start3A_752] : memref<4096x128xf32, #tpu.memory_space<hbm>> -> memref<16x128xf32, #tpu.memory_space<hbm>>
      tpu.enqueue_dma source(%arg8 : memref<16x128xf32, #tpu.memory_space<vmem>>) target(%dma_start3A_753 : memref<16x128xf32, #tpu.memory_space<hbm>>) target_semaphore(%run_scoped3A : memref<!tpu.dma_semaphore, #tpu.memory_space<semaphore_mem>>)
      %dma_wait3A_754 = arith.constant 0 : i32
      %dma_wait3A_755 = tpu.memref_slice %arg4[%add3A_329, %dma_wait3A_754] : memref<4096x128xf32, #tpu.memory_space<hbm>> -> memref<16x128xf32, #tpu.memory_space<hbm>>
      %dma_wait3A_756 = arith.constant 0 : i32
      %dma_wait3A_757 = tpu.memref_slice %arg4[%add3A_329, %dma_wait3A_756] : memref<4096x128xf32, #tpu.memory_space<hbm>> -> memref<16x128xf32, #tpu.memory_space<hbm>>
      tpu.wait_dma2 semaphore(%run_scoped3A : memref<!tpu.dma_semaphore, #tpu.memory_space<semaphore_mem>>) src(%arg8 : memref<16x128xf32, #tpu.memory_space<vmem>>) dst(%dma_wait3A_757 : memref<16x128xf32, #tpu.memory_space<hbm>>)
      tpu.yield
    }) : () -> ()
    %jit3A_330 = arith.constant 8 : i32
    %div3A_331 = arith.divsi %add3A, %jit3A_330 : i32
    %sign3A_332 = arith.constant 0 : i32
    %sign3A_333 = arith.cmpi sgt, %add3A, %sign3A_332 : i32
    %sign3A_334 = arith.extui %sign3A_333 : i1 to i32
    %sign3A_335 = arith.constant 0 : i32
    %sign3A_336 = arith.cmpi slt, %add3A, %sign3A_335 : i32
    %sign3A_337 = arith.extui %sign3A_336 : i1 to i32
    %sign3A_338 = arith.subi %sign3A_334, %sign3A_337 : i32
    %sign3A_339 = arith.constant 0 : i32
    %sign3A_340 = arith.cmpi sgt, %jit3A_330, %sign3A_339 : i32
    %sign3A_341 = arith.extui %sign3A_340 : i1 to i32
    %sign3A_342 = arith.constant 0 : i32
    %sign3A_343 = arith.cmpi slt, %jit3A_330, %sign3A_342 : i32
    %sign3A_344 = arith.extui %sign3A_343 : i1 to i32
    %sign3A_345 = arith.subi %sign3A_341, %sign3A_344 : i32
    %ne3A_346 = arith.cmpi ne, %sign3A_338, %sign3A_345 : i32
    %rem3A_347 = arith.remsi %add3A, %jit3A_330 : i32
    %ne3A_348 = arith.constant 0 : i32
    %ne3A_349 = arith.cmpi ne, %rem3A_347, %ne3A_348 : i32
    %and3A_350 = arith.andi %ne3A_346, %ne3A_349 : i1
    %sub3A_351 = arith.constant 1 : i32
    %sub3A_352 = arith.subi %div3A_331, %sub3A_351 : i32
    %select_n3A_353 = arith.select %and3A_350, %sub3A_352, %div3A_331 : i32
    %add3A_354 = arith.constant 12 : i32
    %add3A_355 = arith.addi %add3A_354, %select_n3A_353 : i32
    %jit3A_356 = arith.constant 8 : i32
    %eq3A_357 = arith.constant 0 : i32
    %eq3A_358 = arith.cmpi eq, %jit3A_356, %eq3A_357 : i32
    %jit3A_359 = arith.constant 1 : i32
    %select_n3A_360 = arith.select %eq3A_358, %jit3A_359, %jit3A_356 : i32
    %rem3A_361 = arith.remsi %add3A, %select_n3A_360 : i32
    %ne3A_362 = arith.constant 0 : i32
    %ne3A_363 = arith.cmpi ne, %rem3A_361, %ne3A_362 : i32
    %lt3A_364 = arith.constant 0 : i32
    %lt3A_365 = arith.cmpi slt, %rem3A_361, %lt3A_364 : i32
    %lt3A_366 = arith.constant 0 : i32
    %lt3A_367 = arith.cmpi slt, %select_n3A_360, %lt3A_366 : i32
    %ne3A_368 = arith.xori %lt3A_365, %lt3A_367 : i1
    %and3A_369 = arith.andi %ne3A_368, %ne3A_363 : i1
    %add3A_370 = arith.addi %rem3A_361, %select_n3A_360 : i32
    %select_n3A_371 = arith.select %and3A_369, %add3A_370, %rem3A_361 : i32
    %mul3A_372 = arith.constant 16 : i32
    %mul3A_373 = arith.muli %select_n3A_371, %mul3A_372 : i32
    "tpu.region"() ({
      %run_scoped3A = tpu.sem_alloc : memref<!tpu.dma_semaphore, #tpu.memory_space<semaphore_mem>>
      %dma_start3A_750 = tpu.memref_slice %arg5[%add3A_355, %mul3A_373] : memref<32x128xi32, #tpu.memory_space<hbm>> -> memref<1x16xi32, #tpu.memory_space<hbm>>
      %dma_start3A_751 = tpu.memref_squeeze %dma_start3A_750 : memref<1x16xi32, #tpu.memory_space<hbm>> -> memref<16xi32, #tpu.memory_space<hbm>>
      %dma_start3A_752 = tpu.memref_slice %arg5[%add3A_355, %mul3A_373] : memref<32x128xi32, #tpu.memory_space<hbm>> -> memref<1x16xi32, #tpu.memory_space<hbm>>
      %dma_start3A_753 = tpu.memref_squeeze %dma_start3A_752 : memref<1x16xi32, #tpu.memory_space<hbm>> -> memref<16xi32, #tpu.memory_space<hbm>>
      tpu.enqueue_dma source(%arg7 : memref<16xi32, #tpu.memory_space<vmem>>) target(%dma_start3A_753 : memref<16xi32, #tpu.memory_space<hbm>>) target_semaphore(%run_scoped3A : memref<!tpu.dma_semaphore, #tpu.memory_space<semaphore_mem>>)
      %dma_wait3A_754 = tpu.memref_slice %arg5[%add3A_355, %mul3A_373] : memref<32x128xi32, #tpu.memory_space<hbm>> -> memref<1x16xi32, #tpu.memory_space<hbm>>
      %dma_wait3A_755 = tpu.memref_squeeze %dma_wait3A_754 : memref<1x16xi32, #tpu.memory_space<hbm>> -> memref<16xi32, #tpu.memory_space<hbm>>
      %dma_wait3A_756 = tpu.memref_slice %arg5[%add3A_355, %mul3A_373] : memref<32x128xi32, #tpu.memory_space<hbm>> -> memref<1x16xi32, #tpu.memory_space<hbm>>
      %dma_wait3A_757 = tpu.memref_squeeze %dma_wait3A_756 : memref<1x16xi32, #tpu.memory_space<hbm>> -> memref<16xi32, #tpu.memory_space<hbm>>
      tpu.wait_dma2 semaphore(%run_scoped3A : memref<!tpu.dma_semaphore, #tpu.memory_space<semaphore_mem>>) src(%arg7 : memref<16xi32, #tpu.memory_space<vmem>>) dst(%dma_wait3A_757 : memref<16xi32, #tpu.memory_space<hbm>>)
      tpu.yield
    }) : () -> ()
    %swap3A_374 = arith.constant 0 : index
    %swap3A_375 = tpu.vector_load %arg7[%swap3A_374] {strides = array<i32>} : memref<16xi32, #tpu.memory_space<vmem>>, vector<16xi32>,
    tpu.vector_store %arg7[%swap3A_374], %parallel_loop3A_10#9 {strides = array<i32>} : memref<16xi32, #tpu.memory_space<vmem>>, vector<16xi32>,
    %jit3A_376 = arith.constant 6400 : i32
    %div3A_377 = vector.broadcast %jit3A_376 : i32 to vector<16xi32>
    %div3A_378 = arith.divsi %parallel_loop3A_10#9, %div3A_377 : vector<16xi32>
    %sign3A_379 = arith.constant 0 : i32
    %sign3A_380 = vector.broadcast %sign3A_379 : i32 to vector<16xi32>
    %sign3A_381 = arith.cmpi sgt, %parallel_loop3A_10#9, %sign3A_380 : vector<16xi32>
    %sign3A_382 = arith.extui %sign3A_381 : vector<16xi1> to vector<16xi32>
    %sign3A_383 = arith.constant 0 : i32
    %sign3A_384 = vector.broadcast %sign3A_383 : i32 to vector<16xi32>
    %sign3A_385 = arith.cmpi slt, %parallel_loop3A_10#9, %sign3A_384 : vector<16xi32>
    %sign3A_386 = arith.extui %sign3A_385 : vector<16xi1> to vector<16xi32>
    %sign3A_387 = arith.subi %sign3A_382, %sign3A_386 : vector<16xi32>
    %sign3A_388 = arith.constant 0 : i32
    %sign3A_389 = arith.cmpi sgt, %jit3A_376, %sign3A_388 : i32
    %sign3A_390 = arith.extui %sign3A_389 : i1 to i32
    %sign3A_391 = arith.constant 0 : i32
    %sign3A_392 = arith.cmpi slt, %jit3A_376, %sign3A_391 : i32
    %sign3A_393 = arith.extui %sign3A_392 : i1 to i32
    %sign3A_394 = arith.subi %sign3A_390, %sign3A_393 : i32
    %ne3A_395 = vector.broadcast %sign3A_394 : i32 to vector<16xi32>
    %ne3A_396 = arith.cmpi ne, %sign3A_387, %ne3A_395 : vector<16xi32>
    %rem3A_397 = vector.broadcast %jit3A_376 : i32 to vector<16xi32>
    %rem3A_398 = arith.remsi %parallel_loop3A_10#9, %rem3A_397 : vector<16xi32>
    %ne3A_399 = arith.constant 0 : i32
    %ne3A_400 = vector.broadcast %ne3A_399 : i32 to vector<16xi32>
    %ne3A_401 = arith.cmpi ne, %rem3A_398, %ne3A_400 : vector<16xi32>
    %and3A_402 = arith.andi %ne3A_396, %ne3A_401 : vector<16xi1>
    %sub3A_403 = arith.constant 1 : i32
    %sub3A_404 = vector.broadcast %sub3A_403 : i32 to vector<16xi32>
    %sub3A_405 = arith.subi %div3A_378, %sub3A_404 : vector<16xi32>
    %select_n3A_406 = arith.select %and3A_402, %sub3A_405, %div3A_378 : vector<16xi1>, vector<16xi32>
    %mul3A_407 = arith.constant 3200 : i32
    %mul3A_408 = vector.broadcast %mul3A_407 : i32 to vector<16xi32>
    %mul3A_409 = arith.muli %select_n3A_406, %mul3A_408 : vector<16xi32>
    %rem3A_410 = arith.constant 3200 : i32
    %rem3A_411 = vector.broadcast %rem3A_410 : i32 to vector<16xi32>
    %rem3A_412 = arith.remsi %parallel_loop3A_10#9, %rem3A_411 : vector<16xi32>
    %add3A_413 = arith.addi %mul3A_409, %rem3A_412 : vector<16xi32>
    %dma_start3A_414 = arith.constant 0 : i32
    %dma_start3A_415 = arith.constant 0 : i32
    %dma_start3A_416 = tpu.memref_slice %arg3[%dma_start3A_414, %dma_start3A_415] : memref<51200x128xf32, #tpu.memory_space<hbm>> -> memref<51200x128xf32, #tpu.memory_space<hbm>>
    tpu.enqueue_indirect_dma source(%dma_start3A_416 : memref<51200x128xf32, #tpu.memory_space<hbm>>) target(%arg8 : memref<16x128xf32, #tpu.memory_space<vmem>>) offsets(%add3A_413 : vector<16xi32>) semaphore(%arg9 : memref<!tpu.dma_semaphore, #tpu.memory_space<semaphore_mem>>)
    %dma_wait3A_417 = arith.constant 0 : i32
    %dma_wait3A_418 = arith.constant 0 : i32
    %dma_wait3A_419 = tpu.memref_slice %arg3[%dma_wait3A_417, %dma_wait3A_418] : memref<51200x128xf32, #tpu.memory_space<hbm>> -> memref<51200x128xf32, #tpu.memory_space<hbm>>
    tpu.wait_indirect_dma semaphore(%arg9 : memref<!tpu.dma_semaphore, #tpu.memory_space<semaphore_mem>>) src(%dma_wait3A_419 : memref<51200x128xf32, #tpu.memory_space<hbm>>) dst(%arg8 : memref<16x128xf32, #tpu.memory_space<vmem>>)
    %mul3A_420 = arith.constant 16 : i32
    %mul3A_421 = arith.muli %add3A, %mul3A_420 : i32
    %add3A_422 = arith.constant 2048 : i32
    %add3A_423 = arith.addi %add3A_422, %mul3A_421 : i32
    "tpu.region"() ({
      %run_scoped3A = tpu.sem_alloc : memref<!tpu.dma_semaphore, #tpu.memory_space<semaphore_mem>>
      %dma_start3A_750 = arith.constant 0 : i32
      %dma_start3A_751 = tpu.memref_slice %arg4[%add3A_423, %dma_start3A_750] : memref<4096x128xf32, #tpu.memory_space<hbm>> -> memref<16x128xf32, #tpu.memory_space<hbm>>
      %dma_start3A_752 = arith.constant 0 : i32
      %dma_start3A_753 = tpu.memref_slice %arg4[%add3A_423, %dma_start3A_752] : memref<4096x128xf32, #tpu.memory_space<hbm>> -> memref<16x128xf32, #tpu.memory_space<hbm>>
      tpu.enqueue_dma source(%arg8 : memref<16x128xf32, #tpu.memory_space<vmem>>) target(%dma_start3A_753 : memref<16x128xf32, #tpu.memory_space<hbm>>) target_semaphore(%run_scoped3A : memref<!tpu.dma_semaphore, #tpu.memory_space<semaphore_mem>>)
      %dma_wait3A_754 = arith.constant 0 : i32
      %dma_wait3A_755 = tpu.memref_slice %arg4[%add3A_423, %dma_wait3A_754] : memref<4096x128xf32, #tpu.memory_space<hbm>> -> memref<16x128xf32, #tpu.memory_space<hbm>>
      %dma_wait3A_756 = arith.constant 0 : i32
      %dma_wait3A_757 = tpu.memref_slice %arg4[%add3A_423, %dma_wait3A_756] : memref<4096x128xf32, #tpu.memory_space<hbm>> -> memref<16x128xf32, #tpu.memory_space<hbm>>
      tpu.wait_dma2 semaphore(%run_scoped3A : memref<!tpu.dma_semaphore, #tpu.memory_space<semaphore_mem>>) src(%arg8 : memref<16x128xf32, #tpu.memory_space<vmem>>) dst(%dma_wait3A_757 : memref<16x128xf32, #tpu.memory_space<hbm>>)
      tpu.yield
    }) : () -> ()
    %jit3A_424 = arith.constant 8 : i32
    %div3A_425 = arith.divsi %add3A, %jit3A_424 : i32
    %sign3A_426 = arith.constant 0 : i32
    %sign3A_427 = arith.cmpi sgt, %add3A, %sign3A_426 : i32
    %sign3A_428 = arith.extui %sign3A_427 : i1 to i32
    %sign3A_429 = arith.constant 0 : i32
    %sign3A_430 = arith.cmpi slt, %add3A, %sign3A_429 : i32
    %sign3A_431 = arith.extui %sign3A_430 : i1 to i32
    %sign3A_432 = arith.subi %sign3A_428, %sign3A_431 : i32
    %sign3A_433 = arith.constant 0 : i32
    %sign3A_434 = arith.cmpi sgt, %jit3A_424, %sign3A_433 : i32
    %sign3A_435 = arith.extui %sign3A_434 : i1 to i32
    %sign3A_436 = arith.constant 0 : i32
    %sign3A_437 = arith.cmpi slt, %jit3A_424, %sign3A_436 : i32
    %sign3A_438 = arith.extui %sign3A_437 : i1 to i32
    %sign3A_439 = arith.subi %sign3A_435, %sign3A_438 : i32
    %ne3A_440 = arith.cmpi ne, %sign3A_432, %sign3A_439 : i32
    %rem3A_441 = arith.remsi %add3A, %jit3A_424 : i32
    %ne3A_442 = arith.constant 0 : i32
    %ne3A_443 = arith.cmpi ne, %rem3A_441, %ne3A_442 : i32
    %and3A_444 = arith.andi %ne3A_440, %ne3A_443 : i1
    %sub3A_445 = arith.constant 1 : i32
    %sub3A_446 = arith.subi %div3A_425, %sub3A_445 : i32
    %select_n3A_447 = arith.select %and3A_444, %sub3A_446, %div3A_425 : i32
    %add3A_448 = arith.constant 16 : i32
    %add3A_449 = arith.addi %add3A_448, %select_n3A_447 : i32
    %jit3A_450 = arith.constant 8 : i32
    %eq3A_451 = arith.constant 0 : i32
    %eq3A_452 = arith.cmpi eq, %jit3A_450, %eq3A_451 : i32
    %jit3A_453 = arith.constant 1 : i32
    %select_n3A_454 = arith.select %eq3A_452, %jit3A_453, %jit3A_450 : i32
    %rem3A_455 = arith.remsi %add3A, %select_n3A_454 : i32
    %ne3A_456 = arith.constant 0 : i32
    %ne3A_457 = arith.cmpi ne, %rem3A_455, %ne3A_456 : i32
    %lt3A_458 = arith.constant 0 : i32
    %lt3A_459 = arith.cmpi slt, %rem3A_455, %lt3A_458 : i32
    %lt3A_460 = arith.constant 0 : i32
    %lt3A_461 = arith.cmpi slt, %select_n3A_454, %lt3A_460 : i32
    %ne3A_462 = arith.xori %lt3A_459, %lt3A_461 : i1
    %and3A_463 = arith.andi %ne3A_462, %ne3A_457 : i1
    %add3A_464 = arith.addi %rem3A_455, %select_n3A_454 : i32
    %select_n3A_465 = arith.select %and3A_463, %add3A_464, %rem3A_455 : i32
    %mul3A_466 = arith.constant 16 : i32
    %mul3A_467 = arith.muli %select_n3A_465, %mul3A_466 : i32
    "tpu.region"() ({
      %run_scoped3A = tpu.sem_alloc : memref<!tpu.dma_semaphore, #tpu.memory_space<semaphore_mem>>
      %dma_start3A_750 = tpu.memref_slice %arg5[%add3A_449, %mul3A_467] : memref<32x128xi32, #tpu.memory_space<hbm>> -> memref<1x16xi32, #tpu.memory_space<hbm>>
      %dma_start3A_751 = tpu.memref_squeeze %dma_start3A_750 : memref<1x16xi32, #tpu.memory_space<hbm>> -> memref<16xi32, #tpu.memory_space<hbm>>
      %dma_start3A_752 = tpu.memref_slice %arg5[%add3A_449, %mul3A_467] : memref<32x128xi32, #tpu.memory_space<hbm>> -> memref<1x16xi32, #tpu.memory_space<hbm>>
      %dma_start3A_753 = tpu.memref_squeeze %dma_start3A_752 : memref<1x16xi32, #tpu.memory_space<hbm>> -> memref<16xi32, #tpu.memory_space<hbm>>
      tpu.enqueue_dma source(%arg7 : memref<16xi32, #tpu.memory_space<vmem>>) target(%dma_start3A_753 : memref<16xi32, #tpu.memory_space<hbm>>) target_semaphore(%run_scoped3A : memref<!tpu.dma_semaphore, #tpu.memory_space<semaphore_mem>>)
      %dma_wait3A_754 = tpu.memref_slice %arg5[%add3A_449, %mul3A_467] : memref<32x128xi32, #tpu.memory_space<hbm>> -> memref<1x16xi32, #tpu.memory_space<hbm>>
      %dma_wait3A_755 = tpu.memref_squeeze %dma_wait3A_754 : memref<1x16xi32, #tpu.memory_space<hbm>> -> memref<16xi32, #tpu.memory_space<hbm>>
      %dma_wait3A_756 = tpu.memref_slice %arg5[%add3A_449, %mul3A_467] : memref<32x128xi32, #tpu.memory_space<hbm>> -> memref<1x16xi32, #tpu.memory_space<hbm>>
      %dma_wait3A_757 = tpu.memref_squeeze %dma_wait3A_756 : memref<1x16xi32, #tpu.memory_space<hbm>> -> memref<16xi32, #tpu.memory_space<hbm>>
      tpu.wait_dma2 semaphore(%run_scoped3A : memref<!tpu.dma_semaphore, #tpu.memory_space<semaphore_mem>>) src(%arg7 : memref<16xi32, #tpu.memory_space<vmem>>) dst(%dma_wait3A_757 : memref<16xi32, #tpu.memory_space<hbm>>)
      tpu.yield
    }) : () -> ()
    %swap3A_468 = arith.constant 0 : index
    %swap3A_469 = tpu.vector_load %arg7[%swap3A_468] {strides = array<i32>} : memref<16xi32, #tpu.memory_space<vmem>>, vector<16xi32>,
    tpu.vector_store %arg7[%swap3A_468], %parallel_loop3A_10#11 {strides = array<i32>} : memref<16xi32, #tpu.memory_space<vmem>>, vector<16xi32>,
    %jit3A_470 = arith.constant 6400 : i32
    %div3A_471 = vector.broadcast %jit3A_470 : i32 to vector<16xi32>
    %div3A_472 = arith.divsi %parallel_loop3A_10#11, %div3A_471 : vector<16xi32>
    %sign3A_473 = arith.constant 0 : i32
    %sign3A_474 = vector.broadcast %sign3A_473 : i32 to vector<16xi32>
    %sign3A_475 = arith.cmpi sgt, %parallel_loop3A_10#11, %sign3A_474 : vector<16xi32>
    %sign3A_476 = arith.extui %sign3A_475 : vector<16xi1> to vector<16xi32>
    %sign3A_477 = arith.constant 0 : i32
    %sign3A_478 = vector.broadcast %sign3A_477 : i32 to vector<16xi32>
    %sign3A_479 = arith.cmpi slt, %parallel_loop3A_10#11, %sign3A_478 : vector<16xi32>
    %sign3A_480 = arith.extui %sign3A_479 : vector<16xi1> to vector<16xi32>
    %sign3A_481 = arith.subi %sign3A_476, %sign3A_480 : vector<16xi32>
    %sign3A_482 = arith.constant 0 : i32
    %sign3A_483 = arith.cmpi sgt, %jit3A_470, %sign3A_482 : i32
    %sign3A_484 = arith.extui %sign3A_483 : i1 to i32
    %sign3A_485 = arith.constant 0 : i32
    %sign3A_486 = arith.cmpi slt, %jit3A_470, %sign3A_485 : i32
    %sign3A_487 = arith.extui %sign3A_486 : i1 to i32
    %sign3A_488 = arith.subi %sign3A_484, %sign3A_487 : i32
    %ne3A_489 = vector.broadcast %sign3A_488 : i32 to vector<16xi32>
    %ne3A_490 = arith.cmpi ne, %sign3A_481, %ne3A_489 : vector<16xi32>
    %rem3A_491 = vector.broadcast %jit3A_470 : i32 to vector<16xi32>
    %rem3A_492 = arith.remsi %parallel_loop3A_10#11, %rem3A_491 : vector<16xi32>
    %ne3A_493 = arith.constant 0 : i32
    %ne3A_494 = vector.broadcast %ne3A_493 : i32 to vector<16xi32>
    %ne3A_495 = arith.cmpi ne, %rem3A_492, %ne3A_494 : vector<16xi32>
    %and3A_496 = arith.andi %ne3A_490, %ne3A_495 : vector<16xi1>
    %sub3A_497 = arith.constant 1 : i32
    %sub3A_498 = vector.broadcast %sub3A_497 : i32 to vector<16xi32>
    %sub3A_499 = arith.subi %div3A_472, %sub3A_498 : vector<16xi32>
    %select_n3A_500 = arith.select %and3A_496, %sub3A_499, %div3A_472 : vector<16xi1>, vector<16xi32>
    %mul3A_501 = arith.constant 3200 : i32
    %mul3A_502 = vector.broadcast %mul3A_501 : i32 to vector<16xi32>
    %mul3A_503 = arith.muli %select_n3A_500, %mul3A_502 : vector<16xi32>
    %rem3A_504 = arith.constant 3200 : i32
    %rem3A_505 = vector.broadcast %rem3A_504 : i32 to vector<16xi32>
    %rem3A_506 = arith.remsi %parallel_loop3A_10#11, %rem3A_505 : vector<16xi32>
    %add3A_507 = arith.addi %mul3A_503, %rem3A_506 : vector<16xi32>
    %dma_start3A_508 = arith.constant 0 : i32
    %dma_start3A_509 = arith.constant 0 : i32
    %dma_start3A_510 = tpu.memref_slice %arg3[%dma_start3A_508, %dma_start3A_509] : memref<51200x128xf32, #tpu.memory_space<hbm>> -> memref<51200x128xf32, #tpu.memory_space<hbm>>
    tpu.enqueue_indirect_dma source(%dma_start3A_510 : memref<51200x128xf32, #tpu.memory_space<hbm>>) target(%arg8 : memref<16x128xf32, #tpu.memory_space<vmem>>) offsets(%add3A_507 : vector<16xi32>) semaphore(%arg9 : memref<!tpu.dma_semaphore, #tpu.memory_space<semaphore_mem>>)
    %dma_wait3A_511 = arith.constant 0 : i32
    %dma_wait3A_512 = arith.constant 0 : i32
    %dma_wait3A_513 = tpu.memref_slice %arg3[%dma_wait3A_511, %dma_wait3A_512] : memref<51200x128xf32, #tpu.memory_space<hbm>> -> memref<51200x128xf32, #tpu.memory_space<hbm>>
    tpu.wait_indirect_dma semaphore(%arg9 : memref<!tpu.dma_semaphore, #tpu.memory_space<semaphore_mem>>) src(%dma_wait3A_513 : memref<51200x128xf32, #tpu.memory_space<hbm>>) dst(%arg8 : memref<16x128xf32, #tpu.memory_space<vmem>>)
    %mul3A_514 = arith.constant 16 : i32
    %mul3A_515 = arith.muli %add3A, %mul3A_514 : i32
    %add3A_516 = arith.constant 2560 : i32
    %add3A_517 = arith.addi %add3A_516, %mul3A_515 : i32
    "tpu.region"() ({
      %run_scoped3A = tpu.sem_alloc : memref<!tpu.dma_semaphore, #tpu.memory_space<semaphore_mem>>
      %dma_start3A_750 = arith.constant 0 : i32
      %dma_start3A_751 = tpu.memref_slice %arg4[%add3A_517, %dma_start3A_750] : memref<4096x128xf32, #tpu.memory_space<hbm>> -> memref<16x128xf32, #tpu.memory_space<hbm>>
      %dma_start3A_752 = arith.constant 0 : i32
      %dma_start3A_753 = tpu.memref_slice %arg4[%add3A_517, %dma_start3A_752] : memref<4096x128xf32, #tpu.memory_space<hbm>> -> memref<16x128xf32, #tpu.memory_space<hbm>>
      tpu.enqueue_dma source(%arg8 : memref<16x128xf32, #tpu.memory_space<vmem>>) target(%dma_start3A_753 : memref<16x128xf32, #tpu.memory_space<hbm>>) target_semaphore(%run_scoped3A : memref<!tpu.dma_semaphore, #tpu.memory_space<semaphore_mem>>)
      %dma_wait3A_754 = arith.constant 0 : i32
      %dma_wait3A_755 = tpu.memref_slice %arg4[%add3A_517, %dma_wait3A_754] : memref<4096x128xf32, #tpu.memory_space<hbm>> -> memref<16x128xf32, #tpu.memory_space<hbm>>
      %dma_wait3A_756 = arith.constant 0 : i32
      %dma_wait3A_757 = tpu.memref_slice %arg4[%add3A_517, %dma_wait3A_756] : memref<4096x128xf32, #tpu.memory_space<hbm>> -> memref<16x128xf32, #tpu.memory_space<hbm>>
      tpu.wait_dma2 semaphore(%run_scoped3A : memref<!tpu.dma_semaphore, #tpu.memory_space<semaphore_mem>>) src(%arg8 : memref<16x128xf32, #tpu.memory_space<vmem>>) dst(%dma_wait3A_757 : memref<16x128xf32, #tpu.memory_space<hbm>>)
      tpu.yield
    }) : () -> ()
    %jit3A_518 = arith.constant 8 : i32
    %div3A_519 = arith.divsi %add3A, %jit3A_518 : i32
    %sign3A_520 = arith.constant 0 : i32
    %sign3A_521 = arith.cmpi sgt, %add3A, %sign3A_520 : i32
    %sign3A_522 = arith.extui %sign3A_521 : i1 to i32
    %sign3A_523 = arith.constant 0 : i32
    %sign3A_524 = arith.cmpi slt, %add3A, %sign3A_523 : i32
    %sign3A_525 = arith.extui %sign3A_524 : i1 to i32
    %sign3A_526 = arith.subi %sign3A_522, %sign3A_525 : i32
    %sign3A_527 = arith.constant 0 : i32
    %sign3A_528 = arith.cmpi sgt, %jit3A_518, %sign3A_527 : i32
    %sign3A_529 = arith.extui %sign3A_528 : i1 to i32
    %sign3A_530 = arith.constant 0 : i32
    %sign3A_531 = arith.cmpi slt, %jit3A_518, %sign3A_530 : i32
    %sign3A_532 = arith.extui %sign3A_531 : i1 to i32
    %sign3A_533 = arith.subi %sign3A_529, %sign3A_532 : i32
    %ne3A_534 = arith.cmpi ne, %sign3A_526, %sign3A_533 : i32
    %rem3A_535 = arith.remsi %add3A, %jit3A_518 : i32
    %ne3A_536 = arith.constant 0 : i32
    %ne3A_537 = arith.cmpi ne, %rem3A_535, %ne3A_536 : i32
    %and3A_538 = arith.andi %ne3A_534, %ne3A_537 : i1
    %sub3A_539 = arith.constant 1 : i32
    %sub3A_540 = arith.subi %div3A_519, %sub3A_539 : i32
    %select_n3A_541 = arith.select %and3A_538, %sub3A_540, %div3A_519 : i32
    %add3A_542 = arith.constant 20 : i32
    %add3A_543 = arith.addi %add3A_542, %select_n3A_541 : i32
    %jit3A_544 = arith.constant 8 : i32
    %eq3A_545 = arith.constant 0 : i32
    %eq3A_546 = arith.cmpi eq, %jit3A_544, %eq3A_545 : i32
    %jit3A_547 = arith.constant 1 : i32
    %select_n3A_548 = arith.select %eq3A_546, %jit3A_547, %jit3A_544 : i32
    %rem3A_549 = arith.remsi %add3A, %select_n3A_548 : i32
    %ne3A_550 = arith.constant 0 : i32
    %ne3A_551 = arith.cmpi ne, %rem3A_549, %ne3A_550 : i32
    %lt3A_552 = arith.constant 0 : i32
    %lt3A_553 = arith.cmpi slt, %rem3A_549, %lt3A_552 : i32
    %lt3A_554 = arith.constant 0 : i32
    %lt3A_555 = arith.cmpi slt, %select_n3A_548, %lt3A_554 : i32
    %ne3A_556 = arith.xori %lt3A_553, %lt3A_555 : i1
    %and3A_557 = arith.andi %ne3A_556, %ne3A_551 : i1
    %add3A_558 = arith.addi %rem3A_549, %select_n3A_548 : i32
    %select_n3A_559 = arith.select %and3A_557, %add3A_558, %rem3A_549 : i32
    %mul3A_560 = arith.constant 16 : i32
    %mul3A_561 = arith.muli %select_n3A_559, %mul3A_560 : i32
    "tpu.region"() ({
      %run_scoped3A = tpu.sem_alloc : memref<!tpu.dma_semaphore, #tpu.memory_space<semaphore_mem>>
      %dma_start3A_750 = tpu.memref_slice %arg5[%add3A_543, %mul3A_561] : memref<32x128xi32, #tpu.memory_space<hbm>> -> memref<1x16xi32, #tpu.memory_space<hbm>>
      %dma_start3A_751 = tpu.memref_squeeze %dma_start3A_750 : memref<1x16xi32, #tpu.memory_space<hbm>> -> memref<16xi32, #tpu.memory_space<hbm>>
      %dma_start3A_752 = tpu.memref_slice %arg5[%add3A_543, %mul3A_561] : memref<32x128xi32, #tpu.memory_space<hbm>> -> memref<1x16xi32, #tpu.memory_space<hbm>>
      %dma_start3A_753 = tpu.memref_squeeze %dma_start3A_752 : memref<1x16xi32, #tpu.memory_space<hbm>> -> memref<16xi32, #tpu.memory_space<hbm>>
      tpu.enqueue_dma source(%arg7 : memref<16xi32, #tpu.memory_space<vmem>>) target(%dma_start3A_753 : memref<16xi32, #tpu.memory_space<hbm>>) target_semaphore(%run_scoped3A : memref<!tpu.dma_semaphore, #tpu.memory_space<semaphore_mem>>)
      %dma_wait3A_754 = tpu.memref_slice %arg5[%add3A_543, %mul3A_561] : memref<32x128xi32, #tpu.memory_space<hbm>> -> memref<1x16xi32, #tpu.memory_space<hbm>>
      %dma_wait3A_755 = tpu.memref_squeeze %dma_wait3A_754 : memref<1x16xi32, #tpu.memory_space<hbm>> -> memref<16xi32, #tpu.memory_space<hbm>>
      %dma_wait3A_756 = tpu.memref_slice %arg5[%add3A_543, %mul3A_561] : memref<32x128xi32, #tpu.memory_space<hbm>> -> memref<1x16xi32, #tpu.memory_space<hbm>>
      %dma_wait3A_757 = tpu.memref_squeeze %dma_wait3A_756 : memref<1x16xi32, #tpu.memory_space<hbm>> -> memref<16xi32, #tpu.memory_space<hbm>>
      tpu.wait_dma2 semaphore(%run_scoped3A : memref<!tpu.dma_semaphore, #tpu.memory_space<semaphore_mem>>) src(%arg7 : memref<16xi32, #tpu.memory_space<vmem>>) dst(%dma_wait3A_757 : memref<16xi32, #tpu.memory_space<hbm>>)
      tpu.yield
    }) : () -> ()
    %swap3A_562 = arith.constant 0 : index
    %swap3A_563 = tpu.vector_load %arg7[%swap3A_562] {strides = array<i32>} : memref<16xi32, #tpu.memory_space<vmem>>, vector<16xi32>,
    tpu.vector_store %arg7[%swap3A_562], %parallel_loop3A_10#13 {strides = array<i32>} : memref<16xi32, #tpu.memory_space<vmem>>, vector<16xi32>,
    %jit3A_564 = arith.constant 6400 : i32
    %div3A_565 = vector.broadcast %jit3A_564 : i32 to vector<16xi32>
    %div3A_566 = arith.divsi %parallel_loop3A_10#13, %div3A_565 : vector<16xi32>
    %sign3A_567 = arith.constant 0 : i32
    %sign3A_568 = vector.broadcast %sign3A_567 : i32 to vector<16xi32>
    %sign3A_569 = arith.cmpi sgt, %parallel_loop3A_10#13, %sign3A_568 : vector<16xi32>
    %sign3A_570 = arith.extui %sign3A_569 : vector<16xi1> to vector<16xi32>
    %sign3A_571 = arith.constant 0 : i32
    %sign3A_572 = vector.broadcast %sign3A_571 : i32 to vector<16xi32>
    %sign3A_573 = arith.cmpi slt, %parallel_loop3A_10#13, %sign3A_572 : vector<16xi32>
    %sign3A_574 = arith.extui %sign3A_573 : vector<16xi1> to vector<16xi32>
    %sign3A_575 = arith.subi %sign3A_570, %sign3A_574 : vector<16xi32>
    %sign3A_576 = arith.constant 0 : i32
    %sign3A_577 = arith.cmpi sgt, %jit3A_564, %sign3A_576 : i32
    %sign3A_578 = arith.extui %sign3A_577 : i1 to i32
    %sign3A_579 = arith.constant 0 : i32
    %sign3A_580 = arith.cmpi slt, %jit3A_564, %sign3A_579 : i32
    %sign3A_581 = arith.extui %sign3A_580 : i1 to i32
    %sign3A_582 = arith.subi %sign3A_578, %sign3A_581 : i32
    %ne3A_583 = vector.broadcast %sign3A_582 : i32 to vector<16xi32>
    %ne3A_584 = arith.cmpi ne, %sign3A_575, %ne3A_583 : vector<16xi32>
    %rem3A_585 = vector.broadcast %jit3A_564 : i32 to vector<16xi32>
    %rem3A_586 = arith.remsi %parallel_loop3A_10#13, %rem3A_585 : vector<16xi32>
    %ne3A_587 = arith.constant 0 : i32
    %ne3A_588 = vector.broadcast %ne3A_587 : i32 to vector<16xi32>
    %ne3A_589 = arith.cmpi ne, %rem3A_586, %ne3A_588 : vector<16xi32>
    %and3A_590 = arith.andi %ne3A_584, %ne3A_589 : vector<16xi1>
    %sub3A_591 = arith.constant 1 : i32
    %sub3A_592 = vector.broadcast %sub3A_591 : i32 to vector<16xi32>
    %sub3A_593 = arith.subi %div3A_566, %sub3A_592 : vector<16xi32>
    %select_n3A_594 = arith.select %and3A_590, %sub3A_593, %div3A_566 : vector<16xi1>, vector<16xi32>
    %mul3A_595 = arith.constant 3200 : i32
    %mul3A_596 = vector.broadcast %mul3A_595 : i32 to vector<16xi32>
    %mul3A_597 = arith.muli %select_n3A_594, %mul3A_596 : vector<16xi32>
    %rem3A_598 = arith.constant 3200 : i32
    %rem3A_599 = vector.broadcast %rem3A_598 : i32 to vector<16xi32>
    %rem3A_600 = arith.remsi %parallel_loop3A_10#13, %rem3A_599 : vector<16xi32>
    %add3A_601 = arith.addi %mul3A_597, %rem3A_600 : vector<16xi32>
    %dma_start3A_602 = arith.constant 0 : i32
    %dma_start3A_603 = arith.constant 0 : i32
    %dma_start3A_604 = tpu.memref_slice %arg3[%dma_start3A_602, %dma_start3A_603] : memref<51200x128xf32, #tpu.memory_space<hbm>> -> memref<51200x128xf32, #tpu.memory_space<hbm>>
    tpu.enqueue_indirect_dma source(%dma_start3A_604 : memref<51200x128xf32, #tpu.memory_space<hbm>>) target(%arg8 : memref<16x128xf32, #tpu.memory_space<vmem>>) offsets(%add3A_601 : vector<16xi32>) semaphore(%arg9 : memref<!tpu.dma_semaphore, #tpu.memory_space<semaphore_mem>>)
    %dma_wait3A_605 = arith.constant 0 : i32
    %dma_wait3A_606 = arith.constant 0 : i32
    %dma_wait3A_607 = tpu.memref_slice %arg3[%dma_wait3A_605, %dma_wait3A_606] : memref<51200x128xf32, #tpu.memory_space<hbm>> -> memref<51200x128xf32, #tpu.memory_space<hbm>>
    tpu.wait_indirect_dma semaphore(%arg9 : memref<!tpu.dma_semaphore, #tpu.memory_space<semaphore_mem>>) src(%dma_wait3A_607 : memref<51200x128xf32, #tpu.memory_space<hbm>>) dst(%arg8 : memref<16x128xf32, #tpu.memory_space<vmem>>)
    %mul3A_608 = arith.constant 16 : i32
    %mul3A_609 = arith.muli %add3A, %mul3A_608 : i32
    %add3A_610 = arith.constant 3072 : i32
    %add3A_611 = arith.addi %add3A_610, %mul3A_609 : i32
    "tpu.region"() ({
      %run_scoped3A = tpu.sem_alloc : memref<!tpu.dma_semaphore, #tpu.memory_space<semaphore_mem>>
      %dma_start3A_750 = arith.constant 0 : i32
      %dma_start3A_751 = tpu.memref_slice %arg4[%add3A_611, %dma_start3A_750] : memref<4096x128xf32, #tpu.memory_space<hbm>> -> memref<16x128xf32, #tpu.memory_space<hbm>>
      %dma_start3A_752 = arith.constant 0 : i32
      %dma_start3A_753 = tpu.memref_slice %arg4[%add3A_611, %dma_start3A_752] : memref<4096x128xf32, #tpu.memory_space<hbm>> -> memref<16x128xf32, #tpu.memory_space<hbm>>
      tpu.enqueue_dma source(%arg8 : memref<16x128xf32, #tpu.memory_space<vmem>>) target(%dma_start3A_753 : memref<16x128xf32, #tpu.memory_space<hbm>>) target_semaphore(%run_scoped3A : memref<!tpu.dma_semaphore, #tpu.memory_space<semaphore_mem>>)
      %dma_wait3A_754 = arith.constant 0 : i32
      %dma_wait3A_755 = tpu.memref_slice %arg4[%add3A_611, %dma_wait3A_754] : memref<4096x128xf32, #tpu.memory_space<hbm>> -> memref<16x128xf32, #tpu.memory_space<hbm>>
      %dma_wait3A_756 = arith.constant 0 : i32
      %dma_wait3A_757 = tpu.memref_slice %arg4[%add3A_611, %dma_wait3A_756] : memref<4096x128xf32, #tpu.memory_space<hbm>> -> memref<16x128xf32, #tpu.memory_space<hbm>>
      tpu.wait_dma2 semaphore(%run_scoped3A : memref<!tpu.dma_semaphore, #tpu.memory_space<semaphore_mem>>) src(%arg8 : memref<16x128xf32, #tpu.memory_space<vmem>>) dst(%dma_wait3A_757 : memref<16x128xf32, #tpu.memory_space<hbm>>)
      tpu.yield
    }) : () -> ()
    %jit3A_612 = arith.constant 8 : i32
    %div3A_613 = arith.divsi %add3A, %jit3A_612 : i32
    %sign3A_614 = arith.constant 0 : i32
    %sign3A_615 = arith.cmpi sgt, %add3A, %sign3A_614 : i32
    %sign3A_616 = arith.extui %sign3A_615 : i1 to i32
    %sign3A_617 = arith.constant 0 : i32
    %sign3A_618 = arith.cmpi slt, %add3A, %sign3A_617 : i32
    %sign3A_619 = arith.extui %sign3A_618 : i1 to i32
    %sign3A_620 = arith.subi %sign3A_616, %sign3A_619 : i32
    %sign3A_621 = arith.constant 0 : i32
    %sign3A_622 = arith.cmpi sgt, %jit3A_612, %sign3A_621 : i32
    %sign3A_623 = arith.extui %sign3A_622 : i1 to i32
    %sign3A_624 = arith.constant 0 : i32
    %sign3A_625 = arith.cmpi slt, %jit3A_612, %sign3A_624 : i32
    %sign3A_626 = arith.extui %sign3A_625 : i1 to i32
    %sign3A_627 = arith.subi %sign3A_623, %sign3A_626 : i32
    %ne3A_628 = arith.cmpi ne, %sign3A_620, %sign3A_627 : i32
    %rem3A_629 = arith.remsi %add3A, %jit3A_612 : i32
    %ne3A_630 = arith.constant 0 : i32
    %ne3A_631 = arith.cmpi ne, %rem3A_629, %ne3A_630 : i32
    %and3A_632 = arith.andi %ne3A_628, %ne3A_631 : i1
    %sub3A_633 = arith.constant 1 : i32
    %sub3A_634 = arith.subi %div3A_613, %sub3A_633 : i32
    %select_n3A_635 = arith.select %and3A_632, %sub3A_634, %div3A_613 : i32
    %add3A_636 = arith.constant 24 : i32
    %add3A_637 = arith.addi %add3A_636, %select_n3A_635 : i32
    %jit3A_638 = arith.constant 8 : i32
    %eq3A_639 = arith.constant 0 : i32
    %eq3A_640 = arith.cmpi eq, %jit3A_638, %eq3A_639 : i32
    %jit3A_641 = arith.constant 1 : i32
    %select_n3A_642 = arith.select %eq3A_640, %jit3A_641, %jit3A_638 : i32
    %rem3A_643 = arith.remsi %add3A, %select_n3A_642 : i32
    %ne3A_644 = arith.constant 0 : i32
    %ne3A_645 = arith.cmpi ne, %rem3A_643, %ne3A_644 : i32
    %lt3A_646 = arith.constant 0 : i32
    %lt3A_647 = arith.cmpi slt, %rem3A_643, %lt3A_646 : i32
    %lt3A_648 = arith.constant 0 : i32
    %lt3A_649 = arith.cmpi slt, %select_n3A_642, %lt3A_648 : i32
    %ne3A_650 = arith.xori %lt3A_647, %lt3A_649 : i1
    %and3A_651 = arith.andi %ne3A_650, %ne3A_645 : i1
    %add3A_652 = arith.addi %rem3A_643, %select_n3A_642 : i32
    %select_n3A_653 = arith.select %and3A_651, %add3A_652, %rem3A_643 : i32
    %mul3A_654 = arith.constant 16 : i32
    %mul3A_655 = arith.muli %select_n3A_653, %mul3A_654 : i32
    "tpu.region"() ({
      %run_scoped3A = tpu.sem_alloc : memref<!tpu.dma_semaphore, #tpu.memory_space<semaphore_mem>>
      %dma_start3A_750 = tpu.memref_slice %arg5[%add3A_637, %mul3A_655] : memref<32x128xi32, #tpu.memory_space<hbm>> -> memref<1x16xi32, #tpu.memory_space<hbm>>
      %dma_start3A_751 = tpu.memref_squeeze %dma_start3A_750 : memref<1x16xi32, #tpu.memory_space<hbm>> -> memref<16xi32, #tpu.memory_space<hbm>>
      %dma_start3A_752 = tpu.memref_slice %arg5[%add3A_637, %mul3A_655] : memref<32x128xi32, #tpu.memory_space<hbm>> -> memref<1x16xi32, #tpu.memory_space<hbm>>
      %dma_start3A_753 = tpu.memref_squeeze %dma_start3A_752 : memref<1x16xi32, #tpu.memory_space<hbm>> -> memref<16xi32, #tpu.memory_space<hbm>>
      tpu.enqueue_dma source(%arg7 : memref<16xi32, #tpu.memory_space<vmem>>) target(%dma_start3A_753 : memref<16xi32, #tpu.memory_space<hbm>>) target_semaphore(%run_scoped3A : memref<!tpu.dma_semaphore, #tpu.memory_space<semaphore_mem>>)
      %dma_wait3A_754 = tpu.memref_slice %arg5[%add3A_637, %mul3A_655] : memref<32x128xi32, #tpu.memory_space<hbm>> -> memref<1x16xi32, #tpu.memory_space<hbm>>
      %dma_wait3A_755 = tpu.memref_squeeze %dma_wait3A_754 : memref<1x16xi32, #tpu.memory_space<hbm>> -> memref<16xi32, #tpu.memory_space<hbm>>
      %dma_wait3A_756 = tpu.memref_slice %arg5[%add3A_637, %mul3A_655] : memref<32x128xi32, #tpu.memory_space<hbm>> -> memref<1x16xi32, #tpu.memory_space<hbm>>
      %dma_wait3A_757 = tpu.memref_squeeze %dma_wait3A_756 : memref<1x16xi32, #tpu.memory_space<hbm>> -> memref<16xi32, #tpu.memory_space<hbm>>
      tpu.wait_dma2 semaphore(%run_scoped3A : memref<!tpu.dma_semaphore, #tpu.memory_space<semaphore_mem>>) src(%arg7 : memref<16xi32, #tpu.memory_space<vmem>>) dst(%dma_wait3A_757 : memref<16xi32, #tpu.memory_space<hbm>>)
      tpu.yield
    }) : () -> ()
    %swap3A_656 = arith.constant 0 : index
    %swap3A_657 = tpu.vector_load %arg7[%swap3A_656] {strides = array<i32>} : memref<16xi32, #tpu.memory_space<vmem>>, vector<16xi32>,
    tpu.vector_store %arg7[%swap3A_656], %parallel_loop3A_10#15 {strides = array<i32>} : memref<16xi32, #tpu.memory_space<vmem>>, vector<16xi32>,
    %jit3A_658 = arith.constant 6400 : i32
    %div3A_659 = vector.broadcast %jit3A_658 : i32 to vector<16xi32>
    %div3A_660 = arith.divsi %parallel_loop3A_10#15, %div3A_659 : vector<16xi32>
    %sign3A_661 = arith.constant 0 : i32
    %sign3A_662 = vector.broadcast %sign3A_661 : i32 to vector<16xi32>
    %sign3A_663 = arith.cmpi sgt, %parallel_loop3A_10#15, %sign3A_662 : vector<16xi32>
    %sign3A_664 = arith.extui %sign3A_663 : vector<16xi1> to vector<16xi32>
    %sign3A_665 = arith.constant 0 : i32
    %sign3A_666 = vector.broadcast %sign3A_665 : i32 to vector<16xi32>
    %sign3A_667 = arith.cmpi slt, %parallel_loop3A_10#15, %sign3A_666 : vector<16xi32>
    %sign3A_668 = arith.extui %sign3A_667 : vector<16xi1> to vector<16xi32>
    %sign3A_669 = arith.subi %sign3A_664, %sign3A_668 : vector<16xi32>
    %sign3A_670 = arith.constant 0 : i32
    %sign3A_671 = arith.cmpi sgt, %jit3A_658, %sign3A_670 : i32
    %sign3A_672 = arith.extui %sign3A_671 : i1 to i32
    %sign3A_673 = arith.constant 0 : i32
    %sign3A_674 = arith.cmpi slt, %jit3A_658, %sign3A_673 : i32
    %sign3A_675 = arith.extui %sign3A_674 : i1 to i32
    %sign3A_676 = arith.subi %sign3A_672, %sign3A_675 : i32
    %ne3A_677 = vector.broadcast %sign3A_676 : i32 to vector<16xi32>
    %ne3A_678 = arith.cmpi ne, %sign3A_669, %ne3A_677 : vector<16xi32>
    %rem3A_679 = vector.broadcast %jit3A_658 : i32 to vector<16xi32>
    %rem3A_680 = arith.remsi %parallel_loop3A_10#15, %rem3A_679 : vector<16xi32>
    %ne3A_681 = arith.constant 0 : i32
    %ne3A_682 = vector.broadcast %ne3A_681 : i32 to vector<16xi32>
    %ne3A_683 = arith.cmpi ne, %rem3A_680, %ne3A_682 : vector<16xi32>
    %and3A_684 = arith.andi %ne3A_678, %ne3A_683 : vector<16xi1>
    %sub3A_685 = arith.constant 1 : i32
    %sub3A_686 = vector.broadcast %sub3A_685 : i32 to vector<16xi32>
    %sub3A_687 = arith.subi %div3A_660, %sub3A_686 : vector<16xi32>
    %select_n3A_688 = arith.select %and3A_684, %sub3A_687, %div3A_660 : vector<16xi1>, vector<16xi32>
    %mul3A_689 = arith.constant 3200 : i32
    %mul3A_690 = vector.broadcast %mul3A_689 : i32 to vector<16xi32>
    %mul3A_691 = arith.muli %select_n3A_688, %mul3A_690 : vector<16xi32>
    %rem3A_692 = arith.constant 3200 : i32
    %rem3A_693 = vector.broadcast %rem3A_692 : i32 to vector<16xi32>
    %rem3A_694 = arith.remsi %parallel_loop3A_10#15, %rem3A_693 : vector<16xi32>
    %add3A_695 = arith.addi %mul3A_691, %rem3A_694 : vector<16xi32>
    %dma_start3A_696 = arith.constant 0 : i32
    %dma_start3A_697 = arith.constant 0 : i32
    %dma_start3A_698 = tpu.memref_slice %arg3[%dma_start3A_696, %dma_start3A_697] : memref<51200x128xf32, #tpu.memory_space<hbm>> -> memref<51200x128xf32, #tpu.memory_space<hbm>>
    tpu.enqueue_indirect_dma source(%dma_start3A_698 : memref<51200x128xf32, #tpu.memory_space<hbm>>) target(%arg8 : memref<16x128xf32, #tpu.memory_space<vmem>>) offsets(%add3A_695 : vector<16xi32>) semaphore(%arg9 : memref<!tpu.dma_semaphore, #tpu.memory_space<semaphore_mem>>)
    %dma_wait3A_699 = arith.constant 0 : i32
    %dma_wait3A_700 = arith.constant 0 : i32
    %dma_wait3A_701 = tpu.memref_slice %arg3[%dma_wait3A_699, %dma_wait3A_700] : memref<51200x128xf32, #tpu.memory_space<hbm>> -> memref<51200x128xf32, #tpu.memory_space<hbm>>
    tpu.wait_indirect_dma semaphore(%arg9 : memref<!tpu.dma_semaphore, #tpu.memory_space<semaphore_mem>>) src(%dma_wait3A_701 : memref<51200x128xf32, #tpu.memory_space<hbm>>) dst(%arg8 : memref<16x128xf32, #tpu.memory_space<vmem>>)
    %mul3A_702 = arith.constant 16 : i32
    %mul3A_703 = arith.muli %add3A, %mul3A_702 : i32
    %add3A_704 = arith.constant 3584 : i32
    %add3A_705 = arith.addi %add3A_704, %mul3A_703 : i32
    "tpu.region"() ({
      %run_scoped3A = tpu.sem_alloc : memref<!tpu.dma_semaphore, #tpu.memory_space<semaphore_mem>>
      %dma_start3A_750 = arith.constant 0 : i32
      %dma_start3A_751 = tpu.memref_slice %arg4[%add3A_705, %dma_start3A_750] : memref<4096x128xf32, #tpu.memory_space<hbm>> -> memref<16x128xf32, #tpu.memory_space<hbm>>
      %dma_start3A_752 = arith.constant 0 : i32
      %dma_start3A_753 = tpu.memref_slice %arg4[%add3A_705, %dma_start3A_752] : memref<4096x128xf32, #tpu.memory_space<hbm>> -> memref<16x128xf32, #tpu.memory_space<hbm>>
      tpu.enqueue_dma source(%arg8 : memref<16x128xf32, #tpu.memory_space<vmem>>) target(%dma_start3A_753 : memref<16x128xf32, #tpu.memory_space<hbm>>) target_semaphore(%run_scoped3A : memref<!tpu.dma_semaphore, #tpu.memory_space<semaphore_mem>>)
      %dma_wait3A_754 = arith.constant 0 : i32
      %dma_wait3A_755 = tpu.memref_slice %arg4[%add3A_705, %dma_wait3A_754] : memref<4096x128xf32, #tpu.memory_space<hbm>> -> memref<16x128xf32, #tpu.memory_space<hbm>>
      %dma_wait3A_756 = arith.constant 0 : i32
      %dma_wait3A_757 = tpu.memref_slice %arg4[%add3A_705, %dma_wait3A_756] : memref<4096x128xf32, #tpu.memory_space<hbm>> -> memref<16x128xf32, #tpu.memory_space<hbm>>
      tpu.wait_dma2 semaphore(%run_scoped3A : memref<!tpu.dma_semaphore, #tpu.memory_space<semaphore_mem>>) src(%arg8 : memref<16x128xf32, #tpu.memory_space<vmem>>) dst(%dma_wait3A_757 : memref<16x128xf32, #tpu.memory_space<hbm>>)
      tpu.yield
    }) : () -> ()
    %jit3A_706 = arith.constant 8 : i32
    %div3A_707 = arith.divsi %add3A, %jit3A_706 : i32
    %sign3A_708 = arith.constant 0 : i32
    %sign3A_709 = arith.cmpi sgt, %add3A, %sign3A_708 : i32
    %sign3A_710 = arith.extui %sign3A_709 : i1 to i32
    %sign3A_711 = arith.constant 0 : i32
    %sign3A_712 = arith.cmpi slt, %add3A, %sign3A_711 : i32
    %sign3A_713 = arith.extui %sign3A_712 : i1 to i32
    %sign3A_714 = arith.subi %sign3A_710, %sign3A_713 : i32
    %sign3A_715 = arith.constant 0 : i32
    %sign3A_716 = arith.cmpi sgt, %jit3A_706, %sign3A_715 : i32
    %sign3A_717 = arith.extui %sign3A_716 : i1 to i32
    %sign3A_718 = arith.constant 0 : i32
    %sign3A_719 = arith.cmpi slt, %jit3A_706, %sign3A_718 : i32
    %sign3A_720 = arith.extui %sign3A_719 : i1 to i32
    %sign3A_721 = arith.subi %sign3A_717, %sign3A_720 : i32
    %ne3A_722 = arith.cmpi ne, %sign3A_714, %sign3A_721 : i32
    %rem3A_723 = arith.remsi %add3A, %jit3A_706 : i32
    %ne3A_724 = arith.constant 0 : i32
    %ne3A_725 = arith.cmpi ne, %rem3A_723, %ne3A_724 : i32
    %and3A_726 = arith.andi %ne3A_722, %ne3A_725 : i1
    %sub3A_727 = arith.constant 1 : i32
    %sub3A_728 = arith.subi %div3A_707, %sub3A_727 : i32
    %select_n3A_729 = arith.select %and3A_726, %sub3A_728, %div3A_707 : i32
    %add3A_730 = arith.constant 28 : i32
    %add3A_731 = arith.addi %add3A_730, %select_n3A_729 : i32
    %jit3A_732 = arith.constant 8 : i32
    %eq3A_733 = arith.constant 0 : i32
    %eq3A_734 = arith.cmpi eq, %jit3A_732, %eq3A_733 : i32
    %jit3A_735 = arith.constant 1 : i32
    %select_n3A_736 = arith.select %eq3A_734, %jit3A_735, %jit3A_732 : i32
    %rem3A_737 = arith.remsi %add3A, %select_n3A_736 : i32
    %ne3A_738 = arith.constant 0 : i32
    %ne3A_739 = arith.cmpi ne, %rem3A_737, %ne3A_738 : i32
    %lt3A_740 = arith.constant 0 : i32
    %lt3A_741 = arith.cmpi slt, %rem3A_737, %lt3A_740 : i32
    %lt3A_742 = arith.constant 0 : i32
    %lt3A_743 = arith.cmpi slt, %select_n3A_736, %lt3A_742 : i32
    %ne3A_744 = arith.xori %lt3A_741, %lt3A_743 : i1
    %and3A_745 = arith.andi %ne3A_744, %ne3A_739 : i1
    %add3A_746 = arith.addi %rem3A_737, %select_n3A_736 : i32
    %select_n3A_747 = arith.select %and3A_745, %add3A_746, %rem3A_737 : i32
    %mul3A_748 = arith.constant 16 : i32
    %mul3A_749 = arith.muli %select_n3A_747, %mul3A_748 : i32
    "tpu.region"() ({
      %run_scoped3A = tpu.sem_alloc : memref<!tpu.dma_semaphore, #tpu.memory_space<semaphore_mem>>
      %dma_start3A_750 = tpu.memref_slice %arg5[%add3A_731, %mul3A_749] : memref<32x128xi32, #tpu.memory_space<hbm>> -> memref<1x16xi32, #tpu.memory_space<hbm>>
      %dma_start3A_751 = tpu.memref_squeeze %dma_start3A_750 : memref<1x16xi32, #tpu.memory_space<hbm>> -> memref<16xi32, #tpu.memory_space<hbm>>
      %dma_start3A_752 = tpu.memref_slice %arg5[%add3A_731, %mul3A_749] : memref<32x128xi32, #tpu.memory_space<hbm>> -> memref<1x16xi32, #tpu.memory_space<hbm>>
      %dma_start3A_753 = tpu.memref_squeeze %dma_start3A_752 : memref<1x16xi32, #tpu.memory_space<hbm>> -> memref<16xi32, #tpu.memory_space<hbm>>
      tpu.enqueue_dma source(%arg7 : memref<16xi32, #tpu.memory_space<vmem>>) target(%dma_start3A_753 : memref<16xi32, #tpu.memory_space<hbm>>) target_semaphore(%run_scoped3A : memref<!tpu.dma_semaphore, #tpu.memory_space<semaphore_mem>>)
      %dma_wait3A_754 = tpu.memref_slice %arg5[%add3A_731, %mul3A_749] : memref<32x128xi32, #tpu.memory_space<hbm>> -> memref<1x16xi32, #tpu.memory_space<hbm>>
      %dma_wait3A_755 = tpu.memref_squeeze %dma_wait3A_754 : memref<1x16xi32, #tpu.memory_space<hbm>> -> memref<16xi32, #tpu.memory_space<hbm>>
      %dma_wait3A_756 = tpu.memref_slice %arg5[%add3A_731, %mul3A_749] : memref<32x128xi32, #tpu.memory_space<hbm>> -> memref<1x16xi32, #tpu.memory_space<hbm>>
      %dma_wait3A_757 = tpu.memref_squeeze %dma_wait3A_756 : memref<1x16xi32, #tpu.memory_space<hbm>> -> memref<16xi32, #tpu.memory_space<hbm>>
      tpu.wait_dma2 semaphore(%run_scoped3A : memref<!tpu.dma_semaphore, #tpu.memory_space<semaphore_mem>>) src(%arg7 : memref<16xi32, #tpu.memory_space<vmem>>) dst(%dma_wait3A_757 : memref<16xi32, #tpu.memory_space<hbm>>)
      tpu.yield
    }) : () -> ()
    return
  }
}

module attributes {stable_mosaic.version = 14 : i64} {
  func.func @_dist_body(%arg0: i32, %arg1: memref<8x64xf32, #tpu.memory_space<vmem>>, %arg2: memref<64x6400xf32, #tpu.memory_space<vmem>>, %arg3: memref<50x8x128xf32, #tpu.memory_space<vmem>>, %arg4: memref<3200x128xf32, #tpu.memory_space<vmem>>) attributes {dimension_semantics = [#tpu.dimension_semantics<arbitrary>], iteration_bounds = array<i64: 16>, scalar_prefetch = 0 : i64, scratch_operands = 0 : i64, tpu.core_type = #tpu.core_type<tc>, window_params = [{pipeline_mode = #tpu.pipeline_mode<synchronous>, transform_indices = @transform_0, window_bounds = array<i64: 8, 64>}, {transform_indices = @transform_1, window_bounds = array<i64: 64, 6400>}, {transform_indices = @transform_2, window_bounds = array<i64: 50, 8, 128>}, {transform_indices = @transform_3, window_bounds = array<i64: 3200, 128>}]} {
    %get3A = arith.constant 0 : index
    %get3A_0 = arith.constant 0 : index
    %get3A_1 = vector.load %arg1[%get3A, %get3A_0] : memref<8x64xf32, #tpu.memory_space<vmem>>, vector<8x64xf32>
    %get3A_2 = arith.constant 0 : index
    %get3A_3 = arith.constant 0 : index
    %get3A_4 = vector.load %arg2[%get3A_2, %get3A_3] : memref<64x6400xf32, #tpu.memory_space<vmem>>, vector<64x6400xf32>
    %dot_general3A = arith.constant dense<0.000000e+00> : vector<8x6400xf32>
    %dot_general3A_5 = tpu.matmul %get3A_1, %get3A_4, %dot_general3A {dimension_numbers = #tpu.dot_dimension_numbers<[1], [0], [0], [1], [0, 0, 1, 1], [], []>, precision = #tpu.contract_precision<fp32>, transpose_lhs_hint = false} : vector<8x64xf32>, vector<64x6400xf32>, vector<8x6400xf32> -> vector<8x6400xf32>
    %broadcast_in_dim3A = arith.constant 1.000000e+00 : f32
    %broadcast_in_dim3A_6 = vector.broadcast %broadcast_in_dim3A : f32 to vector<1x64xf32>
    %mul3A = arith.mulf %get3A_4, %get3A_4 : vector<64x6400xf32>
    %dot_general3A_7 = arith.constant dense<0.000000e+00> : vector<1x6400xf32>
    %dot_general3A_8 = tpu.matmul %broadcast_in_dim3A_6, %mul3A, %dot_general3A_7 {dimension_numbers = #tpu.dot_dimension_numbers<[1], [0], [0], [1], [0, 0, 1, 1], [], []>, precision = #tpu.contract_precision<fp32>, transpose_lhs_hint = false} : vector<1x64xf32>, vector<64x6400xf32>, vector<1x6400xf32> -> vector<1x6400xf32>
    %mul3A_9 = arith.mulf %get3A_1, %get3A_1 : vector<8x64xf32>
    %reduce_sum3A = arith.constant dense<0.000000e+00> : vector<8xf32>
    %reduce_sum3A_10 = vector.multi_reduction <add>, %mul3A_9, %reduce_sum3A [1] : vector<8x64xf32> to vector<8xf32>
    %broadcast_in_dim3A_11 = vector.shape_cast %reduce_sum3A_10 : vector<8xf32> to vector<8x1xf32>
    %add3A = vector.broadcast %broadcast_in_dim3A_11 : vector<8x1xf32> to vector<8x6400xf32>
    %add3A_12 = vector.broadcast %dot_general3A_8 : vector<1x6400xf32> to vector<8x6400xf32>
    %add3A_13 = arith.addf %add3A, %add3A_12 : vector<8x6400xf32>
    %mul3A_14 = arith.constant 2.000000e+00 : f32
    %mul3A_15 = vector.broadcast %mul3A_14 : f32 to vector<8x6400xf32>
    %mul3A_16 = arith.mulf %mul3A_15, %dot_general3A_5 : vector<8x6400xf32>
    %sub3A = arith.subf %add3A_13, %mul3A_16 : vector<8x6400xf32>
    %mul3A_17 = arith.constant 6400 : i32
    %mul3A_18 = arith.muli %arg0, %mul3A_17 : i32
    %iota3A = tpu.iota {dimensions = array<i32: 1>} : vector<8x6400xi32>
    %add3A_19 = vector.broadcast %mul3A_18 : i32 to vector<8x6400xi32>
    %add3A_20 = arith.addi %add3A_19, %iota3A : vector<8x6400xi32>
    %ge3A = arith.constant 100000 : i32
    %ge3A_21 = vector.broadcast %ge3A : i32 to vector<8x6400xi32>
    %ge3A_22 = arith.cmpi sge, %add3A_20, %ge3A_21 : vector<8x6400xi32>
    %broadcast_in_dim3A_23 = arith.constant 1.000000e+30 : f32
    %broadcast_in_dim3A_24 = vector.broadcast %broadcast_in_dim3A_23 : f32 to vector<8x6400xf32>
    %select_n3A = arith.select %ge3A_22, %broadcast_in_dim3A_24, %sub3A : vector<8x6400xi1>, vector<8x6400xf32>
    %reshape3A = vector.shape_cast %select_n3A : vector<8x6400xf32> to vector<8x50x128xf32>
    %transpose3A = tpu.transpose %reshape3A, [1, 0, 2] : vector<8x50x128xf32> -> vector<50x8x128xf32>
    %swap3A = arith.constant 0 : index
    %swap3A_25 = arith.constant 0 : index
    %swap3A_26 = arith.constant 0 : index
    %swap3A_27 = vector.load %arg3[%swap3A, %swap3A_25, %swap3A_26] : memref<50x8x128xf32, #tpu.memory_space<vmem>>, vector<50x8x128xf32>
    tpu.vector_store %arg3[%swap3A, %swap3A_25, %swap3A_26], %transpose3A {strides = array<i32>} : memref<50x8x128xf32, #tpu.memory_space<vmem>>, vector<50x8x128xf32>,
    %slice3A = vector.extract_strided_slice %get3A_4 {offsets = [0, 0], sizes = [64, 3200], strides = [1, 1]} : vector<64x6400xf32> to vector<64x3200xf32>
    %transpose3A_28 = tpu.transpose %slice3A, [1, 0] : vector<64x3200xf32> -> vector<3200x64xf32>
    %swap3A_29 = arith.constant 0 : index
    %swap3A_30 = arith.constant 0 : index
    %swap3A_31 = vector.load %arg4[%swap3A_29, %swap3A_30] : memref<3200x128xf32, #tpu.memory_space<vmem>>, vector<3200x64xf32>
    tpu.vector_store %arg4[%swap3A_29, %swap3A_30], %transpose3A_28 {strides = array<i32>} : memref<3200x128xf32, #tpu.memory_space<vmem>>, vector<3200x64xf32>,
    %slice3A_32 = vector.extract_strided_slice %get3A_4 {offsets = [0, 3200], sizes = [64, 3200], strides = [1, 1]} : vector<64x6400xf32> to vector<64x3200xf32>
    %transpose3A_33 = tpu.transpose %slice3A_32, [1, 0] : vector<64x3200xf32> -> vector<3200x64xf32>
    %swap3A_34 = arith.constant 0 : index
    %swap3A_35 = arith.constant 64 : index
    %swap3A_36 = vector.load %arg4[%swap3A_34, %swap3A_35] : memref<3200x128xf32, #tpu.memory_space<vmem>>, vector<3200x64xf32>
    tpu.vector_store %arg4[%swap3A_34, %swap3A_35], %transpose3A_33 {strides = array<i32>} : memref<3200x128xf32, #tpu.memory_space<vmem>>, vector<3200x64xf32>,
    return
  }
  func.func @transform_0(%arg0: i32) -> (i32, i32) {
    %c0_i32 = arith.constant 0 : i32
    %c0_i32_0 = arith.constant 0 : i32
    %c0_i32_1 = arith.constant 0 : i32
    return %c0_i32, %c0_i32_0 : i32, i32
  }
  func.func @transform_1(%arg0: i32) -> (i32, i32) {
    %c0_i32 = arith.constant 0 : i32
    %c0_i32_0 = arith.constant 0 : i32
    return %c0_i32, %arg0 : i32, i32
  }
  func.func @transform_2(%arg0: i32) -> (i32, i32, i32) {
    %c0_i32 = arith.constant 0 : i32
    %c0_i32_0 = arith.constant 0 : i32
    %c0_i32_1 = arith.constant 0 : i32
    return %arg0, %c0_i32, %c0_i32_0 : i32, i32, i32
  }
  func.func @transform_3(%arg0: i32) -> (i32, i32) {
    %c0_i32 = arith.constant 0 : i32
    %c0_i32_0 = arith.constant 0 : i32
    return %arg0, %c0_i32 : i32, i32
  }
}

module attributes {stable_mosaic.version = 14 : i64} {
  func.func @_final_body(%arg0: memref<8x64xf32, #tpu.memory_space<vmem>>, %arg1: memref<4096x128xf32, #tpu.memory_space<vmem>>, %arg2: memref<32x128xi32, #tpu.memory_space<vmem>>, %arg3: memref<8x6xf32, #tpu.memory_space<vmem>>, %arg4: memref<8x6xi32, #tpu.memory_space<vmem>>) attributes {dimension_semantics = [], scalar_prefetch = 0 : i64, scratch_operands = 0 : i64, tpu.core_type = #tpu.core_type<tc>} {
    %get3A = arith.constant 0 : index
    %get3A_0 = arith.constant 0 : index
    %get3A_1 = vector.load %arg0[%get3A, %get3A_0] : memref<8x64xf32, #tpu.memory_space<vmem>>, vector<8x64xf32>
    %get3A_2 = arith.constant 0 : index
    %get3A_3 = arith.constant 0 : index
    %get3A_4 = vector.load %arg1[%get3A_2, %get3A_3] : memref<4096x128xf32, #tpu.memory_space<vmem>>, vector<4096x128xf32>
    %reshape3A = vector.shape_cast %get3A_4 : vector<4096x128xf32> to vector<8x512x128xf32>
    %concatenate3A = tpu.concatenate %get3A_1, %get3A_1 in 1 : vector<8x64xf32>, vector<8x64xf32> -> vector<8x128xf32>
    %broadcast_in_dim3A = vector.shape_cast %concatenate3A : vector<8x128xf32> to vector<8x1x128xf32>
    %sub3A = vector.broadcast %broadcast_in_dim3A : vector<8x1x128xf32> to vector<8x512x128xf32>
    %sub3A_5 = arith.subf %sub3A, %reshape3A : vector<8x512x128xf32>
    %mul3A = arith.mulf %sub3A_5, %sub3A_5 : vector<8x512x128xf32>
    %slice3A = vector.extract_strided_slice %mul3A {offsets = [0, 0, 0], sizes = [8, 512, 64], strides = [1, 1, 1]} : vector<8x512x128xf32> to vector<8x512x64xf32>
    %reduce_sum3A = arith.constant dense<0.000000e+00> : vector<8x512xf32>
    %reduce_sum3A_6 = vector.multi_reduction <add>, %slice3A, %reduce_sum3A [2] : vector<8x512x64xf32> to vector<8x512xf32>
    %slice3A_7 = vector.extract_strided_slice %mul3A {offsets = [0, 0, 64], sizes = [8, 512, 64], strides = [1, 1, 1]} : vector<8x512x128xf32> to vector<8x512x64xf32>
    %reduce_sum3A_8 = arith.constant dense<0.000000e+00> : vector<8x512xf32>
    %reduce_sum3A_9 = vector.multi_reduction <add>, %slice3A_7, %reduce_sum3A_8 [2] : vector<8x512x64xf32> to vector<8x512xf32>
    %get3A_10 = arith.constant 0 : index
    %get3A_11 = arith.constant 0 : index
    %get3A_12 = vector.load %arg2[%get3A_10, %get3A_11] : memref<32x128xi32, #tpu.memory_space<vmem>>, vector<32x128xi32>
    %reshape3A_13 = vector.shape_cast %get3A_12 : vector<32x128xi32> to vector<8x512xi32>
    %jit3A = arith.constant 3200 : i32
    %div3A = vector.broadcast %jit3A : i32 to vector<8x512xi32>
    %div3A_14 = arith.divsi %reshape3A_13, %div3A : vector<8x512xi32>
    %sign3A = arith.constant 0 : i32
    %sign3A_15 = vector.broadcast %sign3A : i32 to vector<8x512xi32>
    %sign3A_16 = arith.cmpi sgt, %reshape3A_13, %sign3A_15 : vector<8x512xi32>
    %sign3A_17 = arith.extui %sign3A_16 : vector<8x512xi1> to vector<8x512xi32>
    %sign3A_18 = arith.constant 0 : i32
    %sign3A_19 = vector.broadcast %sign3A_18 : i32 to vector<8x512xi32>
    %sign3A_20 = arith.cmpi slt, %reshape3A_13, %sign3A_19 : vector<8x512xi32>
    %sign3A_21 = arith.extui %sign3A_20 : vector<8x512xi1> to vector<8x512xi32>
    %sign3A_22 = arith.subi %sign3A_17, %sign3A_21 : vector<8x512xi32>
    %sign3A_23 = arith.constant 0 : i32
    %sign3A_24 = arith.cmpi sgt, %jit3A, %sign3A_23 : i32
    %sign3A_25 = arith.extui %sign3A_24 : i1 to i32
    %sign3A_26 = arith.constant 0 : i32
    %sign3A_27 = arith.cmpi slt, %jit3A, %sign3A_26 : i32
    %sign3A_28 = arith.extui %sign3A_27 : i1 to i32
    %sign3A_29 = arith.subi %sign3A_25, %sign3A_28 : i32
    %ne3A = vector.broadcast %sign3A_29 : i32 to vector<8x512xi32>
    %ne3A_30 = arith.cmpi ne, %sign3A_22, %ne3A : vector<8x512xi32>
    %rem3A = vector.broadcast %jit3A : i32 to vector<8x512xi32>
    %rem3A_31 = arith.remsi %reshape3A_13, %rem3A : vector<8x512xi32>
    %ne3A_32 = arith.constant 0 : i32
    %ne3A_33 = vector.broadcast %ne3A_32 : i32 to vector<8x512xi32>
    %ne3A_34 = arith.cmpi ne, %rem3A_31, %ne3A_33 : vector<8x512xi32>
    %and3A = arith.andi %ne3A_30, %ne3A_34 : vector<8x512xi1>
    %sub3A_35 = arith.constant 1 : i32
    %sub3A_36 = vector.broadcast %sub3A_35 : i32 to vector<8x512xi32>
    %sub3A_37 = arith.subi %div3A_14, %sub3A_36 : vector<8x512xi32>
    %select_n3A = arith.select %and3A, %sub3A_37, %div3A_14 : vector<8x512xi1>, vector<8x512xi32>
    %and3A_38 = arith.constant 1 : i32
    %and3A_39 = vector.broadcast %and3A_38 : i32 to vector<8x512xi32>
    %and3A_40 = arith.andi %select_n3A, %and3A_39 : vector<8x512xi32>
    %eq3A = arith.constant 0 : i32
    %eq3A_41 = vector.broadcast %eq3A : i32 to vector<8x512xi32>
    %eq3A_42 = arith.cmpi eq, %and3A_40, %eq3A_41 : vector<8x512xi32>
    %select_n3A_43 = arith.select %eq3A_42, %reduce_sum3A_6, %reduce_sum3A_9 : vector<8x512xi1>, vector<8x512xf32>
    %sqrt3A = math.sqrt %select_n3A_43 : vector<8x512xf32>
    %reduce_min3A = arith.constant dense<0x7F800000> : vector<8xf32>
    %reduce_min3A_44 = vector.multi_reduction <minimumf>, %sqrt3A, %reduce_min3A [1] : vector<8x512xf32> to vector<8xf32>
    %broadcast_in_dim3A_45 = vector.shape_cast %reduce_min3A_44 : vector<8xf32> to vector<8x1xf32>
    %eq3A_46 = vector.broadcast %broadcast_in_dim3A_45 : vector<8x1xf32> to vector<8x512xf32>
    %eq3A_47 = arith.cmpf oeq, %sqrt3A, %eq3A_46 : vector<8x512xf32>
    %jit3A_48 = arith.constant 2147483647 : i32
    %broadcast_in_dim3A_49 = vector.broadcast %jit3A_48 : i32 to vector<8x512xi32>
    %select_n3A_50 = arith.select %eq3A_47, %reshape3A_13, %broadcast_in_dim3A_49 : vector<8x512xi1>, vector<8x512xi32>
    %reduce_min3A_51 = arith.constant dense<2147483647> : vector<8xi32>
    %reduce_min3A_52 = vector.multi_reduction <minsi>, %select_n3A_50, %reduce_min3A_51 [1] : vector<8x512xi32> to vector<8xi32>
    %broadcast_in_dim3A_53 = vector.shape_cast %reduce_min3A_52 : vector<8xi32> to vector<8x1xi32>
    %eq3A_54 = vector.broadcast %broadcast_in_dim3A_53 : vector<8x1xi32> to vector<8x512xi32>
    %eq3A_55 = arith.cmpi eq, %reshape3A_13, %eq3A_54 : vector<8x512xi32>
    %jit3A_56 = arith.constant 3.000000e+38 : f32
    %broadcast_in_dim3A_57 = vector.broadcast %jit3A_56 : f32 to vector<8x512xf32>
    %select_n3A_58 = arith.select %eq3A_55, %broadcast_in_dim3A_57, %sqrt3A : vector<8x512xi1>, vector<8x512xf32>
    %reduce_min3A_59 = arith.constant dense<0x7F800000> : vector<8xf32>
    %reduce_min3A_60 = vector.multi_reduction <minimumf>, %select_n3A_58, %reduce_min3A_59 [1] : vector<8x512xf32> to vector<8xf32>
    %broadcast_in_dim3A_61 = vector.shape_cast %reduce_min3A_60 : vector<8xf32> to vector<8x1xf32>
    %eq3A_62 = vector.broadcast %broadcast_in_dim3A_61 : vector<8x1xf32> to vector<8x512xf32>
    %eq3A_63 = arith.cmpf oeq, %select_n3A_58, %eq3A_62 : vector<8x512xf32>
    %jit3A_64 = arith.constant 2147483647 : i32
    %broadcast_in_dim3A_65 = vector.broadcast %jit3A_64 : i32 to vector<8x512xi32>
    %select_n3A_66 = arith.select %eq3A_63, %reshape3A_13, %broadcast_in_dim3A_65 : vector<8x512xi1>, vector<8x512xi32>
    %reduce_min3A_67 = arith.constant dense<2147483647> : vector<8xi32>
    %reduce_min3A_68 = vector.multi_reduction <minsi>, %select_n3A_66, %reduce_min3A_67 [1] : vector<8x512xi32> to vector<8xi32>
    %broadcast_in_dim3A_69 = vector.shape_cast %reduce_min3A_68 : vector<8xi32> to vector<8x1xi32>
    %eq3A_70 = vector.broadcast %broadcast_in_dim3A_69 : vector<8x1xi32> to vector<8x512xi32>
    %eq3A_71 = arith.cmpi eq, %reshape3A_13, %eq3A_70 : vector<8x512xi32>
    %jit3A_72 = arith.constant 3.000000e+38 : f32
    %broadcast_in_dim3A_73 = vector.broadcast %jit3A_72 : f32 to vector<8x512xf32>
    %select_n3A_74 = arith.select %eq3A_71, %broadcast_in_dim3A_73, %select_n3A_58 : vector<8x512xi1>, vector<8x512xf32>
    %reduce_min3A_75 = arith.constant dense<0x7F800000> : vector<8xf32>
    %reduce_min3A_76 = vector.multi_reduction <minimumf>, %select_n3A_74, %reduce_min3A_75 [1] : vector<8x512xf32> to vector<8xf32>
    %broadcast_in_dim3A_77 = vector.shape_cast %reduce_min3A_76 : vector<8xf32> to vector<8x1xf32>
    %eq3A_78 = vector.broadcast %broadcast_in_dim3A_77 : vector<8x1xf32> to vector<8x512xf32>
    %eq3A_79 = arith.cmpf oeq, %select_n3A_74, %eq3A_78 : vector<8x512xf32>
    %jit3A_80 = arith.constant 2147483647 : i32
    %broadcast_in_dim3A_81 = vector.broadcast %jit3A_80 : i32 to vector<8x512xi32>
    %select_n3A_82 = arith.select %eq3A_79, %reshape3A_13, %broadcast_in_dim3A_81 : vector<8x512xi1>, vector<8x512xi32>
    %reduce_min3A_83 = arith.constant dense<2147483647> : vector<8xi32>
    %reduce_min3A_84 = vector.multi_reduction <minsi>, %select_n3A_82, %reduce_min3A_83 [1] : vector<8x512xi32> to vector<8xi32>
    %broadcast_in_dim3A_85 = vector.shape_cast %reduce_min3A_84 : vector<8xi32> to vector<8x1xi32>
    %eq3A_86 = vector.broadcast %broadcast_in_dim3A_85 : vector<8x1xi32> to vector<8x512xi32>
    %eq3A_87 = arith.cmpi eq, %reshape3A_13, %eq3A_86 : vector<8x512xi32>
    %jit3A_88 = arith.constant 3.000000e+38 : f32
    %broadcast_in_dim3A_89 = vector.broadcast %jit3A_88 : f32 to vector<8x512xf32>
    %select_n3A_90 = arith.select %eq3A_87, %broadcast_in_dim3A_89, %select_n3A_74 : vector<8x512xi1>, vector<8x512xf32>
    %reduce_min3A_91 = arith.constant dense<0x7F800000> : vector<8xf32>
    %reduce_min3A_92 = vector.multi_reduction <minimumf>, %select_n3A_90, %reduce_min3A_91 [1] : vector<8x512xf32> to vector<8xf32>
    %broadcast_in_dim3A_93 = vector.shape_cast %reduce_min3A_92 : vector<8xf32> to vector<8x1xf32>
    %eq3A_94 = vector.broadcast %broadcast_in_dim3A_93 : vector<8x1xf32> to vector<8x512xf32>
    %eq3A_95 = arith.cmpf oeq, %select_n3A_90, %eq3A_94 : vector<8x512xf32>
    %jit3A_96 = arith.constant 2147483647 : i32
    %broadcast_in_dim3A_97 = vector.broadcast %jit3A_96 : i32 to vector<8x512xi32>
    %select_n3A_98 = arith.select %eq3A_95, %reshape3A_13, %broadcast_in_dim3A_97 : vector<8x512xi1>, vector<8x512xi32>
    %reduce_min3A_99 = arith.constant dense<2147483647> : vector<8xi32>
    %reduce_min3A_100 = vector.multi_reduction <minsi>, %select_n3A_98, %reduce_min3A_99 [1] : vector<8x512xi32> to vector<8xi32>
    %broadcast_in_dim3A_101 = vector.shape_cast %reduce_min3A_100 : vector<8xi32> to vector<8x1xi32>
    %eq3A_102 = vector.broadcast %broadcast_in_dim3A_101 : vector<8x1xi32> to vector<8x512xi32>
    %eq3A_103 = arith.cmpi eq, %reshape3A_13, %eq3A_102 : vector<8x512xi32>
    %jit3A_104 = arith.constant 3.000000e+38 : f32
    %broadcast_in_dim3A_105 = vector.broadcast %jit3A_104 : f32 to vector<8x512xf32>
    %select_n3A_106 = arith.select %eq3A_103, %broadcast_in_dim3A_105, %select_n3A_90 : vector<8x512xi1>, vector<8x512xf32>
    %reduce_min3A_107 = arith.constant dense<0x7F800000> : vector<8xf32>
    %reduce_min3A_108 = vector.multi_reduction <minimumf>, %select_n3A_106, %reduce_min3A_107 [1] : vector<8x512xf32> to vector<8xf32>
    %broadcast_in_dim3A_109 = vector.shape_cast %reduce_min3A_108 : vector<8xf32> to vector<8x1xf32>
    %eq3A_110 = vector.broadcast %broadcast_in_dim3A_109 : vector<8x1xf32> to vector<8x512xf32>
    %eq3A_111 = arith.cmpf oeq, %select_n3A_106, %eq3A_110 : vector<8x512xf32>
    %jit3A_112 = arith.constant 2147483647 : i32
    %broadcast_in_dim3A_113 = vector.broadcast %jit3A_112 : i32 to vector<8x512xi32>
    %select_n3A_114 = arith.select %eq3A_111, %reshape3A_13, %broadcast_in_dim3A_113 : vector<8x512xi1>, vector<8x512xi32>
    %reduce_min3A_115 = arith.constant dense<2147483647> : vector<8xi32>
    %reduce_min3A_116 = vector.multi_reduction <minsi>, %select_n3A_114, %reduce_min3A_115 [1] : vector<8x512xi32> to vector<8xi32>
    %broadcast_in_dim3A_117 = vector.shape_cast %reduce_min3A_116 : vector<8xi32> to vector<8x1xi32>
    %eq3A_118 = vector.broadcast %broadcast_in_dim3A_117 : vector<8x1xi32> to vector<8x512xi32>
    %eq3A_119 = arith.cmpi eq, %reshape3A_13, %eq3A_118 : vector<8x512xi32>
    %jit3A_120 = arith.constant 3.000000e+38 : f32
    %broadcast_in_dim3A_121 = vector.broadcast %jit3A_120 : f32 to vector<8x512xf32>
    %select_n3A_122 = arith.select %eq3A_119, %broadcast_in_dim3A_121, %select_n3A_106 : vector<8x512xi1>, vector<8x512xf32>
    %reduce_min3A_123 = arith.constant dense<0x7F800000> : vector<8xf32>
    %reduce_min3A_124 = vector.multi_reduction <minimumf>, %select_n3A_122, %reduce_min3A_123 [1] : vector<8x512xf32> to vector<8xf32>
    %broadcast_in_dim3A_125 = vector.shape_cast %reduce_min3A_124 : vector<8xf32> to vector<8x1xf32>
    %eq3A_126 = vector.broadcast %broadcast_in_dim3A_125 : vector<8x1xf32> to vector<8x512xf32>
    %eq3A_127 = arith.cmpf oeq, %select_n3A_122, %eq3A_126 : vector<8x512xf32>
    %jit3A_128 = arith.constant 2147483647 : i32
    %broadcast_in_dim3A_129 = vector.broadcast %jit3A_128 : i32 to vector<8x512xi32>
    %select_n3A_130 = arith.select %eq3A_127, %reshape3A_13, %broadcast_in_dim3A_129 : vector<8x512xi1>, vector<8x512xi32>
    %reduce_min3A_131 = arith.constant dense<2147483647> : vector<8xi32>
    %reduce_min3A_132 = vector.multi_reduction <minsi>, %select_n3A_130, %reduce_min3A_131 [1] : vector<8x512xi32> to vector<8xi32>
    %broadcast_in_dim3A_133 = vector.shape_cast %reduce_min3A_132 : vector<8xi32> to vector<8x1xi32>
    %concatenate3A_134 = tpu.concatenate %broadcast_in_dim3A_45, %broadcast_in_dim3A_61, %broadcast_in_dim3A_77, %broadcast_in_dim3A_93, %broadcast_in_dim3A_109, %broadcast_in_dim3A_125 in 1 : vector<8x1xf32>, vector<8x1xf32>, vector<8x1xf32>, vector<8x1xf32>, vector<8x1xf32>, vector<8x1xf32> -> vector<8x6xf32>
    %swap3A = arith.constant 0 : index
    %swap3A_135 = arith.constant 0 : index
    %swap3A_136 = vector.load %arg3[%swap3A, %swap3A_135] : memref<8x6xf32, #tpu.memory_space<vmem>>, vector<8x6xf32>
    tpu.vector_store %arg3[%swap3A, %swap3A_135], %concatenate3A_134 {strides = array<i32>} : memref<8x6xf32, #tpu.memory_space<vmem>>, vector<8x6xf32>,
    %concatenate3A_137 = tpu.concatenate %broadcast_in_dim3A_53, %broadcast_in_dim3A_69, %broadcast_in_dim3A_85, %broadcast_in_dim3A_101, %broadcast_in_dim3A_117, %broadcast_in_dim3A_133 in 1 : vector<8x1xi32>, vector<8x1xi32>, vector<8x1xi32>, vector<8x1xi32>, vector<8x1xi32>, vector<8x1xi32> -> vector<8x6xi32>
    %swap3A_138 = arith.constant 0 : index
    %swap3A_139 = arith.constant 0 : index
    %swap3A_140 = vector.load %arg4[%swap3A_138, %swap3A_139] : memref<8x6xi32, #tpu.memory_space<vmem>>, vector<8x6xi32>
    tpu.vector_store %arg4[%swap3A_138, %swap3A_139], %concatenate3A_137 {strides = array<i32>} : memref<8x6xi32, #tpu.memory_space<vmem>>, vector<8x6xi32>,
    return
  }
}

</mosaic_0001>

<sc_bundles>
// kernel: kernel.5.cloned.1.call-start
scs
__scs_entry_jumppad:
0x0: {  	(pc) =	sbr.rel $0x88, $3  }
0x1: {  	(tag) =	ssettag $0x0;
	lr =	simm.s32 $0x1  }
0x2: {  	[smem:$0x3F9F] =	sst lr;
	_ =	strace $0xD0000000  }
0x3: {  	_ = 	snop  }
0x4: {  	_ = 	snop  }
0x5: {  	_ = 	snop  }
0x6: {  	_ = 	snop  }
0x7: {  	_ = 	snop  }
__scs_overlays_trampoline_lowered:
0x8: {  	[smem:$0x3FAE] =	sst s0  }
0x9: {  	[smem:$0x3FAF] =	sst s1  }
0xa: {  	[smem:$0x3FB0] =	sst s2  }
0xb: {  	[smem:$0x3FB1] =	sst s3  }
0xc: {  	[smem:$0x3FB2] =	sst s4  }
0xd: {  	[smem:$0x3FB3] =	sst s5  }
0xe: {  	[smem:$0x3FB4] =	sst s6  }
0xf: {  	[smem:$0x3FB5] =	sst s7  }
0x10: {  	[smem:$0x3FB6] =	sst s8  }
0x11: {  	[smem:$0x3FB7] =	sst s9;
	s0 =	simm.s32 @!p0 $0x0  }
0x12: {  	s1 =	sld [smem:$0x3F9D];
	s0 =	simm.s32 @p0 $0x1  }
0x13: {  	[smem:$0x3FB8] =	sst s0;
	s0 =	simm.s32 @!p1 $0x0  }
0x14: {  	s2 =	sld [smem:$0x3F9C];
	s0 =	simm.s32 @p1 $0x1  }
0x15: {  	[smem:$0x3FB9] =	sst s0;
	s0 =	simm.s32 @!p2 $0x0  }
0x16: {  	s3 =	sld [smem:$0x3FDB];
	s0 =	simm.s32 @p2 $0x1  }
0x17: {  	s4 =	simm.s32 $0x1BF5;
	[smem:$0x3FBB] =	sst s0  }
0x18: {  	s0 =	sld [smem:$0x3F9E];
	_ =	swait.ge [sflag:s4], $0x0  }
0x19: {  	s7 =	sld [smem:$0x3F9F]  }
0x1a: {  	s8 =	sadd.s32 $0xFFFFE003, lr  }
0x1b: {  	s9 =	sadd.s32 $0xFFFFFEF7, lr;
	s5 =	simm.s32 $0xFFFFFFFF;
	p2 =	slt.u32 s8, $0xFFFFF086  }
0x1c: {  	p1 =	slt.u32 s9, $0xF7A;
	s5 =	simm.s32 @!p2 $0x0  }
0x1d: {  	s5 =	simm.s32 @p1 $0x1;
	p0 =	seq.s32 s7, s2  }
0x1e: {  	s7 =	smul.u32 @!p0 $0xF7A, s2;
	p2 =	seq.s32 @!p0 s5, $0x0  }
0x1f: {  	s9 =	smul.u32 $0xF7A, s1;
	s8 =	simm.s32 @!p0 $0x1BF5;
	p2 =	por !p2, p0  }
0x20: {  	[sflag:s8] =	ssyncset.s32 @!p0 $0xFFFFF086;
	s6 =	sadd.s32 @!p0 s3, s7;
	s7 =	simm.s32 @!p0 $0x108  }
0x21: {  	s3 =	sadd.s32 s3, s9;
	s6 =	sadd.s32 @!p0 $0x88, s6;
	s7 =	simm.s32 @p2 $0x1082  }
0x22: {  	[simem:s7], [sflag:s8] =	dma.local @!p0 [hbm:s6], $0xF7A  }
0x23: {  	s9 =	sor.u32 $0xD0000000, s2;
	s6 =	simm.s32 $0x108;
	_ =	swait.ge @!p0 [sflag:s8], $0x0  }
0x24: {  	s3 =	sadd.s32 $0x88, s3;
	s6 =	simm.s32 @!p1 $0x1082;
	[sflag:s4] =	ssyncset.s32 $0xFFFFF086  }
0x25: {  	[simem:s6], [sflag:s4] =	dma.local [hbm:s3], $0xF7A  }
0x26: {  	[smem:$0x3F9F] =	sst s1;
	(tag) =	ssettag s2;
	_ =	strace s9  }
0x27: {  	s1 =	sld [smem:$0x3FAF]  }
0x28: {  	s2 =	sld [smem:$0x3FB0]  }
0x29: {  	s4 =	sld [smem:$0x3FB2]  }
0x2a: {  	p0 =	seq.s32 s5, $0x0;
	s5 =	sld [smem:$0x3FB3]  }
0x2b: {  	s6 =	sld [smem:$0x3FB4]  }
0x2c: {  	s7 =	sld [smem:$0x3FB5]  }
0x2d: {  	s3 =	simm.s32 $0x108;
	s8 =	sld [smem:$0x3FB6]  }
0x2e: {  	s3 =	simm.s32 @!p0 $0x1082;
	s9 =	sld [smem:$0x3FB7]  }
0x2f: {  	lr =	sadd.s32 s0, s3;
	s0 =	sld [smem:$0x3FAE]  }
0x30: {  	s3 =	sld [smem:$0x3FB1]  }
0x31: {  	[smem:$0x3FBA] =	sst s10  }
0x32: {  	s10 =	sld [smem:$0x3FB8];
	_ =	sdelay $0x3  }
0x33: {  	p0 =	seq.s32 s10, $0x1;
	s10 =	sld [smem:$0x3FBA];
	_ =	sdelay $0x3  }
0x34: {  	[smem:$0x3FBA] =	sst s10  }
0x35: {  	s10 =	sld [smem:$0x3FB9];
	_ =	sdelay $0x3  }
0x36: {  	p1 =	seq.s32 s10, $0x1;
	s10 =	sld [smem:$0x3FBA];
	_ =	sdelay $0x3  }
0x37: {  	[smem:$0x3FBA] =	sst s10  }
0x38: {  	s10 =	sld [smem:$0x3FBB]  }
0x39: {  	_ = 	snop;
	(pc) =	sbr.ind lr, $3  }
0x3a: {  	_ = 	snop  }
0x3b: {  	_ = 	snop  }
0x3c: {  	p2 =	seq.s32 s10, $0x1;
	s10 =	sld [smem:$0x3FBA]  }
0x3d: {  	_ =	shalt  }
0x3e: {  	_ =	shalt  }
0x3f: {  	_ =	shalt  }
0x40: {  	_ =	shalt  }
0x41: {  	_ =	shalt  }
0x42: {  	_ =	shalt  }
0x43: {  	_ =	shalt  }
0x44: {  	_ =	shalt  }
0x45: {  	_ =	shalt  }
0x46: {  	_ =	shalt  }
0x47: {  	_ =	shalt  }
0x48: {  	_ =	shalt  }
0x49: {  	_ =	shalt  }
0x4a: {  	_ =	shalt  }
0x4b: {  	_ =	shalt  }
0x4c: {  	_ =	shalt  }
0x4d: {  	_ =	shalt  }
0x4e: {  	_ =	shalt  }
0x4f: {  	_ =	shalt  }
0x50: {  	_ =	shalt  }
0x51: {  	_ =	shalt  }
0x52: {  	_ =	shalt  }
0x53: {  	_ =	shalt  }
0x54: {  	_ =	shalt  }
0x55: {  	_ =	shalt  }
0x56: {  	_ =	shalt  }
0x57: {  	_ =	shalt  }
0x58: {  	_ =	shalt  }
0x59: {  	_ =	shalt  }
0x5a: {  	_ =	shalt  }
0x5b: {  	_ =	shalt  }
0x5c: {  	_ =	shalt  }
0x5d: {  	_ =	shalt  }
0x5e: {  	_ =	shalt  }
0x5f: {  	_ =	shalt  }
0x60: {  	_ =	shalt  }
0x61: {  	_ =	shalt  }
0x62: {  	_ =	shalt  }
0x63: {  	_ =	shalt  }
0x64: {  	_ =	shalt  }
0x65: {  	_ =	shalt  }
0x66: {  	_ =	shalt  }
0x67: {  	_ =	shalt  }
0x68: {  	_ =	shalt  }
0x69: {  	_ =	shalt  }
0x6a: {  	_ =	shalt  }
0x6b: {  	_ =	shalt  }
0x6c: {  	_ =	shalt  }
0x6d: {  	_ =	shalt  }
0x6e: {  	_ =	shalt  }
0x6f: {  	_ =	shalt  }
0x70: {  	_ =	shalt  }
0x71: {  	_ =	shalt  }
0x72: {  	_ =	shalt  }
0x73: {  	_ =	shalt  }
0x74: {  	_ =	shalt  }
0x75: {  	_ =	shalt  }
0x76: {  	_ =	shalt  }
0x77: {  	_ =	shalt  }
0x78: {  	_ =	shalt  }
0x79: {  	_ =	shalt  }
0x7a: {  	_ =	shalt  }
0x7b: {  	_ =	shalt  }
0x7c: {  	_ =	shalt  }
0x7d: {  	_ =	shalt  }
0x7e: {  	_ =	shalt  }
0x7f: {  	_ =	shalt  }
0x80: {  	_ =	shalt  }
0x81: {  	_ =	shalt  }
0x82: {  	_ =	shalt  }
0x83: {  	_ =	shalt  }
0x84: {  	_ =	shalt  }
0x85: {  	_ =	shalt  }
0x86: {  	_ =	shalt  }
0x87: {  	_ =	shalt  }
.Lfunc_end0:
.L_simem_size_0:
called_computation_lowered:
.L_overlay_start_0:
0x88: {  	s2 =	sld [smem:$0x3FD9]  }
0x89: {  	s3 =	sld [smem:$0x3FFE];
	_ =	sdelay $0x1  }
0x8a: {  	s1 =	srdreg.scid  }
0x8b: {  	s0 =	sand.u32 $0x1, s1  }
0x8c: {  	s16 =	sshll.u32 s0, $0xA;
	s2 =	sadd.s32 s3, s2  }
0x8d: {  	s2 =	sadd.s32 s2, s16  }
0x8e: {  	[smem:$0x3FC6] =	sst s2  }
0x8f: {  	_ = 	snop  }
0x90: {  	(tm) =	ssettm $0x1  }
0x91: {  	s17 =	sld [smem:$0x3FFB];
	_ =	sdelay $0x3  }
0x92: {  	_ =	strace s17  }
0x93: {  	s2 =	sld [smem:$0x3FFC];
	_ =	sdelay $0x3  }
0x94: {  	_ =	strace s2  }
0x95: {  	s2 =	sld [smem:$0x3FFD];
	_ =	sdelay $0x3  }
0x96: {  	_ =	strace s2  }
0x97: {  	_ =	strace $0x8FFFFFFF  }
0x98: {  	s18 =	sld [smem:$0x3FDB];
	_ =	sdelay $0x1  }
0x99: {  	s19 =	simm.s32 $_scs_section_size  }
0x9a: {  	s4 =	simm.s32 $_size__tile_overlayer_lowered;
	s5 =	simm.s32 $_tile_overlayer_lowered  }
0x9b: {  	s22 =	simm.s32 $0x1BFF;
	s21 =	sshll.u32 s5, $0x1;
	s2 =	sadd.s32 s19, s18  }
0x9c: {  	s6 =	simm.s32 $0x0;
	s20 =	sshll.u32 s4, $0x1;
	s4 =	sadd.s32 s21, s2  }
0x9d: {  	[timem:s6], [sflag:s22] =	dma.local [hbm:s4], s20  }
0x9e: {  	_ =	swait.ge [sflag:s22], s20  }
0x9f: {  	s3 =	ssub.s32 $0x0, s20;
	[sflag:s22] =	ssyncset.done $0x0  }
0xa0: {  	[sflag:s22] =	ssyncadd.s32 s3;
	_ =	sdelay $0x1  }
0xa1: {  	s23 =	simm.s32 $0x1B8B  }
0xa2: {  	_ =	swait.ge [sflag:s23], $0x1  }
0xa3: {  	[sflag:s23] =	ssyncset.done $0x0  }
0xa4: {  	s25 =	simm.s32 $0x1B8E;
	s24 =	sld [smem:$0x3FFE];
	[sflag:s23] =	ssyncadd.s32 $0xFFFFFFFF  }
0xa5: {  	s26 =	simm.s32 $execute0_lowered;
	[smem:$0x3FD2] =	sst s25  }
0xa6: {  	s4 =	sshll.u32 s26, $0x1;
	_ =	strace $0x80000046;
	[dreg:$0x1] =	wrdreg $0xFFFFFFFF  }
0xa7: {  	s28 =	simm.s32 $_size_execute0_lowered;
	s2 =	sadd.s32 s2, s4;
	[dreg:$0x0] =	wrdreg $0x0  }
0xa8: {  	s4 =	sshll.u32 s28, $0x1;
	[dreg:$0x2] =	wrdreg s2  }
0xa9: {  	[dreg:$0x3] =	wrdreg s4  }
0xaa: {  	[dreg:$0x4] =	wrdreg $0xC0  }
0xab: {  	_ =	task [dreg:s6], $0x5FFFF  }
0xac: {  	[dreg:$0x1] =	wrdreg $0xFFFFFFFF  }
0xad: {  	[dreg:$0x0] =	wrdreg $0x60  }
0xae: {  	[dreg:$0x2] =	wrdreg s24  }
0xaf: {  	[dreg:$0x3] =	wrdreg $0x9  }
0xb0: {  	_ =	task.clear_ibuf [dreg:s6], $0x4FFFF;
	_ =	strace $0x90000046  }
0xb1: {  	s29 =	simm.s32 $0x9;
	_ =	strace $0x80000048  }
0xb2: {  	_ =	swait.ge [sflag:s29], $0x1  }
0xb3: {  	[sflag:s29] =	ssyncadd.s32 $0xFFFFFFFF  }
0xb4: {  	_ =	strace $0x90000048  }
0xb5: {  	_ =	sfence  }
0xb6: {  	s30 =	sld [smem:$0x0];
	_ =	sdelay $0x2  }
0xb7: {  	s31 =	sshll.u32 s1, $0xD;
	s1 =	sshrl.u32 s1, $0x2  }
0xb8: {  	s3 =	sand.u32 $0x4000, s31;
	s1 =	sadd.s32 s1, s30  }
0xb9: {  	s0 =	sor.u32 s3, s0;
	s1 =	sshll.u32 s1, $0x11  }
0xba: {  	s0 =	sor.u32 s1, s0  }
0xbb: {  	s0 =	sadd.s32 $0x8F2B, s0  }
0xbc: {  	[sflag:s0] =	ssyncadd.remote.s32 $0x1  }
0xbd: {  	_ =	sfence.sel $0xFFFF  }
0xbe: {  	[dreg:$0x0] =	wrdreg $0xFFFFFFFF;
	(pc) =	sbr.abs _section_cstart, $3  }
0xbf: {  	[dreg:$0x1] =	wrdreg $0xFFFFFFFF  }
0xc0: {  	_ =	task.clear_ibuf [dreg:s6], $0x2FFFF;
	_ =	strace $0x9FFFFFFF  }
0xc1: {  	(tm) =	ssettm $0x7FFFFFFF  }
tec
execute0_lowered:
.L_overlay_start_1:
0x0: {  	(tag) =	ssettag $0x1  }
0x1: {  	s0 =	srdreg.scid  }
0x2: {  	s9 =	stileid.u32;
	s4 =	rddreg [dreg:$0x0];
	s23 =	simm.s32 $0x0  }
0x3: {  	s0 =	sand.u32 $0x1, s0;
	s1 =	sshll.u32 s9, $0x1;
	[smem:$0x7FF] =	sst s23  }
0x4: {  	s2 =	sadd.s32 $0x1200, s4;
	s24 =	smul.u32 $0x1900, s9;
	s1 =	sor.u32 s0, s1  }
0x5: {  	_ =	strace $0x80000047;
	s8 =	ssub.s32 $0x2, s0;
	s0 =	smul.u32 $0xC80, s0  }
0x6: {  	s3 =	smul.u32 $0xC80, s1;
	s6 =	sshll.u32 s1, $0x1;
	s1 =	sshll.u32 s1, $0x8  }
0x7: {  	[dreg:$0x3] =	wrdreg s2;
	s1 =	sadd.s32 s1, s4;
	s0 =	sadd.s32 s0, s24  }
0x8: {  	s13 =	sadd.s32 $0xE2200, s1;
	[dreg:$0x2] =	wrdreg s0  }
0x9: {  	s15 =	sadd.s32 $0xE4200, s1;
	[dreg:$0x5] =	wrdreg s13  }
0xa: {  	s7 =	sshll.u32 s9, $0x2;
	s17 =	sadd.s32 $0xE6200, s1;
	[dreg:$0x7] =	wrdreg s15  }
0xb: {  	s7 =	sand.u32 $0x30, s7;
	s19 =	sadd.s32 $0xE8200, s1;
	[dreg:$0x9] =	wrdreg s17  }
0xc: {  	s10 =	sshrl.u32 s8, $0x1;
	s21 =	sadd.s32 $0xEA200, s1;
	[dreg:$0xb] =	wrdreg s19  }
0xd: {  	s6 =	sand.u32 $0xE, s6;
	s25 =	sadd.s32 $0xEC200, s1;
	[dreg:$0xd] =	wrdreg s21  }
0xe: {  	s11 =	ssub.s32 s8, s10;
	s28 =	sadd.s32 $0xEE200, s1;
	[dreg:$0xf] =	wrdreg s25  }
0xf: {  	s5 =	sadd.s32 s3, s4;
	s1 =	sadd.s32 $0xF0200, s1;
	[dreg:$0x11] =	wrdreg s28  }
0x10: {  	s6 =	sor.u32 s7, s6;
	s31 =	smax.u32 s11, $0x1;
	[dreg:$0x13] =	wrdreg s1  }
0x11: {  	s4 =	sadd.s32 s6, s4;
	s12 =	sadd.s32 $0xC9200, s5;
	[dreg:$0x15] =	wrdreg s31  }
0x12: {  	[dreg:$0x4] =	wrdreg s12;
	s14 =	sadd.s32 $0xF2200, s4  }
0x13: {  	s16 =	sadd.s32 $0xF2240, s4;
	[dreg:$0x6] =	wrdreg s14  }
0x14: {  	s18 =	sadd.s32 $0xF2280, s4;
	[dreg:$0x8] =	wrdreg s16  }
0x15: {  	s20 =	sadd.s32 $0xF22C0, s4;
	[dreg:$0xa] =	wrdreg s18  }
0x16: {  	s22 =	sadd.s32 $0xF2300, s4;
	[dreg:$0xc] =	wrdreg s20  }
0x17: {  	v0 =	vimm.s32 $0xECA86420;
	s26 =	sadd.s32 $0xF2340, s4;
	[dreg:$0xe] =	wrdreg s22  }
0x18: {  	v1 =	vunpack.c.l.s4.s8 v0;
	s29 =	sadd.s32 $0xF2380, s4;
	[dreg:$0x10] =	wrdreg s26  }
0x19: {  	s30 =	sadd.s32 $0xF23C0, s4;
	[dreg:$0x12] =	wrdreg s29  }
0x1a: {  	v2 =	vimm.s32 $0x0;
	v0 =	vlaneseq.u32;
	v1 =	vunpack.c.0.s8.s32 v1;
	s1 =	simm.s32 $0x0;
	[dreg:$0x14] =	wrdreg s30;
	s22 =	simm.s32 $0x2  }
.LBB2_1:
0x1b: {  	[dreg:$0x16] =	wrdreg s1  }
0x1c: {  	s0 =	rddreg [dreg:$0x4]  }
0x1d: {  	[tilespmem:s23], [sflag:$0x2] =	stream.linear.gather [hbm4b:s0+s23], $0x6400, $0x38;
	[tilespmem:$0x6C10] =	vst v63  }
0x1e: {  	_ =	swait.ge [sflag:s22], $0x6400  }
0x1f: {  	s20 =	sand.u32 $0x40, s23;
	s21 =	sand.u32 $0x7C00, s23;
	[sflag:s22] =	ssyncset.done $0x0  }
0x20: {  	s4 =	sor.u32 s20, s21;
	[sflag:s22] =	ssyncadd.s32 $0xFFFF9C00  }
0x21: {  	v3 =	vld [tilespmem:s4+$0x100];
	_ =	sdelay $0x1  }
0x22: {  	s24 =	rddreg [dreg:$0x2]  }
0x23: {  	s1 =	sadd.s32 $0x0, s24  }
0x24: {  	v4 =	vor.u32 s1, v0  }
0x25: {  	(xrf1) =	vsort.dscd.msk.f32 $0xffff, v3, v4;
	v3 =	vld [tilespmem:s4+$0x280];
	_ =	sdelay $0x2  }
0x26: {  	v5 =	vld [tilespmem:s4+$0x300]  }
0x27: {  	v6 =	vld [tilespmem:s4+$0x0]  }
0x28: {  	v7 =	vld [tilespmem:s4+$0x200];
	(xrf1) =	vsort.dscd.msk.f32 $0xffff, v3, v4;
	_ =	sdelay $0x2  }
0x29: {  	s5 =	simm.s32 $0x10;
	(xrf1) =	vsort.dscd.msk.f32 $0xffff, v5, v4  }
0x2a: {  	s5 =	sand.u32 $0x50, s5;
	v3 =	vld [tilespmem:s4+$0x180];
	(xrf1) =	vsort.dscd.msk.f32 $0xffff, v6, v4  }
0x2b: {  	s5 =	sor.u32 s5, s21;
	(xrf1) =	vsort.dscd.msk.f32 $0xffff, v7, v4  }
0x2c: {  	v5 =	vld [tilespmem:s5+$0x100];
	_ =	sdelay $0x1  }
0x2d: {  	v7 =	vld [tilespmem:s4+$0x380]  }
0x2e: {  	s6 =	sadd.s32 $0x10, s1;
	v6 =	vimm.f32 $+Inf;
	(xrf1) =	vsort.dscd.msk.f32 $0xffff, v3, v4;
	v3 =	vld [tilespmem:s4+$0x80];
	v8, v9, _ =	vpop (xrf1)  }
0x2f: {  	v10 =	vor.u32 s6, v0;
	vm4 =	vlt.f32 v8, v6  }
0x30: {  	(xrf1) =	vsort.dscd.msk.f32 $0xffff, v5, v10;
	v8 =	vsel vm4, v8, v6;
	v9 =	vsel vm4, v9, v2  }
0x31: {  	v5 =	vld [tilespmem:s5+$0x280];
	(xrf1) =	vsort.ascd.msk.f32 $0xffff, v8, v9  }
0x32: {  	(xrf1) =	vsort.dscd.msk.f32 $0xffff, v7, v4  }
0x33: {  	(xrf1) =	vsort.dscd.msk.f32 $0xffff, v3, v4;
	v4, v7, _ =	vpop (xrf1)  }
0x34: {  	vm4 =	vlt.f32 v4, v6  }
0x35: {  	v7 =	vsel vm4, v7, v2  }
0x36: {  	v3 =	vld [tilespmem:s5+$0x0];
	(xrf1) =	vsort.dscd.msk.f32 $0xffff, v5, v10;
	v5, v9, _ =	vpop (xrf1)  }
0x37: {  	v4 =	vsel vm4, v4, v6;
	v11, v12, _ =	vpop (xrf1)  }
0x38: {  	v8 =	vld [tilespmem:s5+$0x200];
	(xrf1) =	vsort.ascd.msk.f32 $0xffff, v4, v7;
	vm4 =	vlt.f32 v11, v6;
	v7, v13, _ =	vpop (xrf1)  }
0x39: {  	v11 =	vsel vm4, v11, v6;
	v12 =	vsel vm4, v12, v2;
	vm4 =	vlt.f32 v7, v6  }
0x3a: {  	v13 =	vsel vm4, v13, v2  }
0x3b: {  	(xrf1) =	vsort.dscd.msk.f32 $0xffff, v3, v10;
	v7 =	vsel vm4, v7, v6  }
0x3c: {  	s25 =	simm.s32 $0x20;
	(xrf1) =	vsort.ascd.msk.f32 $0xffff, v11, v12  }
0x3d: {  	s4 =	sand.u32 $0x60, s25;
	v4 =	vld [tilespmem:s5+$0x180];
	(xrf1) =	vsort.dscd.msk.f32 $0xffff, v8, v10;
	v11, v12, _ =	vpop (xrf1)  }
0x3e: {  	s4 =	sor.u32 s4, s21;
	(xrf1) =	vsort.ascd.msk.f32 $0xffff, v7, v13;
	vm4 =	vlt.f32 v11, v6;
	v7, v13, _ =	vpop (xrf1)  }
0x3f: {  	v3 =	vld [tilespmem:s4+$0x100];
	v12 =	vsel vm4, v12, v2;
	v14, v15, _ =	vpop (xrf1)  }
0x40: {  	v11 =	vsel vm4, v11, v6;
	vm4 =	vlt.f32 v7, v14  }
0x41: {  	v8 =	vld [tilespmem:s5+$0x380];
	v13 =	vsel vm4, v13, v15  }
0x42: {  	s26 =	sadd.s32 $0x20, s1;
	(xrf1) =	vsort.dscd.msk.f32 $0xffff, v4, v10;
	v7 =	vsel vm4, v7, v14  }
0x43: {  	v16 =	vor.u32 s26, v0;
	(xrf1) =	vsort.ascd.msk.f32 $0xffff, v11, v12;
	v11, v12, _ =	vpop (xrf1)  }
0x44: {  	(xrf1) =	vsort.dscd.msk.f32 $0xffff, v3, v16;
	vm4 =	vlt.f32 v11, v6  }
0x45: {  	v4 =	vld [tilespmem:s5+$0x80];
	(xrf1) =	vsort.ascd.msk.f32 $0xffff, v7, v13;
	v11 =	vsel vm4, v11, v6;
	v7, v13, _ =	vpop (xrf1)  }
0x46: {  	v12 =	vsel vm4, v12, v2;
	(xrf1) =	vsort.dscd.msk.f32 $0xffff, v8, v10;
	vm4 =	vlt.f32 v7, v6  }
0x47: {  	v3 =	vld [tilespmem:s5+$0x300];
	(xrf1) =	vsort.ascd.msk.f32 $0xffff, v11, v12;
	v11 =	vsel vm4, v13, v2;
	_ =	sdelay $0x1  }
0x48: {  	v8 =	vld [tilespmem:s4+$0x280];
	v7 =	vsel vm4, v7, v6;
	vm4 =	vlt.f32 v5, v6  }
0x49: {  	(xrf1) =	vsort.dscd.msk.f32 $0xffff, v4, v10;
	v4, v56, _ =	vpop (xrf1);
	v5 =	vsel vm4, v5, v6;
	v6 =	vsel vm4, v9, v2  }
0x4a: {  	(xrf1) =	vsort.ascd.msk.f32 $0xffff, v7, v11;
	v9, v11, _ =	vpop (xrf1)  }
0x4b: {  	(xrf1) =	vsort.dscd.msk.f32 $0xffff, v3, v10;
	vm4 =	vlt.f32 v4, v9  }
0x4c: {  	(xrf1) =	vsort.ascd.msk.f32 $0xffff, v5, v6;
	v3 =	vsel vm4, v4, v9;
	v4 =	vsel vm4, v56, v11;
	v6, v9, _ =	vpop (xrf1)  }
0x4d: {  	v7 =	vld [tilespmem:s4+$0x0];
	(xrf1) =	vsort.dscd.msk.f32 $0xffff, v8, v16;
	v8, v10, _ =	vpop (xrf1)  }
0x4e: {  	vm4 =	vlt.f32 v6, v8  }
0x4f: {  	(xrf1) =	vsort.ascd.msk.f32 $0xffff, v3, v4;
	v4, v11, _ =	vpop (xrf1);
	v6 =	vsel vm4, v6, v8;
	v8 =	vsel vm4, v9, v10  }
0x50: {  	v5 =	vld [tilespmem:s4+$0x200];
	v9, v10, _ =	vpop (xrf1)  }
0x51: {  	vm4 =	vlt.f32 v4, v9  }
0x52: {  	(xrf1) =	vsort.dscd.msk.f32 $0xffff, v7, v16;
	v4 =	vsel vm4, v4, v9;
	v9 =	vsel vm4, v11, v10  }
0x53: {  	s31 =	simm.s32 $0x30;
	(xrf1) =	vsort.ascd.msk.f32 $0xffff, v6, v8;
	v6, v8, _ =	vpop (xrf1)  }
0x54: {  	s5 =	sand.u32 $0x70, s31;
	v3 =	vld [tilespmem:s4+$0x180];
	v10, v11, _ =	vpop (xrf1)  }
0x55: {  	s0 =	sor.u32 s5, s21;
	(xrf1) =	vsort.dscd.msk.f32 $0xffff, v5, v16;
	vm4 =	vlt.f32 v6, v10  }
0x56: {  	v7 =	vld [tilespmem:s0+$0x100];
	(xrf1) =	vsort.ascd.msk.f32 $0xffff, v4, v9;
	v4, v9, _ =	vpop (xrf1);
	v8 =	vsel vm4, v8, v11  }
0x57: {  	v6 =	vsel vm4, v6, v10;
	v10, v11, _ =	vpop (xrf1)  }
0x58: {  	v5 =	vld [tilespmem:s4+$0x380];
	vm4 =	vlt.f32 v4, v10  }
0x59: {  	s1 =	sadd.s32 $0x30, s1;
	(xrf1) =	vsort.dscd.msk.f32 $0xffff, v3, v16;
	v9 =	vsel vm4, v9, v11  }
0x5a: {  	v57 =	vld [tilespmem:s4+$0x80];
	v3 =	vor.u32 s1, v0;
	(xrf1) =	vsort.ascd.msk.f32 $0xffff, v6, v8;
	v6, v8, _ =	vpop (xrf1)  }
0x5b: {  	(xrf1) =	vsort.dscd.msk.f32 $0xffff, v7, v3;
	v4 =	vsel vm4, v4, v10;
	v10, v11, _ =	vpop (xrf1)  }
0x5c: {  	v58 =	vld [tilespmem:s4+$0x300];
	(xrf1) =	vsort.ascd.msk.f32 $0xffff, v4, v9;
	vm4 =	vlt.f32 v6, v10;
	v7, v59, _ =	vpop (xrf1)  }
0x5d: {  	(xrf1) =	vsort.dscd.msk.f32 $0xffff, v5, v16;
	v4 =	vsel vm4, v6, v10;
	v6 =	vsel vm4, v8, v11;
	v8, v9, _ =	vpop (xrf1)  }
0x5e: {  	vm4 =	vlt.f32 v7, v8;
	v10, v11, _ =	vpop (xrf1);
	(xrf1) =	vsort.ascd.msk.f32 $0xffff, v4, v6  }
0x5f: {  	v4 =	vld [tilespmem:s0+$0x200];
	v5 =	vsel vm4, v7, v8;
	v6 =	vsel vm4, v59, v9;
	v61, v60, _ =	vpop (xrf1);
	(xrf1) =	vsort.dscd.msk.f32 $0xffff, v57, v16  }
0x60: {  	v7 =	vld [tilespmem:s0+$0x280];
	vm4 =	vlt.f32 v10, v61;
	(xrf1) =	vsort.ascd.msk.f32 $0xffff, v5, v6;
	v9, v8, _ =	vpop (xrf1)  }
0x61: {  	v5 =	vld [tilespmem:s0+$0x380];
	v62 =	vsel vm4, v10, v61;
	v63 =	vsel vm4, v11, v60;
	v11, v10, _ =	vpop (xrf1);
	(xrf1) =	vsort.dscd.msk.f32 $0xffff, v58, v16  }
0x62: {  	s28 =	simm.s32 $0x0;
	s29 =	simm.s32 $0x40;
	s30 =	simm.s32 $0x200;
	v6 =	vld [tilespmem:s0+$0x0];
	vm4 =	vlt.f32 v9, v11;
	(xrf1) =	vsort.ascd.msk.f32 $0xffff, v62, v63  }
.LBB2_2:
0x63: {  	_ =	sdelay $0x1  }
0x64: {  	v15 =	vsel vm4, v9, v11;
	v8 =	vsel vm4, v8, v10;
	v10, v11, _ =	vpop (xrf1);
	(xrf1) =	vsort.dscd.msk.f32 $0xffff, v7, v3  }
0x65: {  	v12, v13, _ =	vpop (xrf1);
	(xrf1) =	vsort.ascd.msk.f32 $0xffff, v15, v8  }
0x66: {  	s1 =	sand.u32 $0x40, s29;
	s31 =	sand.u32 $0x7C00, s30;
	vm4 =	vlt.f32 v10, v12;
	v9, v14, _ =	vpop (xrf1);
	v7 =	vld [tilespmem:s0+$0x180];
	(xrf1) =	vsort.dscd.msk.f32 $0xffff, v5, v3  }
0x67: {  	s5 =	sor.u32 s1, s31;
	v16 =	vsel vm4, v10, v12;
	v34 =	vsel vm4, v11, v13;
	v35, v36, _ =	vpop (xrf1);
	(xrf1) =	vsort.dscd.msk.f32 $0xffff, v6, v3  }
0x68: {  	vm4 =	vlt.f32 v9, v35;
	v10, v11, _ =	vpop (xrf1);
	v5 =	vld [tilespmem:s5+$0x100];
	(xrf1) =	vsort.ascd.msk.f32 $0xffff, v16, v34  }
0x69: {  	v18 =	vsel vm4, v9, v35;
	v17 =	vsel vm4, v14, v36;
	v13, v14, _ =	vpop (xrf1);
	(xrf1) =	vsort.dscd.msk.f32 $0xffff, v4, v3  }
0x6a: {  	s20 =	rddreg [dreg:$0x2];
	vm4 =	vlt.f32 v10, v13;
	v9, v12, _ =	vpop (xrf1);
	(xrf1) =	vsort.ascd.msk.f32 $0xffff, v18, v17  }
0x6b: {  	s1 =	sadd.s32 s29, s20;
	v19 =	vsel vm4, v10, v13;
	v40 =	vsel vm4, v11, v14;
	v41, v42, _ =	vpop (xrf1);
	(xrf1) =	vsort.dscd.msk.f32 $0xffff, v7, v3  }
0x6c: {  	v10, v11, _ =	vpop (xrf1);
	v4 =	vor.u32 s1, v0;
	(xrf1) =	vsort.ascd.msk.f32 $0xffff, v19, v40  }
0x6d: {  	v38 =	vld [tilespmem:s0+$0x80];
	vm4 =	vlt.f32 v9, v41;
	v45, v44, _ =	vpop (xrf1);
	(xrf1) =	vsort.dscd.msk.f32 $0xffff, v5, v4  }
0x6e: {  	v47, v20, _ =	vpop (xrf1);
	v5 =	vsel vm4, v9, v41;
	v9 =	vsel vm4, v12, v42;
	vm4 =	vlt.f32 v10, v45  }
0x6f: {  	v6 =	vld [tilespmem:s0+$0x300];
	(xrf1) =	vsort.ascd.msk.f32 $0xffff, v5, v9;
	v5 =	vsel vm4, v10, v45;
	v22 =	vsel vm4, v11, v44;
	v10, v11, _ =	vpop (xrf1)  }
0x70: {  	vm4 =	vlt.f32 v47, v10;
	v48, v49, _ =	vpop (xrf1)  }
0x71: {  	v39 =	vld [tilespmem:s5+$0x280];
	(xrf1) =	vsort.ascd.msk.f32 $0xffff, v5, v22;
	v21 =	vsel vm4, v47, v10;
	v50 =	vsel vm4, v20, v11;
	v10, v11, _ =	vpop (xrf1)  }
0x72: {  	(xrf1) =	vsort.dscd.msk.f32 $0xffff, v38, v3;
	vm4 =	vlt.f32 v48, v10  }
0x73: {  	v7 =	vld [tilespmem:s5+$0x300];
	(xrf1) =	vsort.ascd.msk.f32 $0xffff, v21, v50;
	v5, v9, _ =	vpop (xrf1);
	v10 =	vsel vm4, v48, v10  }
0x74: {  	v51 =	vsel vm4, v49, v11;
	v52, v53, _ =	vpop (xrf1);
	(xrf1) =	vsort.dscd.msk.f32 $0xffff, v6, v3  }
0x75: {  	v8 =	vld [tilespmem:s5+$0x0];
	vm4 =	vlt.f32 v5, v52;
	(xrf1) =	vsort.ascd.msk.f32 $0xffff, v10, v51;
	v3, v6, _ =	vpop (xrf1)  }
0x76: {  	(xrf1) =	vsort.dscd.msk.f32 $0xffff, v39, v4;
	v54 =	vsel vm4, v5, v52;
	v9 =	vsel vm4, v9, v53;
	v10, v11, _ =	vpop (xrf1)  }
0x77: {  	v46 =	vld [tilespmem:s5+$0x200];
	v55, v56, _ =	vpop (xrf1);
	(xrf1) =	vsort.ascd.msk.f32 $0xffff, v54, v9  }
0x78: {  	(xrf1) =	vsort.dscd.msk.f32 $0xffff, v7, v4;
	vm4 =	vlt.f32 v10, v55;
	v5, v7, _ =	vpop (xrf1)  }
0x79: {  	v37 =	vld [tilespmem:s5+$0x180];
	v58 =	vsel vm4, v11, v56;
	v11, v59, _ =	vpop (xrf1)  }
0x7a: {  	s21 =	sadd.s32 $0x10, s29;
	(xrf1) =	vsort.dscd.msk.f32 $0xffff, v8, v4;
	v57 =	vsel vm4, v10, v55;
	vm4 =	vlt.f32 v5, v11;
	v8, v10, _ =	vpop (xrf1)  }
0x7b: {  	s0 =	sand.u32 $0x50, s21;
	(xrf1) =	vsort.ascd.msk.f32 $0xffff, v57, v58;
	v5 =	vsel vm4, v5, v11;
	v11, v62, _ =	vpop (xrf1)  }
0x7c: {  	s0 =	sor.u32 s0, s31;
	(xrf1) =	vsort.dscd.msk.f32 $0xffff, v46, v4;
	v7 =	vsel vm4, v7, v59;
	v22, v21, _ =	vpop (xrf1);
	vm4 =	vlt.f32 v8, v11  }
0x7d: {  	v9 =	vld [tilespmem:s0+$0x100];
	(xrf1) =	vsort.ascd.msk.f32 $0xffff, v5, v7;
	v8 =	vsel vm4, v8, v11;
	v11, v23, _ =	vpop (xrf1)  }
0x7e: {  	(xrf1) =	vsort.dscd.msk.f32 $0xffff, v37, v4;
	v10 =	vsel vm4, v10, v62;
	vm4 =	vlt.f32 v22, v11  }
0x7f: {  	v43 =	vld [tilespmem:s5+$0x380];
	(xrf1) =	vsort.ascd.msk.f32 $0xffff, v8, v10;
	v10 =	vsel vm4, v21, v23  }
0x80: {  	s6 =	sadd.s32 $0x10, s1;
	v8 =	vsel vm4, v22, v11  }
0x81: {  	v60 =	vld [tilespmem:s5+$0x80];
	v7 =	vor.u32 s6, v0  }
0x82: {  	(xrf1) =	vsort.dscd.msk.f32 $0xffff, v9, v7;
	v9, v25, _ =	vpop (xrf1)  }
0x83: {  	(xrf1) =	vsort.ascd.msk.f32 $0xffff, v8, v10;
	vm4 =	vlt.f32 v3, v9;
	v8, v10, _ =	vpop (xrf1)  }
0x84: {  	v11 =	vld [tilespmem:s0+$0x280];
	v3 =	vsel vm4, v3, v9;
	v27 =	vsel vm4, v6, v25;
	(xrf1) =	vsort.dscd.msk.f32 $0xffff, v43, v4;
	v9, v28, _ =	vpop (xrf1)  }
0x85: {  	vm4 =	vlt.f32 v8, v9;
	v31, v30, _ =	vpop (xrf1);
	(xrf1) =	vsort.ascd.msk.f32 $0xffff, v3, v27  }
0x86: {  	(xrf1) =	vsort.dscd.msk.f32 $0xffff, v60, v4;
	v3 =	vsel vm4, v8, v9;
	v6, v8, _ =	vpop (xrf1)  }
0x87: {  	v61 =	vld [tilespmem:s0+$0x180];
	v4 =	vsel vm4, v10, v28;
	v9, v10, _ =	vpop (xrf1);
	vm4 =	vlt.f32 v31, v6  }
0x88: {  	v5 =	vld [tilespmem:s0+$0x0];
	(xrf1) =	vsort.ascd.msk.f32 $0xffff, v3, v4;
	v3 =	vsel vm4, v31, v6;
	v20 =	vsel vm4, v30, v8;
	v6, v8, _ =	vpop (xrf1)  }
0x89: {  	v63 =	vld [tilespmem:s0+$0x380];
	(xrf1) =	vsort.dscd.msk.f32 $0xffff, v11, v7;
	vm4 =	vlt.f32 v9, v6;
	v11, v32, _ =	vpop (xrf1)  }
0x8a: {  	v24 =	vld [tilespmem:s0+$0x200];
	(xrf1) =	vsort.ascd.msk.f32 $0xffff, v3, v20;
	v33 =	vsel vm4, v9, v6;
	v34 =	vsel vm4, v10, v8;
	v6, v8, _ =	vpop (xrf1)  }
0x8b: {  	s24 =	sadd.s32 $0x20, s29;
	v26 =	vld [tilespmem:s0+$0x300];
	v3, v4, _ =	vpop (xrf1)  }
0x8c: {  	v29 =	vld [tilespmem:s0+$0x80];
	s0 =	sand.u32 $0x60, s24;
	(xrf1) =	vsort.ascd.msk.f32 $0xffff, v33, v34;
	vm4 =	vlt.f32 v6, v3;
	v9, v10, _ =	vpop (xrf1)  }
0x8d: {  	s25 =	sor.u32 s0, s31;
	(xrf1) =	vsort.dscd.msk.f32 $0xffff, v5, v7;
	v35 =	vsel vm4, v6, v3;
	v36 =	vsel vm4, v8, v4;
	v5, v6, _ =	vpop (xrf1)  }
0x8e: {  	v8 =	vld [tilespmem:s25+$0x100];
	vm4 =	vlt.f32 v9, v5;
	(xrf1) =	vsort.ascd.msk.f32 $0xffff, v35, v36;
	v3, v4, _ =	vpop (xrf1)  }
0x8f: {  	v37 =	vsel vm4, v9, v5;
	v38 =	vsel vm4, v10, v6;
	(xrf1) =	vsort.dscd.msk.f32 $0xffff, v24, v7;
	v9, v10, _ =	vpop (xrf1)  }
0x90: {  	vm4 =	vlt.f32 v3, v9;
	(xrf1) =	vsort.ascd.msk.f32 $0xffff, v37, v38;
	v5, v6, _ =	vpop (xrf1)  }
0x91: {  	s4 =	sadd.s32 $0x20, s1;
	v39 =	vsel vm4, v3, v9;
	v40 =	vsel vm4, v4, v10;
	v9, v10, _ =	vpop (xrf1);
	(xrf1) =	vsort.dscd.msk.f32 $0xffff, v61, v7  }
0x92: {  	v41 =	vor.u32 s4, v0;
	vm4 =	vlt.f32 v5, v9;
	(xrf1) =	vsort.ascd.msk.f32 $0xffff, v39, v40;
	v3, v4, _ =	vpop (xrf1)  }
0x93: {  	v42 =	vsel vm4, v5, v9;
	v43 =	vsel vm4, v6, v10;
	(xrf1) =	vsort.dscd.msk.f32 $0xffff, v8, v41;
	v8, v9, _ =	vpop (xrf1)  }
0x94: {  	v10, v44, _ =	vpop (xrf1);
	(xrf1) =	vsort.ascd.msk.f32 $0xffff, v42, v43  }
0x95: {  	vm4 =	vlt.f32 v3, v8  }
0x96: {  	v45 =	vsel vm4, v3, v8;
	v46 =	vsel vm4, v4, v9;
	(xrf1) =	vsort.dscd.msk.f32 $0xffff, v63, v7;
	v5, v6, _ =	vpop (xrf1)  }
0x97: {  	v8 =	vld [tilespmem:s25+$0x280];
	vm4 =	vlt.f32 v10, v5;
	(xrf1) =	vsort.ascd.msk.f32 $0xffff, v45, v46;
	v3, v4, _ =	vpop (xrf1)  }
0x98: {  	v5 =	vsel vm4, v10, v5;
	v6 =	vsel vm4, v44, v6;
	(xrf1) =	vsort.dscd.msk.f32 $0xffff, v29, v7;
	v9, v10, _ =	vpop (xrf1)  }
0x99: {  	vm4 =	vlt.f32 v11, v9;
	(xrf1) =	vsort.ascd.msk.f32 $0xffff, v5, v6  }
0x9a: {  	v5 =	vsel vm4, v11, v9;
	v12 =	vsel vm4, v32, v10;
	v9 =	vld [tilespmem:s25+$0x0];
	v10, v11, _ =	vpop (xrf1);
	(xrf1) =	vsort.dscd.msk.f32 $0xffff, v26, v7  }
0x9b: {  	vm4 =	vlt.f32 v3, v10;
	(xrf1) =	vsort.ascd.msk.f32 $0xffff, v5, v12;
	v6, v7, _ =	vpop (xrf1)  }
0x9c: {  	v5 =	vld [tilespmem:s25+$0x200];
	v3 =	vsel vm4, v3, v10;
	v47 =	vsel vm4, v4, v11;
	(xrf1) =	vsort.dscd.msk.f32 $0xffff, v8, v41;
	v8, v10, _ =	vpop (xrf1)  }
0x9d: {  	s26 =	sadd.s32 $0x30, s29;
	(xrf1) =	vsort.ascd.msk.f32 $0xffff, v3, v47;
	vm4 =	vlt.f32 v6, v8;
	v4, v11, _ =	vpop (xrf1)  }
0x9e: {  	s0 =	sand.u32 $0x70, s26;
	v3 =	vld [tilespmem:s25+$0x180];
	v48 =	vsel vm4, v6, v8;
	v49 =	vsel vm4, v7, v10;
	v8, v10, _ =	vpop (xrf1)  }
0x9f: {  	s0 =	sor.u32 s0, s31;
	(xrf1) =	vsort.dscd.msk.f32 $0xffff, v9, v41;
	vm4 =	vlt.f32 v4, v8;
	v6, v7, _ =	vpop (xrf1)  }
0xa0: {  	v9 =	vld [tilespmem:s0+$0x100];
	(xrf1) =	vsort.ascd.msk.f32 $0xffff, v48, v49;
	v51 =	vsel vm4, v11, v10;
	v11, v52, _ =	vpop (xrf1)  }
0xa1: {  	v50 =	vsel vm4, v4, v8;
	(xrf1) =	vsort.dscd.msk.f32 $0xffff, v5, v41;
	vm4 =	vlt.f32 v6, v11;
	v8, v10, _ =	vpop (xrf1)  }
0xa2: {  	v5 =	vld [tilespmem:s25+$0x380];
	(xrf1) =	vsort.ascd.msk.f32 $0xffff, v50, v51;
	v53 =	vsel vm4, v6, v11;
	v11, v55, _ =	vpop (xrf1)  }
0xa3: {  	s1 =	sadd.s32 $0x30, s1;
	v54 =	vsel vm4, v7, v52;
	(xrf1) =	vsort.dscd.msk.f32 $0xffff, v3, v41;
	vm4 =	vlt.f32 v8, v11  }
0xa4: {  	v56 =	vld [tilespmem:s25+$0x80];
	v3 =	vor.u32 s1, v0;
	(xrf1) =	vsort.ascd.msk.f32 $0xffff, v53, v54;
	v6, v7, _ =	vpop (xrf1);
	v10 =	vsel vm4, v10, v55  }
0xa5: {  	v8 =	vsel vm4, v8, v11;
	v11, v57, _ =	vpop (xrf1);
	(xrf1) =	vsort.dscd.msk.f32 $0xffff, v9, v3  }
0xa6: {  	s28 =	sadd.s32 $0x4, s28;
	v58 =	vld [tilespmem:s25+$0x300];
	vm4 =	vlt.f32 v6, v11;
	v9, v59, _ =	vpop (xrf1);
	(xrf1) =	vsort.ascd.msk.f32 $0xffff, v8, v10  }
0xa7: {  	p0 =	slt.u32 s28, $0xC4;
	v6 =	vsel vm4, v6, v11;
	v60 =	vsel vm4, v7, v57;
	v10, v11, _ =	vpop (xrf1);
	(xrf1) =	vsort.dscd.msk.f32 $0xffff, v5, v41  }
.Ltmp0:
0xa8: {  	vm4 =	vlt.f32 v9, v10;
	v62, v61, _ =	vpop (xrf1);
	(xrf1) =	vsort.ascd.msk.f32 $0xffff, v6, v60;
	(pc) =	sbr.rel @p0 .LBB2_2-.Ltmp0, $4  }
0xa9: {  	v4 =	vld [tilespmem:s0+$0x200];
	v6 =	vsel vm4, v9, v10;
	v16 =	vsel vm4, v59, v11;
	v10, v11, _ =	vpop (xrf1);
	(xrf1) =	vsort.dscd.msk.f32 $0xffff, v56, v41  }
0xaa: {  	v7 =	vld [tilespmem:s0+$0x280];
	vm4 =	vlt.f32 v62, v10;
	(xrf1) =	vsort.ascd.msk.f32 $0xffff, v6, v16;
	v9, v8, _ =	vpop (xrf1)  }
0xab: {  	v5 =	vld [tilespmem:s0+$0x380];
	v12 =	vsel vm4, v62, v10;
	v63 =	vsel vm4, v61, v11;
	v11, v10, _ =	vpop (xrf1);
	(xrf1) =	vsort.dscd.msk.f32 $0xffff, v58, v41  }
0xac: {  	s30 =	sadd.s32 $0x200, s30;
	s29 =	sadd.s32 $0x40, s29;
	v6 =	vld [tilespmem:s0+$0x0];
	vm4 =	vlt.f32 v9, v11;
	(xrf1) =	vsort.ascd.msk.f32 $0xffff, v12, v63  }
0xad: {  	v9 =	vsel vm4, v9, v11  }
0xae: {  	v8 =	vsel vm4, v8, v10  }
0xaf: {  	v20, v19, _ =	vpop (xrf1);
	(xrf1) =	vsort.dscd.msk.f32 $0xffff, v7, v3  }
0xb0: {  	v21, v12, _ =	vpop (xrf1);
	(xrf1) =	vsort.ascd.msk.f32 $0xffff, v9, v8  }
0xb1: {  	vm1 =	vlt.f32 v20, v21;
	v8, v9, _ =	vpop (xrf1);
	(xrf1) =	vsort.dscd.msk.f32 $0xffff, v5, v3  }
0xb2: {  	v22 =	vsel vm1, v20, v21;
	v23 =	vsel vm1, v19, v12;
	v24, v25, _ =	vpop (xrf1);
	(xrf1) =	vsort.dscd.msk.f32 $0xffff, v6, v3  }
0xb3: {  	(xrf1) =	vsort.ascd.msk.f32 $0xffff, v22, v23;
	v27, v26, _ =	vpop (xrf1);
	vm2 =	vlt.f32 v8, v24  }
0xb4: {  	v28 =	vld [tilespmem:s0+$0x180];
	v29, v13, _ =	vpop (xrf1);
	v9 =	vsel vm2, v9, v25  }
0xb5: {  	v8 =	vsel vm2, v8, v24;
	v14, v15, _ =	vpop (xrf1);
	vm8 =	vlt.f32 v27, v29  }
0xb6: {  	v16, v17, _ =	vpop (xrf1);
	v6 =	vsel vm8, v26, v13  }
0xb7: {  	(xrf1) =	vsort.dscd.msk.f32 $0xffff, v4, v3;
	v5 =	vsel vm8, v27, v29;
	v31, v30, _ =	vpop (xrf1)  }
0xb8: {  	(xrf1) =	vsort.ascd.msk.f32 $0xffff, v8, v9;
	v8, v9, _ =	vpop (xrf1)  }
0xb9: {  	v32 =	vld [tilespmem:s0+$0x80];
	(xrf1) =	vsort.dscd.msk.f32 $0xffff, v28, v3;
	v34, v33, _ =	vpop (xrf1);
	vm10 =	vlt.f32 v31, v8  }
0xba: {  	vm9 =	vlt.f32 v14, v16;
	(xrf1) =	vsort.ascd.msk.f32 $0xffff, v5, v6;
	v5, v6, _ =	vpop (xrf1);
	v4 =	vsel vm10, v31, v8  }
0xbb: {  	v18 =	vld [tilespmem:s0+$0x300];
	v35 =	vsel vm9, v14, v16;
	v36 =	vsel vm9, v15, v17;
	v38, v37, _ =	vpop (xrf1)  }
0xbc: {  	(xrf1) =	vsort.ascd.msk.f32 $0xffff, v35, v36;
	v39 =	vsel vm10, v30, v9;
	vm11 =	vlt.f32 v34, v5;
	v9, v10, _ =	vpop (xrf1)  }
0xbd: {  	(xrf1) =	vsort.ascd.msk.f32 $0xffff, v4, v39;
	v6 =	vsel vm11, v33, v6;
	v4, v8, _ =	vpop (xrf1)  }
0xbe: {  	v5 =	vsel vm11, v34, v5;
	(xrf1) =	vsort.dscd.msk.f32 $0xffff, v32, v3;
	v40, v41, _ =	vpop (xrf1)  }
0xbf: {  	vm12 =	vlt.f32 v38, v9;
	(xrf1) =	vsort.ascd.msk.f32 $0xffff, v5, v6;
	v42, v43, _ =	vpop (xrf1)  }
0xc0: {  	v44 =	vsel vm12, v38, v9;
	v45 =	vsel vm12, v37, v10;
	(xrf1) =	vsort.dscd.msk.f32 $0xffff, v18, v3;
	v3, v46, _ =	vpop (xrf1)  }
0xc1: {  	vm13 =	vlt.f32 v4, v40;
	(xrf1) =	vsort.ascd.msk.f32 $0xffff, v44, v45;
	v5, v6, _ =	vpop (xrf1)  }
0xc2: {  	v4 =	vsel vm13, v4, v40;
	v47 =	vsel vm13, v8, v41;
	vm14 =	vlt.f32 v3, v5  }
0xc3: {  	(xrf1) =	vsort.ascd.msk.f32 $0xffff, v4, v47;
	v3 =	vsel vm14, v3, v5;
	v48 =	vsel vm14, v46, v6  }
0xc4: {  	(xrf1) =	vsort.ascd.msk.f32 $0xffff, v3, v48;
	_ =	sdelay $0x2  }
0xc5: {  	v49, v19, _ =	vpop (xrf1)  }
0xc6: {  	v20, v21, _ =	vpop (xrf1)  }
0xc7: {  	v22, v23, _ =	vpop (xrf1)  }
0xc8: {  	v24, v25, _ =	vpop (xrf1)  }
0xc9: {  	v3, v8, _ =	vpop (xrf1)  }
0xca: {  	v50, v51, _ =	vpop (xrf1)  }
0xcb: {  	v52, v3, _ =	vpop (xrf1)  }
0xcc: {  	v53, v54, _ =	vpop (xrf1)  }
0xcd: {  	v55, v56, _ =	vpop (xrf1)  }
0xce: {  	v11, v57, _ =	vpop (xrf1)  }
0xcf: {  	v58, v5, _ =	vpop (xrf1)  }
0xd0: {  	v26, v6, _ =	vpop (xrf1)  }
0xd1: {  	(v2sf) =	vpush v6, $0xD;
	_ =	sdelay $0x1  }
0xd2: {  	(v2sf) =	vpush v6, $0xC;
	_ =	sdelay $0x1  }
0xd3: {  	(v2sf) =	vpush v6, $0xE;
	_ =	sdelay $0x1  }
0xd4: {  	(v2sf) =	vpush v6, $0xF  }
0xd5: {  	(v2sf) =	vpush v6, $0x9;
	_ =	sdelay $0x1  }
0xd6: {  	(v2sf) =	vpush v6, $0x8;
	_ =	sdelay $0x1  }
0xd7: {  	(v2sf) =	vpush v6, $0xA;
	_ =	sdelay $0x1  }
0xd8: {  	(v2sf) =	vpush v6, $0xB;
	_ =	sdelay $0x1  }
0xd9: {  	(v2sf) =	vpush v6, $0x0;
	s17 =	spop (v2sf)  }
0xda: {  	s1 =	smulhi.u32 $0x51EB851F, s17;
	s0 =	sshra.s32 s17, $0x1F  }
0xdb: {  	s4 =	spop (v2sf);
	s0 =	smul.u32 $0x51EB851F, s0  }
0xdc: {  	(v2sf) =	vpush v6, $0x7;
	s5 =	smulhi.u32 $0x51EB851F, s4;
	s4 =	sshra.s32 s4, $0x1F  }
0xdd: {  	s6 =	spop (v2sf);
	s4 =	smul.u32 $0x51EB851F, s4  }
0xde: {  	(v2sf) =	vpush v6, $0x1;
	s7 =	smulhi.u32 $0x51EB851F, s6;
	s6 =	sshra.s32 s6, $0x1F  }
0xdf: {  	s19 =	spop (v2sf);
	s0 =	sadd.s32 s0, s1;
	s18 =	smul.u32 $0x51EB851F, s6  }
0xe0: {  	(v2sf) =	vpush v6, $0x2;
	s8 =	smulhi.u32 $0x51EB851F, s19;
	s6 =	sshra.s32 s19, $0x1F;
	s21 =	spop (v2sf)  }
0xe1: {  	s15 =	sshra.s32 s0, $0xB;
	s29 =	sadd.s32 s4, s5;
	s20 =	smul.u32 $0x51EB851F, s6  }
0xe2: {  	(v2sf) =	vpush v6, $0x3;
	s24 =	smulhi.u32 $0x51EB851F, s21;
	s5 =	sshra.s32 s21, $0x1F;
	s25 =	spop (v2sf)  }
0xe3: {  	s10 =	sshra.s32 s29, $0xB;
	s1 =	sadd.s32 s18, s7;
	s5 =	smul.u32 $0x51EB851F, s5  }
0xe4: {  	s9 =	smulhi.u32 $0x51EB851F, s25;
	s7 =	sshra.s32 s25, $0x1F;
	s26 =	spop (v2sf)  }
0xe5: {  	s16 =	sshra.s32 s1, $0xB;
	s28 =	sadd.s32 s20, s8;
	s7 =	smul.u32 $0x51EB851F, s7  }
0xe6: {  	(v2sf) =	vpush v6, $0x4;
	s30 =	smulhi.u32 $0x51EB851F, s26;
	s11 =	sshra.s32 s26, $0x1F;
	s2 =	spop (v2sf)  }
0xe7: {  	(v2sf) =	vpush v6, $0x5;
	s14 =	sshra.s32 s28, $0xB;
	s4 =	sadd.s32 s5, s24;
	s31 =	smul.u32 $0x51EB851F, s11  }
0xe8: {  	s3 =	smulhi.u32 $0x51EB851F, s2;
	s12 =	sshra.s32 s2, $0x1F;
	s21 =	spop (v2sf)  }
0xe9: {  	s17 =	sshra.s32 s4, $0xB;
	s6 =	sadd.s32 s7, s9;
	s20 =	smul.u32 $0x51EB851F, s12  }
0xea: {  	(v2sf) =	vpush v6, $0x6;
	s24 =	smulhi.u32 $0x51EB851F, s21;
	s9 =	sshra.s32 s21, $0x1F;
	s18 =	sshra.s32 s6, $0xB  }
0xeb: {  	s31 =	sadd.s32 s31, s30;
	s25 =	smul.u32 $0x51EB851F, s9;
	s26 =	spop (v2sf)  }
0xec: {  	vm5 =	vcmask $0x300;
	s19 =	sshra.s32 s31, $0xB;
	s30 =	smulhi.u32 $0x51EB851F, s26;
	s13 =	sshra.s32 s26, $0x1F  }
0xed: {  	vm7 =	vcmask $0x704;
	vm0 =	vcmask $0xB08;
	vm3 =	vcmask $0x2F2C;
	s5 =	sadd.s32 s20, s3;
	s3 =	spop (v2sf);
	s2 =	smul.u32 $0x51EB851F, s13  }
0xee: {  	vm6 =	vcmask $0x3734;
	vm1 =	vcmask $0x1B18;
	vm2 =	vcmask $0x1310;
	s7 =	sadd.s32 s25, s24;
	s13 =	smulhi.u32 $0x51EB851F, s3;
	s24 =	sshra.s32 s3, $0x1F  }
0xef: {  	vm8 =	vcmask $0x2320;
	vm9 =	vcmask $0xF0C;
	vm10 =	vmmov vm1;
	s11 =	sshra.s32 s7, $0xB;
	s20 =	spop (v2sf);
	s26 =	smul.u32 $0x51EB851F, s24  }
0xf0: {  	vm11 =	vcmask $0x1714;
	vm12 =	vmmov vm2;
	vm4 =	vlt.f32 v49, v20;
	s30 =	sadd.s32 s2, s30;
	s2 =	smulhi.u32 $0x51EB851F, s20;
	s20 =	sshra.s32 s20, $0x1F  }
0xf1: {  	vm13 =	vcmask $0x1F1C;
	v18 =	vsel vm4, v49, v20;
	vm15 =	vlt.f32 v22, v24;
	s25 =	sshra.s32 s30, $0x1F;
	s3 =	smul.u32 $0x51EB851F, s20;
	s20 =	spop (v2sf)  }
0xf2: {  	v19 =	vsel vm4, v19, v21;
	v61 =	vsel vm15, v22, v24;
	s9 =	sadd.s32 s26, s13;
	v26 =	vmov s25;
	s25 =	smulhi.u32 $0x51EB851F, s20;
	s26 =	sshra.s32 s20, $0x1F  }
0xf3: {  	v62 =	vsel vm15, v23, v25;
	vm15 =	vlt.f32 v42, v50;
	s8 =	sshra.s32 s7, $0x1F;
	v27 =	vsel vm5, s11, v26;
	s12 =	sadd.s32 s3, s2;
	s2 =	smul.u32 $0x51EB851F, s26  }
0xf4: {  	v13 =	vsel vm15, v42, v50;
	v12 =	vsel vm15, v43, v51;
	s21 =	sshra.s32 s5, $0xB;
	s24 =	sshra.s32 s9, $0xB;
	s11 =	sshra.s32 s9, $0x1F;
	v27 =	vsel vm7, s8, v27  }
0xf5: {  	v60 =	vmov s10;
	v28 =	vmov s18;
	s3 =	sshra.s32 s12, $0xB;
	v59 =	vsel vm0, s24, v27;
	s24 =	spop (v2sf);
	s13 =	sadd.s32 s2, s25  }
0xf6: {  	v63 =	vsel vm0, s15, v60;
	v30 =	vsel vm0, s17, v28;
	v20 =	vsel vm9, s11, v59;
	s20 =	smulhi.u32 $0x51EB851F, s24;
	s2 =	sshra.s32 s24, $0x1F;
	s24 =	spop (v2sf)  }
0xf7: {  	v29 =	vsel vm2, s16, v63;
	v31 =	vsel vm2, s19, v30;
	s10 =	sshra.s32 s12, $0x1F;
	v20 =	vsel vm2, s3, v20;
	s25 =	smul.u32 $0x51EB851F, s2;
	s26 =	sshra.s32 s24, $0x1F  }
0xf8: {  	v16 =	vsel vm1, s14, v29;
	v15 =	vsel vm1, s21, v31;
	s3 =	sshra.s32 s13, $0xB;
	v20 =	vsel vm11, s10, v20;
	s26 =	smul.u32 $0x51EB851F, s26  }
0xf9: {  	vm15 =	vlt.f32 v52, v53;
	v15 =	vcombine.low v15, v16;
	s2 =	spop (v2sf);
	v20 =	vsel vm1, s3, v20;
	s3 =	smulhi.u32 $0x51EB851F, s24  }
0xfa: {  	v14 =	vsel vm15, v52, v53;
	v9 =	vsel vm15, v3, v54;
	vm4 =	vlt.f32 v55, v11;
	s15 =	sshra.s32 s13, $0x1F;
	s18 =	sadd.s32 s25, s20;
	s24 =	smulhi.u32 $0x51EB851F, s2  }
0xfb: {  	vm15 =	vcmask $0x3330;
	v10 =	vsel vm4, v55, v11;
	v34 =	vperm.xlane v15, v1;
	s25 =	sshra.s32 s2, $0x1F;
	s2 =	sshrl.u32 s29, $0x1F;
	s17 =	sshra.s32 s18, $0xB  }
0xfc: {  	vm7 =	vcmask $0xF0C;
	vm9 =	vcmask $0x2724;
	v20 =	vsel vm13, s15, v20;
	s19 =	sshra.s32 s18, $0x1F;
	s25 =	smul.u32 $0x51EB851F, s25;
	s20 =	sadd.s32 s26, s3  }
0xfd: {  	vm1 =	vcmask $0x2B28;
	v35 =	vmov s2;
	s2 =	sshrl.u32 s6, $0x1F;
	s6 =	sshra.s32 s6, $0xA;
	v32 =	vsel vm8, s17, v20;
	s26 =	sshra.s32 s20, $0xB  }
0xfe: {  	v38 =	vmov s2;
	v42 =	vmov s6;
	v17 =	vsel vm9, s19, v32;
	s16 =	sadd.s32 s25, s24;
	s25 =	sshrl.u32 s7, $0x1F;
	s7 =	sshra.s32 s7, $0xA  }
0xff: {  	s14 =	sshra.s32 s20, $0x1F;
	v33 =	vsel vm1, s26, v17;
	v37 =	vmov s25;
	v39 =	vsel vm5, s7, v26  }
0x100: {  	s2 =	sshrl.u32 s9, $0x1F;
	s3 =	sshra.s32 s16, $0xB;
	v3 =	vsel vm3, s14, v33;
	v15 =	vnsel vm5, $0x0, v37;
	vm5 =	vcmask $0x704  }
0x101: {  	s24 =	sshrl.u32 s0, $0x1F;
	s17 =	sshra.s32 s16, $0x1F;
	s25 =	sshrl.u32 s12, $0x1F;
	v3 =	vsel vm15, s3, v3;
	v15 =	vsel vm0, s2, v15;
	v20 =	vsel vm5, s8, v39  }
0x102: {  	s26 =	sshrl.u32 s1, $0x1F;
	s2 =	sshrl.u32 s13, $0x1F;
	v36 =	vsel vm6, s17, v3;
	v3 =	vsel vm0, s24, v35;
	v15 =	vsel vm2, s25, v15  }
0x103: {  	vm5 =	vcmask $0x3B38;
	s24 =	sshrl.u32 s28, $0x1F;
	s25 =	sshra.s32 s9, $0xA;
	v3 =	vsel vm2, s26, v3;
	s26 =	sshrl.u32 s4, $0x1F;
	v15 =	vsel vm10, s2, v15  }
0x104: {  	v20 =	vsel vm0, s25, v20;
	s2 =	sshra.s32 s30, $0xB;
	v3 =	vsel vm10, s24, v3;
	v17 =	vsel vm0, s26, v38;
	s24 =	sshrl.u32 s31, $0x1F  }
0x105: {  	s9 =	sshra.s32 s12, $0xA;
	s26 =	sshrl.u32 s5, $0x1F;
	v20 =	vsel vm7, s11, v20;
	v16 =	vsel vm5, s2, v36;
	v17 =	vsel vm2, s24, v17  }
0x106: {  	vm7 =	vmmov $0xff;
	s24 =	sshrl.u32 s18, $0x1F;
	v20 =	vsel vm12, s9, v20;
	v17 =	vsel vm10, s26, v17  }
0x107: {  	s12 =	sshra.s32 s13, $0xA;
	v15 =	vsel vm8, s24, v15;
	s26 =	sshrl.u32 s20, $0x1F;
	v20 =	vsel vm11, s10, v20;
	v17 =	vcombine.low v17, v3  }
0x108: {  	s8 =	sshrl.u32 s16, $0x1F;
	v3 =	vmul.u32 $0x2, v0;
	v15 =	vsel vm1, s26, v15;
	v20 =	vsel vm10, s12, v20  }
0x109: {  	s11 =	sshrl.u32 s30, $0x1F;
	vm2 =	vmmov vm15;
	v15 =	vsel vm15, s8, v15;
	v40 =	vsel vm13, s15, v20  }
0x10a: {  	s13 =	sshra.s32 s18, $0xA;
	s15 =	sshra.s32 s29, $0xA;
	v16 =	vperm.xlane v16, v3;
	v15 =	vsel vm5, s11, v15;
	v17 =	vperm.xlane v17, v1  }
0x10b: {  	s0 =	sshra.s32 s0, $0xA;
	v7 =	vsel vm8, s13, v40;
	v41 =	vmov s15;
	v15 =	vperm.xlane v15, v3  }
0x10c: {  	s18 =	sshra.s32 s4, $0xA;
	s20 =	sshra.s32 s20, $0xA;
	v7 =	vsel vm9, s19, v7;
	v11 =	vsel vm7, v16, v34;
	v16 =	vsel vm0, s0, v41  }
0x10d: {  	(xrf1) =	vsort.ascd.msk.f32 $0xffff, v18, v19;
	s21 =	sshra.s32 s1, $0xA;
	s24 =	sshra.s32 s31, $0xA;
	v7 =	vsel vm1, s20, v7;
	v15 =	vsel vm7, v15, v17;
	v17 =	vsel vm0, s18, v42  }
0x10e: {  	(xrf1) =	vsort.ascd.msk.f32 $0xffff, v61, v62;
	s25 =	sshra.s32 s28, $0xA;
	s28 =	sshra.s32 s16, $0xA;
	s26 =	sshra.s32 s5, $0xA;
	v43 =	vsel vm12, s21, v16;
	v7 =	vsel vm3, s14, v7;
	v44 =	vsel vm12, s24, v17  }
0x10f: {  	(xrf1) =	vsort.ascd.msk.f32 $0xffff, v13, v12;
	v45 =	vsel vm10, s25, v43;
	v7 =	vsel vm2, s28, v7;
	v46 =	vsel vm10, s26, v44  }
0x110: {  	(xrf1) =	vsort.ascd.msk.f32 $0xffff, v14, v9;
	s29 =	sshra.s32 s30, $0xA;
	v7 =	vsel vm6, s17, v7;
	v9 =	vcombine.low v46, v45  }
0x111: {  	v4 =	vsel vm4, v56, v57;
	v47 =	vadd.s32 v15, v11;
	v7 =	vsel vm5, s29, v7  }
0x112: {  	(xrf1) =	vsort.ascd.msk.f32 $0xffff, v10, v4;
	v48 =	vmul.u32 $0xFFFFE700, v47;
	v7 =	vperm.xlane v7, v3;
	v9 =	vperm.xlane v9, v1  }
0x113: {  	v49 =	vsub.s32 $0x0, v6  }
0x114: {  	vm4 =	vlt.s32 v6, $0x1;
	vm5 =	vne.s32 v48, v49;
	v7 =	vsel vm7, v7, v9  }
0x115: {  	vm4 =	vmand vm4, vm5;
	v7 =	vadd.s32 v15, v7  }
0x116: {  	v50 =	vsel vm4, $0xFFFFFFFF, v2;
	v7 =	vmul.u32 $0xC80, v7  }
0x117: {  	v4 =	vadd.s32 v50, v47  }
0x118: {  	v4 =	vmul.u32 $0xC80, v4;
	v7 =	vsub.s32 v6, v7;
	_ =	sdelay $0x2  }
0x119: {  	v51 =	vadd.s32 v7, v4  }
0x11a: {  	v4, v7, _ =	vpop (xrf1)  }
0x11b: {  	v56 =	vimm.s32 $0x0;
	vm4 =	vmmov $0xffff;
	v52, v9, _ =	vpop (xrf1)  }
0x11c: {  	[tilespmem:$0x6400] =	vst v6;
	v11 =	vsel vm4, $0xFFFFFFFF, v56;
	v53, v4, _ =	vpop (xrf1)  }
0x11d: {  	s2 =	rddreg [dreg:$0x3];
	s31 =	simm.s32 $0x1;
	s30 =	simm.s32 $0x6410;
	[tilespmem:$0x1FFE0] =	vst v11;
	v54, v10, _ =	vpop (xrf1)  }
0x11e: {  	[tilespmem:s30], [sflag:$0x1] =	stream.indirect_vreg.gather [hbm4b:s2+s23], $0x80, v51, vm4, $0xb8;
	v55, v6, _ =	vpop (xrf1);
	[tilespmem:$0x6C10] =	vst v63  }
0x11f: {  	_ =	swait.ge [sflag:s31], $0x800  }
0x120: {  	[sflag:s31] =	ssyncset.done $0x0  }
0x121: {  	s3 =	rddreg [dreg:$0x5];
	[sflag:s31] =	ssyncadd.s32 $0xFFFFF800  }
0x122: {  	[hbm4b:s3+s23] =	stream.linear.scatter [tilespmem:s30], [sflag:$0x2], $0x800, $0x38;
	[tilespmem:$0x6C10] =	vst v63  }
0x123: {  	_ =	swait.ge [sflag:s22], $0x800  }
0x124: {  	[sflag:s22] =	ssyncset.done $0x0  }
0x125: {  	s5 =	simm.s32 $0x6400;
	s4 =	rddreg [dreg:$0x6];
	[sflag:s22] =	ssyncadd.s32 $0xFFFFF800  }
0x126: {  	[hbm4b:s4+s23] =	stream.linear.scatter [tilespmem:s5], [sflag:$0x2], $0x10, $0x38;
	[tilespmem:$0x6C10] =	vst v63  }
0x127: {  	_ =	swait.ge [sflag:s22], $0x10  }
0x128: {  	(v2sf) =	vpush v10, $0xD;
	_ =	sdelay $0x1  }
0x129: {  	(v2sf) =	vpush v10, $0xC;
	_ =	sdelay $0x1  }
0x12a: {  	(v2sf) =	vpush v10, $0xE;
	_ =	sdelay $0x1  }
0x12b: {  	(v2sf) =	vpush v10, $0xF;
	_ =	sdelay $0x1  }
0x12c: {  	(v2sf) =	vpush v10, $0x9;
	_ =	sdelay $0x1  }
0x12d: {  	(v2sf) =	vpush v10, $0x8;
	_ =	sdelay $0x1  }
0x12e: {  	(v2sf) =	vpush v10, $0xA;
	_ =	sdelay $0x1  }
0x12f: {  	(v2sf) =	vpush v10, $0xB  }
0x130: {  	s6 =	spop (v2sf)  }
0x131: {  	(v2sf) =	vpush v10, $0x0;
	s7 =	smulhi.u32 $0x51EB851F, s6;
	s0 =	sshra.s32 s6, $0x1F  }
0x132: {  	s8 =	spop (v2sf);
	s0 =	smul.u32 $0x51EB851F, s0  }
0x133: {  	(v2sf) =	vpush v10, $0x7;
	s9 =	smulhi.u32 $0x51EB851F, s8;
	s3 =	sshra.s32 s8, $0x1F  }
0x134: {  	s10 =	spop (v2sf);
	s3 =	smul.u32 $0x51EB851F, s3  }
0x135: {  	s11 =	smulhi.u32 $0x51EB851F, s10;
	s5 =	sshra.s32 s10, $0x1F  }
0x136: {  	(v2sf) =	vpush v10, $0x1;
	s13 =	spop (v2sf);
	s12 =	smul.u32 $0x51EB851F, s5  }
0x137: {  	s14 =	smulhi.u32 $0x51EB851F, s13;
	s5 =	sshra.s32 s13, $0x1F  }
0x138: {  	s0 =	sadd.s32 s0, s7;
	s18 =	spop (v2sf);
	s17 =	smul.u32 $0x51EB851F, s5  }
0x139: {  	(v2sf) =	vpush v10, $0x2;
	s10 =	sshra.s32 s0, $0xB;
	s19 =	smulhi.u32 $0x51EB851F, s18;
	s4 =	sshra.s32 s18, $0x1F  }
0x13a: {  	s28 =	sadd.s32 s3, s9;
	s21 =	spop (v2sf);
	s20 =	smul.u32 $0x51EB851F, s4  }
0x13b: {  	(v2sf) =	vpush v10, $0x3;
	s16 =	sshra.s32 s28, $0xB;
	s23 =	smulhi.u32 $0x51EB851F, s21;
	s25 =	sshra.s32 s21, $0x1F  }
0x13c: {  	s1 =	sadd.s32 s12, s11;
	s29 =	spop (v2sf);
	s26 =	smul.u32 $0x51EB851F, s25  }
0x13d: {  	(v2sf) =	vpush v10, $0x4;
	s15 =	sshra.s32 s1, $0xB;
	s30 =	smulhi.u32 $0x51EB851F, s29;
	s7 =	sshra.s32 s29, $0x1F  }
0x13e: {  	s4 =	sadd.s32 s17, s14;
	s12 =	spop (v2sf);
	s11 =	smul.u32 $0x51EB851F, s7  }
0x13f: {  	(v2sf) =	vpush v10, $0x5;
	s17 =	sshra.s32 s4, $0xB;
	s13 =	smulhi.u32 $0x51EB851F, s12;
	s7 =	sshra.s32 s12, $0x1F  }
0x140: {  	s5 =	sadd.s32 s20, s19;
	s20 =	spop (v2sf);
	s14 =	smul.u32 $0x51EB851F, s7  }
0x141: {  	v58 =	vmov s16;
	s18 =	sshra.s32 s5, $0xB;
	s21 =	smulhi.u32 $0x51EB851F, s20;
	s7 =	sshra.s32 s20, $0x1F  }
0x142: {  	(v2sf) =	vpush v10, $0x6;
	v13 =	vsel vm0, s10, v58;
	s31 =	sadd.s32 s26, s23;
	s25 =	spop (v2sf);
	s23 =	smul.u32 $0x51EB851F, s7  }
0x143: {  	v13 =	vsel vm12, s15, v13;
	s19 =	sshra.s32 s31, $0xB;
	s29 =	sadd.s32 s11, s30;
	s26 =	smulhi.u32 $0x51EB851F, s25  }
0x144: {  	s7 =	sshra.s32 s25, $0x1F;
	v13 =	vsel vm10, s17, v13;
	s17 =	sshrl.u32 s28, $0x1F;
	s20 =	sshra.s32 s29, $0xB  }
0x145: {  	s30 =	sadd.s32 s14, s13;
	s13 =	smul.u32 $0x51EB851F, s7;
	s14 =	spop (v2sf)  }
0x146: {  	s11 =	sadd.s32 s23, s21;
	s21 =	smulhi.u32 $0x51EB851F, s14;
	s7 =	sshra.s32 s14, $0x1F  }
0x147: {  	s12 =	sshra.s32 s11, $0xB;
	s6 =	sadd.s32 s13, s26;
	s23 =	smul.u32 $0x51EB851F, s7  }
0x148: {  	s7 =	sshra.s32 s11, $0x1F;
	s25 =	sshra.s32 s6, $0x1F;
	s26 =	spop (v2sf)  }
0x149: {  	vm14 =	vmmov vm2;
	s9 =	sadd.s32 s23, s21;
	s3 =	smulhi.u32 $0x51EB851F, s26;
	s21 =	sshra.s32 s26, $0x1F  }
0x14a: {  	vm2 =	vmmov vm6;
	vm6 =	vcmask $0x300;
	v57 =	vmov s25;
	s23 =	sshra.s32 s9, $0xB;
	s26 =	spop (v2sf);
	s14 =	smul.u32 $0x51EB851F, s21  }
0x14b: {  	vm4 =	vcmask $0x704;
	v12 =	vsel vm6, s12, v57;
	s8 =	sshra.s32 s9, $0x1F;
	s25 =	smulhi.u32 $0x51EB851F, s26;
	s21 =	sshra.s32 s26, $0x1F  }
0x14c: {  	v12 =	vsel vm4, s7, v12;
	s12 =	sadd.s32 s14, s3;
	s3 =	smul.u32 $0x51EB851F, s21;
	s21 =	spop (v2sf)  }
0x14d: {  	vm5 =	vcmask $0xF0C;
	v12 =	vsel vm0, s23, v12;
	s23 =	sshra.s32 s12, $0xB;
	s26 =	smulhi.u32 $0x51EB851F, s21;
	s14 =	sshra.s32 s21, $0x1F  }
0x14e: {  	v12 =	vsel vm5, s8, v12;
	s13 =	sadd.s32 s3, s25;
	s3 =	smul.u32 $0x51EB851F, s14;
	s25 =	spop (v2sf)  }
0x14f: {  	v59 =	vmov s19;
	s21 =	sshra.s32 s30, $0xB;
	v12 =	vsel vm12, s23, v12;
	s14 =	sshra.s32 s12, $0x1F;
	s23 =	smulhi.u32 $0x51EB851F, s25  }
0x150: {  	v14 =	vsel vm0, s18, v59;
	v12 =	vsel vm11, s14, v12;
	s19 =	sshra.s32 s25, $0x1F;
	s25 =	sshra.s32 s13, $0xB;
	s16 =	sshra.s32 s13, $0x1F  }
0x151: {  	v14 =	vsel vm12, s20, v14;
	v12 =	vsel vm10, s25, v12;
	s18 =	sadd.s32 s3, s26;
	s26 =	smul.u32 $0x51EB851F, s19;
	s19 =	spop (v2sf)  }
0x152: {  	v14 =	vsel vm10, s21, v14;
	v12 =	vsel vm13, s16, v12;
	s20 =	sshra.s32 s18, $0xB;
	s25 =	smulhi.u32 $0x51EB851F, s19;
	s10 =	sshra.s32 s19, $0x1F  }
0x153: {  	v13 =	vcombine.low v14, v13;
	s19 =	sshra.s32 s18, $0x1F;
	v12 =	vsel vm8, s20, v12;
	s20 =	sadd.s32 s26, s23;
	s26 =	smul.u32 $0x51EB851F, s10  }
0x154: {  	vm15 =	vmmov vm0;
	v60 =	vmov s17;
	s23 =	sshrl.u32 s0, $0x1F;
	v12 =	vsel vm9, s19, v12;
	s15 =	sshra.s32 s20, $0xB  }
0x155: {  	v13 =	vperm.xlane v13, v1;
	s10 =	sshra.s32 s20, $0x1F;
	v14 =	vsel vm0, s23, v60;
	v12 =	vsel vm1, s15, v12;
	s15 =	sadd.s32 s26, s25;
	s25 =	sshrl.u32 s11, $0x1F  }
0x156: {  	vm0 =	vcmask $0x3B38;
	s26 =	sshrl.u32 s1, $0x1F;
	s11 =	sshra.s32 s11, $0xA;
	v12 =	vsel vm3, s10, v12;
	s21 =	sshra.s32 s15, $0xB;
	v61 =	vmov s25  }
0x157: {  	v14 =	vsel vm12, s26, v14;
	s25 =	sshrl.u32 s4, $0x1F;
	v11 =	vsel vm6, s11, v57;
	v12 =	vsel vm14, s21, v12  }
0x158: {  	s17 =	sshra.s32 s15, $0x1F;
	s26 =	sshrl.u32 s9, $0x1F;
	v15 =	vnsel vm6, $0x0, v61;
	v14 =	vsel vm10, s25, v14;
	v11 =	vsel vm4, s7, v11  }
0x159: {  	s23 =	sshra.s32 s6, $0xB;
	s21 =	sshrl.u32 s31, $0x1F;
	s25 =	sshrl.u32 s12, $0x1F;
	vm4 =	vmmov vm0;
	v12 =	vsel vm2, s17, v12;
	v15 =	vsel vm15, s26, v15  }
0x15a: {  	s26 =	sshrl.u32 s5, $0x1F;
	v62 =	vmov s21;
	v12 =	vsel vm0, s23, v12;
	v15 =	vsel vm12, s25, v15;
	s25 =	sshrl.u32 s13, $0x1F;
	s23 =	sshra.s32 s9, $0xA  }
0x15b: {  	s21 =	sshrl.u32 s18, $0x1F;
	v16 =	vsel vm15, s26, v62;
	s26 =	sshrl.u32 s29, $0x1F;
	v15 =	vsel vm10, s25, v15;
	v11 =	vsel vm15, s23, v11  }
0x15c: {  	s11 =	sshra.s32 s12, $0xA;
	v16 =	vsel vm12, s26, v16;
	s25 =	sshrl.u32 s30, $0x1F;
	s26 =	sshrl.u32 s20, $0x1F;
	v15 =	vsel vm8, s21, v15;
	v11 =	vsel vm5, s8, v11  }
0x15d: {  	s9 =	sshrl.u32 s15, $0x1F;
	v16 =	vsel vm10, s25, v16;
	v15 =	vsel vm1, s26, v15;
	v11 =	vsel vm12, s11, v11  }
0x15e: {  	s12 =	sshrl.u32 s6, $0x1F;
	v14 =	vcombine.low v16, v14;
	v15 =	vsel vm14, s9, v15;
	v11 =	vsel vm11, s14, v11;
	s14 =	sshra.s32 s13, $0xA  }
0x15f: {  	v12 =	vperm.xlane v12, v3;
	v15 =	vsel vm0, s12, v15;
	v11 =	vsel vm10, s14, v11  }
0x160: {  	s21 =	sshra.s32 s31, $0xA;
	v14 =	vperm.xlane v14, v1;
	v15 =	vperm.xlane v15, v3;
	v11 =	vsel vm13, s16, v11;
	s16 =	sshra.s32 s18, $0xA  }
0x161: {  	v12 =	vsel vm7, v12, v13;
	v20 =	vmov s21;
	s18 =	sshra.s32 s28, $0xA;
	v11 =	vsel vm8, s16, v11  }
0x162: {  	s0 =	sshra.s32 s0, $0xA;
	s23 =	sshra.s32 s5, $0xA;
	s25 =	sshra.s32 s20, $0xA;
	v19 =	vmov s18;
	v63 =	vsel vm7, v15, v14;
	v11 =	vsel vm9, s19, v11  }
0x163: {  	s26 =	sshra.s32 s1, $0xA;
	s28 =	sshra.s32 s29, $0xA;
	v14 =	vsel vm15, s0, v19;
	v15 =	vsel vm15, s23, v20;
	v11 =	vsel vm1, s25, v11  }
0x164: {  	s30 =	sshra.s32 s30, $0xA;
	s31 =	sshra.s32 s15, $0xA;
	s29 =	sshra.s32 s4, $0xA;
	v14 =	vsel vm12, s26, v14;
	v15 =	vsel vm12, s28, v15;
	v11 =	vsel vm3, s10, v11  }
0x165: {  	v14 =	vsel vm10, s29, v14;
	v15 =	vsel vm10, s30, v15;
	v11 =	vsel vm14, s31, v11  }
0x166: {  	s4 =	sshra.s32 s6, $0xA;
	v12 =	vadd.s32 v63, v12;
	v14 =	vcombine.low v15, v14;
	v11 =	vsel vm2, s17, v11  }
0x167: {  	v21 =	vmul.u32 $0xFFFFE700, v12;
	v11 =	vsel vm4, s4, v11  }
0x168: {  	v22 =	vsub.s32 $0x0, v10;
	v14 =	vperm.xlane v14, v1;
	v11 =	vperm.xlane v11, v3  }
0x169: {  	vm13 =	vmmov vm14;
	vm9 =	vlt.s32 v10, $0x1;
	vm14 =	vne.s32 v21, v22  }
0x16a: {  	vm5 =	vmand vm9, vm14;
	v11 =	vsel vm7, v11, v14  }
0x16b: {  	v23 =	vsel vm5, $0xFFFFFFFF, v2;
	v11 =	vadd.s32 v63, v11  }
0x16c: {  	v12 =	vadd.s32 v23, v12;
	v11 =	vmul.u32 $0xC80, v11  }
0x16d: {  	v12 =	vmul.u32 $0xC80, v12  }
0x16e: {  	v24 =	vld [tilespmem:$0x1FFE0];
	v11 =	vsub.s32 v10, v11  }
0x16f: {  	v11 =	vadd.s32 v11, v12;
	_ =	sdelay $0x1  }
0x170: {  	[sflag:s22] =	ssyncset.done $0x0  }
0x171: {  	[sflag:s22] =	ssyncadd.s32 $0xFFFFFFF0  }
0x172: {  	s24 =	simm.s32 $0x1;
	[tilespmem:$0x6400] =	vst v10;
	s5 =	simm.s32 $0x0;
	s6 =	simm.s32 $0x6410;
	vm14 =	vnez.u8 v24  }
0x173: {  	[tilespmem:s6], [sflag:$0x1] =	stream.indirect_vreg.gather [hbm4b:s2+s5], $0x80, v11, vm14, $0xb8;
	[tilespmem:$0x6C10] =	vst v63  }
0x174: {  	_ =	swait.ge [sflag:s24], $0x800  }
0x175: {  	[sflag:s24] =	ssyncset.done $0x0  }
0x176: {  	s8 =	simm.s32 $0x0;
	s7 =	rddreg [dreg:$0x7];
	[sflag:s24] =	ssyncadd.s32 $0xFFFFF800  }
0x177: {  	[hbm4b:s7+s8] =	stream.linear.scatter [tilespmem:s6], [sflag:$0x2], $0x800, $0x38;
	[tilespmem:$0x6C10] =	vst v63  }
0x178: {  	_ =	swait.ge [sflag:s22], $0x800  }
0x179: {  	s11 =	simm.s32 $0x6400;
	[sflag:s22] =	ssyncset.done $0x0  }
0x17a: {  	s10 =	simm.s32 $0x0;
	s9 =	rddreg [dreg:$0x8];
	[sflag:s22] =	ssyncadd.s32 $0xFFFFF800  }
0x17b: {  	[hbm4b:s9+s10] =	stream.linear.scatter [tilespmem:s11], [sflag:$0x2], $0x10, $0x38;
	[tilespmem:$0x6C10] =	vst v63  }
0x17c: {  	_ =	swait.ge [sflag:s22], $0x10  }
0x17d: {  	(v2sf) =	vpush v8, $0xD;
	_ =	sdelay $0x1  }
0x17e: {  	(v2sf) =	vpush v8, $0xC;
	_ =	sdelay $0x1  }
0x17f: {  	(v2sf) =	vpush v8, $0xE;
	_ =	sdelay $0x1  }
0x180: {  	(v2sf) =	vpush v8, $0xF  }
0x181: {  	(v2sf) =	vpush v8, $0x9;
	_ =	sdelay $0x1  }
0x182: {  	(v2sf) =	vpush v8, $0x8;
	_ =	sdelay $0x1  }
0x183: {  	(v2sf) =	vpush v8, $0xA;
	_ =	sdelay $0x1  }
0x184: {  	(v2sf) =	vpush v8, $0xB;
	_ =	sdelay $0x1  }
0x185: {  	(v2sf) =	vpush v8, $0x0;
	s12 =	spop (v2sf)  }
0x186: {  	s13 =	smulhi.u32 $0x51EB851F, s12;
	s0 =	sshra.s32 s12, $0x1F  }
0x187: {  	(v2sf) =	vpush v8, $0x7;
	s14 =	spop (v2sf);
	s0 =	smul.u32 $0x51EB851F, s0  }
0x188: {  	s15 =	smulhi.u32 $0x51EB851F, s14;
	s3 =	sshra.s32 s14, $0x1F  }
0x189: {  	s16 =	spop (v2sf);
	s3 =	smul.u32 $0x51EB851F, s3  }
0x18a: {  	(v2sf) =	vpush v8, $0x1;
	s17 =	smulhi.u32 $0x51EB851F, s16;
	s5 =	sshra.s32 s16, $0x1F  }
0x18b: {  	s19 =	spop (v2sf);
	s0 =	sadd.s32 s0, s13;
	s18 =	smul.u32 $0x51EB851F, s5  }
0x18c: {  	s20 =	smulhi.u32 $0x51EB851F, s19;
	s5 =	sshra.s32 s19, $0x1F;
	s23 =	spop (v2sf)  }
0x18d: {  	(v2sf) =	vpush v8, $0x2;
	s10 =	sshra.s32 s0, $0xB;
	s28 =	sadd.s32 s3, s15;
	s21 =	smul.u32 $0x51EB851F, s5  }
0x18e: {  	s25 =	smulhi.u32 $0x51EB851F, s23;
	s4 =	sshra.s32 s23, $0x1F;
	s29 =	spop (v2sf)  }
0x18f: {  	(v2sf) =	vpush v8, $0x3;
	s16 =	sshra.s32 s28, $0xB;
	s1 =	sadd.s32 s18, s17;
	s26 =	smul.u32 $0x51EB851F, s4  }
0x190: {  	s30 =	smulhi.u32 $0x51EB851F, s29;
	s31 =	sshra.s32 s29, $0x1F;
	s12 =	spop (v2sf)  }
0x191: {  	(v2sf) =	vpush v8, $0x4;
	s15 =	sshra.s32 s1, $0xB;
	s4 =	sadd.s32 s21, s20;
	s11 =	smul.u32 $0x51EB851F, s31  }
0x192: {  	s13 =	smulhi.u32 $0x51EB851F, s12;
	s7 =	sshra.s32 s12, $0x1F;
	s20 =	spop (v2sf)  }
0x193: {  	(v2sf) =	vpush v8, $0x5;
	s17 =	sshra.s32 s4, $0xB;
	s5 =	sadd.s32 s26, s25;
	s14 =	smul.u32 $0x51EB851F, s7  }
0x194: {  	s21 =	smulhi.u32 $0x51EB851F, s20;
	s7 =	sshra.s32 s20, $0x1F;
	s25 =	spop (v2sf)  }
0x195: {  	s18 =	sshra.s32 s5, $0xB;
	s31 =	sadd.s32 s11, s30;
	s23 =	smul.u32 $0x51EB851F, s7  }
0x196: {  	(v2sf) =	vpush v8, $0x6;
	s26 =	smulhi.u32 $0x51EB851F, s25;
	s7 =	sshra.s32 s25, $0x1F;
	s12 =	spop (v2sf)  }
0x197: {  	s19 =	sshra.s32 s31, $0xB;
	s29 =	sadd.s32 s14, s13;
	s9 =	smul.u32 $0x51EB851F, s7  }
0x198: {  	s13 =	smulhi.u32 $0x51EB851F, s12;
	s7 =	sshra.s32 s12, $0x1F;
	s20 =	sshra.s32 s29, $0xB  }
0x199: {  	s30 =	sadd.s32 s23, s21;
	s14 =	smul.u32 $0x51EB851F, s7;
	s21 =	spop (v2sf)  }
0x19a: {  	s11 =	sadd.s32 s9, s26;
	s23 =	smulhi.u32 $0x51EB851F, s21;
	s7 =	sshra.s32 s21, $0x1F  }
0x19b: {  	s12 =	sshra.s32 s11, $0xB;
	s6 =	sadd.s32 s14, s13;
	s25 =	smul.u32 $0x51EB851F, s7  }
0x19c: {  	s7 =	sshra.s32 s11, $0x1F;
	s26 =	sshra.s32 s6, $0x1F;
	s21 =	spop (v2sf)  }
0x19d: {  	vm0 =	vmmov vm1;
	s9 =	sadd.s32 s25, s23;
	s3 =	smulhi.u32 $0x51EB851F, s21;
	s23 =	sshra.s32 s21, $0x1F  }
0x19e: {  	vm1 =	vmmov vm3;
	vm3 =	vcmask $0x300;
	v25 =	vmov s26;
	s25 =	sshra.s32 s9, $0xB;
	s26 =	spop (v2sf);
	s14 =	smul.u32 $0x51EB851F, s23  }
0x19f: {  	vm4 =	vcmask $0x704;
	v26 =	vsel vm3, s12, v25;
	s8 =	sshra.s32 s9, $0x1F;
	s23 =	smulhi.u32 $0x51EB851F, s26;
	s21 =	sshra.s32 s26, $0x1F  }
0x1a0: {  	v11 =	vsel vm4, s7, v26;
	s12 =	sadd.s32 s14, s3;
	s3 =	smul.u32 $0x51EB851F, s21;
	s21 =	spop (v2sf)  }
0x1a1: {  	vm9 =	vcmask $0xF0C;
	v11 =	vsel vm15, s25, v11;
	s26 =	sshra.s32 s12, $0xB;
	s25 =	smulhi.u32 $0x51EB851F, s21;
	s14 =	sshra.s32 s21, $0x1F  }
0x1a2: {  	vm14 =	vmmov vm11;
	v27 =	vmov s16;
	v11 =	vsel vm9, s8, v11;
	s13 =	sadd.s32 s3, s23;
	s3 =	smul.u32 $0x51EB851F, s14;
	s23 =	spop (v2sf)  }
0x1a3: {  	v12 =	vsel vm15, s10, v27;
	v28 =	vmov s19;
	s21 =	sshra.s32 s30, $0xB;
	v11 =	vsel vm12, s26, v11;
	s14 =	sshra.s32 s12, $0x1F;
	s26 =	smulhi.u32 $0x51EB851F, s23  }
0x1a4: {  	v12 =	vsel vm12, s15, v12;
	v13 =	vsel vm15, s18, v28;
	v11 =	vsel vm11, s14, v11;
	s19 =	sshra.s32 s23, $0x1F;
	s23 =	sshra.s32 s13, $0xB;
	s16 =	sshra.s32 s13, $0x1F  }
0x1a5: {  	v13 =	vsel vm12, s20, v13;
	vm11 =	vcmask $0x1F1C;
	v11 =	vsel vm10, s23, v11;
	s18 =	sadd.s32 s3, s25;
	s3 =	smul.u32 $0x51EB851F, s19;
	s19 =	spop (v2sf)  }
0x1a6: {  	v12 =	vsel vm10, s17, v12;
	v13 =	vsel vm10, s21, v13;
	v11 =	vsel vm11, s16, v11;
	s23 =	sshra.s32 s18, $0xB;
	s25 =	smulhi.u32 $0x51EB851F, s19;
	s10 =	sshra.s32 s19, $0x1F  }
0x1a7: {  	vm5 =	vcmask $0x2724;
	v12 =	vcombine.low v13, v12;
	s19 =	sshra.s32 s18, $0x1F;
	v11 =	vsel vm8, s23, v11;
	s20 =	sadd.s32 s3, s26;
	s26 =	smul.u32 $0x51EB851F, s10  }
0x1a8: {  	vm6 =	vmmov vm1;
	s17 =	sshrl.u32 s28, $0x1F;
	s23 =	sshrl.u32 s0, $0x1F;
	v11 =	vsel vm5, s19, v11;
	s15 =	sshra.s32 s20, $0xB  }
0x1a9: {  	v29 =	vmov s17;
	v12 =	vperm.xlane v12, v1;
	s10 =	sshra.s32 s20, $0x1F;
	v11 =	vsel vm0, s15, v11;
	s15 =	sadd.s32 s26, s25;
	s25 =	sshrl.u32 s11, $0x1F  }
0x1aa: {  	v13 =	vsel vm15, s23, v29;
	s26 =	sshrl.u32 s1, $0x1F;
	s11 =	sshra.s32 s11, $0xA;
	v11 =	vsel vm1, s10, v11;
	v30 =	vmov s25  }
0x1ab: {  	s21 =	sshra.s32 s15, $0xB;
	vm1 =	vmmov vm2;
	v13 =	vsel vm12, s26, v13;
	s25 =	sshrl.u32 s4, $0x1F;
	v10 =	vsel vm3, s11, v25  }
0x1ac: {  	v11 =	vsel vm13, s21, v11;
	v14 =	vnsel vm3, $0x0, v30;
	v13 =	vsel vm10, s25, v13  }
0x1ad: {  	s17 =	sshra.s32 s15, $0x1F;
	s26 =	sshrl.u32 s9, $0x1F;
	v10 =	vsel vm4, s7, v10;
	vm3 =	vmmov vm4;
	vm4 =	vmmov vm0  }
0x1ae: {  	s23 =	sshra.s32 s6, $0xB;
	s21 =	sshrl.u32 s31, $0x1F;
	s25 =	sshrl.u32 s12, $0x1F;
	v11 =	vsel vm2, s17, v11;
	vm2 =	vcmask $0x3B38;
	v14 =	vsel vm15, s26, v14  }
0x1af: {  	s26 =	sshrl.u32 s5, $0x1F;
	v31 =	vmov s21;
	v11 =	vsel vm2, s23, v11;
	v14 =	vsel vm12, s25, v14;
	s25 =	sshrl.u32 s13, $0x1F;
	s23 =	sshra.s32 s9, $0xA  }
0x1b0: {  	s21 =	sshrl.u32 s18, $0x1F;
	v15 =	vsel vm15, s26, v31;
	s26 =	sshrl.u32 s29, $0x1F;
	v14 =	vsel vm10, s25, v14;
	v10 =	vsel vm15, s23, v10  }
0x1b1: {  	s9 =	sshra.s32 s12, $0xA;
	v15 =	vsel vm12, s26, v15;
	s25 =	sshrl.u32 s30, $0x1F;
	s26 =	sshrl.u32 s20, $0x1F;
	v14 =	vsel vm8, s21, v14;
	v10 =	vsel vm9, s8, v10  }
0x1b2: {  	s7 =	sshrl.u32 s15, $0x1F;
	v15 =	vsel vm10, s25, v15;
	v14 =	vsel vm0, s26, v14;
	v10 =	vsel vm12, s9, v10  }
0x1b3: {  	s11 =	sshrl.u32 s6, $0x1F;
	s12 =	sshra.s32 s13, $0xA;
	v13 =	vcombine.low v15, v13;
	v14 =	vsel vm13, s7, v14;
	v10 =	vsel vm14, s14, v10  }
0x1b4: {  	v11 =	vperm.xlane v11, v3;
	v14 =	vsel vm2, s11, v14;
	v10 =	vsel vm10, s12, v10  }
0x1b5: {  	s13 =	sshra.s32 s18, $0xA;
	s14 =	sshra.s32 s28, $0xA;
	v13 =	vperm.xlane v13, v1;
	v14 =	vperm.xlane v14, v3;
	v10 =	vsel vm11, s16, v10  }
0x1b6: {  	v11 =	vsel vm7, v11, v12;
	v33 =	vmov s14;
	s16 =	sshra.s32 s31, $0xA;
	v10 =	vsel vm8, s13, v10  }
0x1b7: {  	s0 =	sshra.s32 s0, $0xA;
	s18 =	sshra.s32 s5, $0xA;
	s21 =	sshra.s32 s20, $0xA;
	v34 =	vmov s16;
	v32 =	vsel vm7, v14, v13;
	v10 =	vsel vm5, s19, v10  }
0x1b8: {  	s23 =	sshra.s32 s1, $0xA;
	s25 =	sshra.s32 s29, $0xA;
	v13 =	vsel vm15, s0, v33;
	v14 =	vsel vm15, s18, v34;
	v10 =	vsel vm4, s21, v10  }
0x1b9: {  	s29 =	sshra.s32 s15, $0xA;
	s26 =	sshra.s32 s4, $0xA;
	s28 =	sshra.s32 s30, $0xA;
	v13 =	vsel vm12, s23, v13;
	v14 =	vsel vm12, s25, v14;
	v10 =	vsel vm6, s10, v10  }
0x1ba: {  	v13 =	vsel vm10, s26, v13;
	v14 =	vsel vm10, s28, v14;
	v10 =	vsel vm13, s29, v10  }
0x1bb: {  	s30 =	sshra.s32 s6, $0xA;
	v11 =	vadd.s32 v32, v11;
	v13 =	vcombine.low v14, v13;
	v10 =	vsel vm1, s17, v10  }
0x1bc: {  	v35 =	vmul.u32 $0xFFFFE700, v11;
	v10 =	vsel vm2, s30, v10  }
0x1bd: {  	v36 =	vsub.s32 $0x0, v8;
	v13 =	vperm.xlane v13, v1;
	v10 =	vperm.xlane v10, v3  }
0x1be: {  	vm11 =	vne.s32 v35, v36;
	vm2 =	vlt.s32 v8, $0x1  }
0x1bf: {  	vm5 =	vmand vm2, vm11;
	v10 =	vsel vm7, v10, v13  }
0x1c0: {  	v37 =	vsel vm5, $0xFFFFFFFF, v2;
	v10 =	vadd.s32 v32, v10  }
0x1c1: {  	v11 =	vadd.s32 v37, v11;
	v10 =	vmul.u32 $0xC80, v10  }
0x1c2: {  	v11 =	vmul.u32 $0xC80, v11  }
0x1c3: {  	v38 =	vld [tilespmem:$0x1FFE0];
	v10 =	vsub.s32 v8, v10  }
0x1c4: {  	v10 =	vadd.s32 v10, v11;
	_ =	sdelay $0x1  }
0x1c5: {  	[sflag:s22] =	ssyncset.done $0x0  }
0x1c6: {  	[sflag:s22] =	ssyncadd.s32 $0xFFFFFFF0  }
0x1c7: {  	[tilespmem:$0x6400] =	vst v8;
	s1 =	simm.s32 $0x6410;
	vm0 =	vmmov vm13;
	s4 =	simm.s32 $0x1;
	s31 =	simm.s32 $0x0;
	vm13 =	vnez.u8 v38  }
0x1c8: {  	[tilespmem:s1], [sflag:$0x1] =	stream.indirect_vreg.gather [hbm4b:s2+s31], $0x80, v10, vm13, $0xb8;
	[tilespmem:$0x6C10] =	vst v63  }
0x1c9: {  	_ =	swait.ge [sflag:s4], $0x800  }
0x1ca: {  	[sflag:s4] =	ssyncset.done $0x0  }
0x1cb: {  	s6 =	simm.s32 $0x0;
	s5 =	rddreg [dreg:$0x9];
	[sflag:s4] =	ssyncadd.s32 $0xFFFFF800  }
0x1cc: {  	[hbm4b:s5+s6] =	stream.linear.scatter [tilespmem:s1], [sflag:$0x2], $0x800, $0x38;
	[tilespmem:$0x6C10] =	vst v63  }
0x1cd: {  	_ =	swait.ge [sflag:s22], $0x800  }
0x1ce: {  	s24 =	simm.s32 $0x6400;
	[sflag:s22] =	ssyncset.done $0x0  }
0x1cf: {  	s8 =	simm.s32 $0x0;
	s7 =	rddreg [dreg:$0xa];
	[sflag:s22] =	ssyncadd.s32 $0xFFFFF800  }
0x1d0: {  	[hbm4b:s7+s8] =	stream.linear.scatter [tilespmem:s24], [sflag:$0x2], $0x10, $0x38;
	[tilespmem:$0x6C10] =	vst v63  }
0x1d1: {  	_ =	swait.ge [sflag:s22], $0x10  }
0x1d2: {  	(v2sf) =	vpush v9, $0xD;
	_ =	sdelay $0x1  }
0x1d3: {  	(v2sf) =	vpush v9, $0xC;
	_ =	sdelay $0x1  }
0x1d4: {  	(v2sf) =	vpush v9, $0xE;
	_ =	sdelay $0x1  }
0x1d5: {  	(v2sf) =	vpush v9, $0xF;
	_ =	sdelay $0x1  }
0x1d6: {  	(v2sf) =	vpush v9, $0x9;
	_ =	sdelay $0x1  }
0x1d7: {  	(v2sf) =	vpush v9, $0x8;
	_ =	sdelay $0x1  }
0x1d8: {  	(v2sf) =	vpush v9, $0xA;
	_ =	sdelay $0x1  }
0x1d9: {  	(v2sf) =	vpush v9, $0xB  }
0x1da: {  	s9 =	spop (v2sf)  }
0x1db: {  	(v2sf) =	vpush v9, $0x0;
	s10 =	smulhi.u32 $0x51EB851F, s9;
	s0 =	sshra.s32 s9, $0x1F  }
0x1dc: {  	s11 =	spop (v2sf);
	s0 =	smul.u32 $0x51EB851F, s0  }
0x1dd: {  	(v2sf) =	vpush v9, $0x7;
	s12 =	smulhi.u32 $0x51EB851F, s11;
	s3 =	sshra.s32 s11, $0x1F  }
0x1de: {  	s13 =	spop (v2sf);
	s3 =	smul.u32 $0x51EB851F, s3  }
0x1df: {  	(v2sf) =	vpush v9, $0x1;
	s14 =	smulhi.u32 $0x51EB851F, s13;
	s5 =	sshra.s32 s13, $0x1F  }
0x1e0: {  	s16 =	spop (v2sf);
	s15 =	smul.u32 $0x51EB851F, s5  }
0x1e1: {  	s0 =	sadd.s32 s0, s10;
	s17 =	smulhi.u32 $0x51EB851F, s16;
	s5 =	sshra.s32 s16, $0x1F  }
0x1e2: {  	s19 =	spop (v2sf);
	(v2sf) =	vpush v9, $0x2;
	s10 =	sshra.s32 s0, $0xB;
	s18 =	smul.u32 $0x51EB851F, s5  }
0x1e3: {  	s28 =	sadd.s32 s3, s12;
	s20 =	smulhi.u32 $0x51EB851F, s19;
	s4 =	sshra.s32 s19, $0x1F  }
0x1e4: {  	s23 =	spop (v2sf);
	(v2sf) =	vpush v9, $0x3;
	s16 =	sshra.s32 s28, $0xB;
	s21 =	smul.u32 $0x51EB851F, s4  }
0x1e5: {  	s1 =	sadd.s32 s15, s14;
	s24 =	smulhi.u32 $0x51EB851F, s23;
	s25 =	sshra.s32 s23, $0x1F  }
0x1e6: {  	s29 =	spop (v2sf);
	(v2sf) =	vpush v9, $0x4;
	s15 =	sshra.s32 s1, $0xB;
	s26 =	smul.u32 $0x51EB851F, s25  }
0x1e7: {  	s4 =	sadd.s32 s18, s17;
	s30 =	smulhi.u32 $0x51EB851F, s29;
	s7 =	sshra.s32 s29, $0x1F  }
0x1e8: {  	s12 =	spop (v2sf);
	(v2sf) =	vpush v9, $0x5;
	s17 =	sshra.s32 s4, $0xB;
	s11 =	smul.u32 $0x51EB851F, s7  }
0x1e9: {  	s5 =	sadd.s32 s21, s20;
	s13 =	smulhi.u32 $0x51EB851F, s12;
	s7 =	sshra.s32 s12, $0x1F  }
0x1ea: {  	s20 =	spop (v2sf);
	(v2sf) =	vpush v9, $0x6;
	s18 =	sshra.s32 s5, $0xB;
	s14 =	smul.u32 $0x51EB851F, s7  }
0x1eb: {  	s31 =	sadd.s32 s26, s24;
	s21 =	smulhi.u32 $0x51EB851F, s20;
	s7 =	sshra.s32 s20, $0x1F  }
0x1ec: {  	s24 =	spop (v2sf);
	s19 =	sshra.s32 s31, $0xB;
	s23 =	smul.u32 $0x51EB851F, s7  }
0x1ed: {  	s29 =	sadd.s32 s11, s30;
	s25 =	smulhi.u32 $0x51EB851F, s24;
	s7 =	sshra.s32 s24, $0x1F  }
0x1ee: {  	s12 =	spop (v2sf);
	s30 =	sadd.s32 s14, s13;
	s26 =	smul.u32 $0x51EB851F, s7  }
0x1ef: {  	s13 =	smulhi.u32 $0x51EB851F, s12;
	s7 =	sshra.s32 s12, $0x1F;
	s11 =	sadd.s32 s23, s21  }
0x1f0: {  	s20 =	sshra.s32 s29, $0xB;
	s14 =	smul.u32 $0x51EB851F, s7;
	s12 =	sshra.s32 s11, $0xB  }
0x1f1: {  	s6 =	sadd.s32 s26, s25;
	s7 =	sshra.s32 s11, $0x1F;
	s23 =	spop (v2sf)  }
0x1f2: {  	s21 =	sshra.s32 s6, $0x1F;
	s3 =	smulhi.u32 $0x51EB851F, s23;
	s24 =	sshra.s32 s23, $0x1F  }
0x1f3: {  	vm1 =	vcmask $0x300;
	s9 =	sadd.s32 s14, s13;
	v39 =	vmov s21;
	s26 =	spop (v2sf);
	s14 =	smul.u32 $0x51EB851F, s24  }
0x1f4: {  	s25 =	sshra.s32 s9, $0xB;
	v40 =	vsel vm1, s12, v39;
	s23 =	smulhi.u32 $0x51EB851F, s26;
	s21 =	sshra.s32 s26, $0x1F  }
0x1f5: {  	s8 =	sshra.s32 s9, $0x1F;
	v10 =	vsel vm3, s7, v40;
	s24 =	spop (v2sf);
	s21 =	smul.u32 $0x51EB851F, s21  }
0x1f6: {  	vm4 =	vcmask $0x3734;
	vm6 =	vcmask $0x2724;
	v10 =	vsel vm15, s25, v10;
	s25 =	smulhi.u32 $0x51EB851F, s24;
	s12 =	sadd.s32 s14, s3;
	s14 =	sshra.s32 s24, $0x1F  }
0x1f7: {  	vm11 =	vmmov vm14;
	vm2 =	vmmov vm0;
	vm5 =	vmmov vm9;
	s24 =	spop (v2sf);
	s26 =	sshra.s32 s12, $0xB;
	s13 =	sadd.s32 s21, s23  }
0x1f8: {  	vm13 =	vmmov vm3;
	v41 =	vmov s16;
	v10 =	vsel vm9, s8, v10;
	s3 =	smul.u32 $0x51EB851F, s14;
	s21 =	sshra.s32 s30, $0xB;
	s14 =	sshra.s32 s12, $0x1F  }
0x1f9: {  	v11 =	vsel vm15, s10, v41;
	v42 =	vmov s19;
	s19 =	sshra.s32 s24, $0x1F;
	s23 =	spop (v2sf);
	v10 =	vsel vm12, s26, v10;
	s26 =	smulhi.u32 $0x51EB851F, s24  }
0x1fa: {  	v11 =	vsel vm12, s15, v11;
	v12 =	vsel vm15, s18, v42;
	s24 =	sshra.s32 s13, $0xB;
	v10 =	vsel vm14, s14, v10;
	s18 =	sadd.s32 s3, s25;
	s3 =	smul.u32 $0x51EB851F, s19  }
0x1fb: {  	v12 =	vsel vm12, s20, v12;
	vm9 =	vcmask $0x1F1C;
	s16 =	sshra.s32 s13, $0x1F;
	s10 =	sshra.s32 s23, $0x1F;
	s25 =	smulhi.u32 $0x51EB851F, s23;
	v10 =	vsel vm10, s24, v10  }
0x1fc: {  	v11 =	vsel vm10, s17, v11;
	v12 =	vsel vm10, s21, v12;
	s17 =	smul.u32 $0x51EB851F, s10;
	s24 =	sshra.s32 s18, $0xB;
	v10 =	vsel vm9, s16, v10  }
0x1fd: {  	vm3 =	vcmask $0x2B28;
	v11 =	vcombine.low v12, v11;
	s23 =	sshrl.u32 s28, $0x1F;
	s19 =	sshra.s32 s18, $0x1F;
	s20 =	sadd.s32 s3, s26;
	v10 =	vsel vm8, s24, v10  }
0x1fe: {  	vm14 =	vcmask $0x2F2C;
	v43 =	vmov s23;
	s15 =	sadd.s32 s17, s25;
	s25 =	sshrl.u32 s0, $0x1F;
	s21 =	sshra.s32 s20, $0xB;
	v10 =	vsel vm6, s19, v10  }
0x1ff: {  	v11 =	vperm.xlane v11, v1;
	s26 =	sshrl.u32 s11, $0x1F;
	s11 =	sshra.s32 s11, $0xA;
	s10 =	sshra.s32 s20, $0x1F;
	v12 =	vsel vm15, s25, v43;
	v10 =	vsel vm3, s21, v10  }
0x200: {  	s23 =	sshrl.u32 s1, $0x1F;
	s24 =	sshra.s32 s15, $0xB;
	v44 =	vmov s26;
	v8 =	vsel vm1, s11, v39;
	v10 =	vsel vm14, s10, v10  }
0x201: {  	s17 =	sshra.s32 s15, $0x1F;
	s25 =	sshrl.u32 s4, $0x1F;
	v12 =	vsel vm12, s23, v12;
	v13 =	vnsel vm1, $0x0, v44;
	v10 =	vsel vm0, s24, v10  }
0x202: {  	s26 =	sshrl.u32 s9, $0x1F;
	v12 =	vsel vm10, s25, v12;
	s21 =	sshrl.u32 s31, $0x1F;
	s24 =	sshra.s32 s6, $0xB;
	vm0 =	vcmask $0x3B38;
	v10 =	vsel vm4, s17, v10  }
0x203: {  	v13 =	vsel vm15, s26, v13;
	s25 =	sshrl.u32 s5, $0x1F;
	v45 =	vmov s21;
	v10 =	vsel vm0, s24, v10;
	s24 =	sshrl.u32 s12, $0x1F  }
0x204: {  	v8 =	vsel vm13, s7, v8;
	s26 =	sshrl.u32 s13, $0x1F;
	s21 =	sshrl.u32 s29, $0x1F;
	v14 =	vsel vm15, s25, v45;
	v13 =	vsel vm12, s24, v13;
	s24 =	sshra.s32 s9, $0xA  }
0x205: {  	s23 =	sshrl.u32 s18, $0x1F;
	v14 =	vsel vm12, s21, v14;
	v13 =	vsel vm10, s26, v13;
	v8 =	vsel vm15, s24, v8  }
0x206: {  	s11 =	sshra.s32 s12, $0xA;
	s25 =	sshrl.u32 s30, $0x1F;
	vm1 =	vmmov vm0;
	s26 =	sshrl.u32 s20, $0x1F;
	v13 =	vsel vm8, s23, v13;
	v8 =	vsel vm5, s8, v8  }
0x207: {  	v14 =	vsel vm10, s25, v14;
	s9 =	sshrl.u32 s15, $0x1F;
	v13 =	vsel vm3, s26, v13;
	v8 =	vsel vm12, s11, v8  }
0x208: {  	s12 =	sshrl.u32 s6, $0x1F;
	v12 =	vcombine.low v14, v12;
	v13 =	vsel vm2, s9, v13;
	v8 =	vsel vm11, s14, v8;
	s14 =	sshra.s32 s13, $0xA  }
0x209: {  	v10 =	vperm.xlane v10, v3;
	v13 =	vsel vm0, s12, v13;
	v8 =	vsel vm10, s14, v8  }
0x20a: {  	s18 =	sshra.s32 s18, $0xA;
	s21 =	sshra.s32 s28, $0xA;
	v12 =	vperm.xlane v12, v1;
	v13 =	vperm.xlane v13, v3;
	v8 =	vsel vm9, s16, v8  }
0x20b: {  	v47 =	vmov s21;
	v10 =	vsel vm7, v10, v11;
	s23 =	sshra.s32 s31, $0xA;
	v8 =	vsel vm8, s18, v8  }
0x20c: {  	s0 =	sshra.s32 s0, $0xA;
	s25 =	sshra.s32 s20, $0xA;
	s24 =	sshra.s32 s5, $0xA;
	v48 =	vmov s23;
	v46 =	vsel vm7, v13, v12;
	v8 =	vsel vm6, s19, v8  }
0x20d: {  	s28 =	sshra.s32 s29, $0xA;
	s26 =	sshra.s32 s1, $0xA;
	v12 =	vsel vm15, s0, v47;
	v13 =	vsel vm15, s24, v48;
	v8 =	vsel vm3, s25, v8  }
0x20e: {  	s30 =	sshra.s32 s30, $0xA;
	s29 =	sshra.s32 s4, $0xA;
	s31 =	sshra.s32 s15, $0xA;
	v12 =	vsel vm12, s26, v12;
	v13 =	vsel vm12, s28, v13;
	v8 =	vsel vm14, s10, v8  }
0x20f: {  	v12 =	vsel vm10, s29, v12;
	v13 =	vsel vm10, s30, v13;
	v8 =	vsel vm2, s31, v8  }
0x210: {  	s3 =	sshra.s32 s6, $0xA;
	v10 =	vadd.s32 v46, v10;
	v12 =	vcombine.low v13, v12;
	v8 =	vsel vm4, s17, v8  }
0x211: {  	v49 =	vmul.u32 $0xFFFFE700, v10;
	v8 =	vsel vm1, s3, v8  }
0x212: {  	v50 =	vsub.s32 $0x0, v9;
	v12 =	vperm.xlane v12, v1;
	v8 =	vperm.xlane v8, v3  }
0x213: {  	vm0 =	vmmov vm2;
	vm14 =	vlt.s32 v9, $0x1;
	vm2 =	vne.s32 v49, v50  }
0x214: {  	vm13 =	vmmov vm5;
	vm5 =	vmand vm14, vm2;
	v8 =	vsel vm7, v8, v12  }
0x215: {  	v51 =	vsel vm5, $0xFFFFFFFF, v2;
	v8 =	vadd.s32 v46, v8  }
0x216: {  	v10 =	vadd.s32 v51, v10;
	v8 =	vmul.u32 $0xC80, v8  }
0x217: {  	v10 =	vmul.u32 $0xC80, v10  }
0x218: {  	v52 =	vld [tilespmem:$0x1FFE0];
	v8 =	vsub.s32 v9, v8  }
0x219: {  	v8 =	vadd.s32 v8, v10;
	_ =	sdelay $0x1  }
0x21a: {  	[sflag:s22] =	ssyncset.done $0x0  }
0x21b: {  	[sflag:s22] =	ssyncadd.s32 $0xFFFFFFF0  }
0x21c: {  	[tilespmem:$0x6400] =	vst v9;
	s4 =	simm.s32 $0x0;
	s6 =	simm.s32 $0x1;
	s5 =	simm.s32 $0x6410;
	vm9 =	vnez.u8 v52  }
0x21d: {  	[tilespmem:s5], [sflag:$0x1] =	stream.indirect_vreg.gather [hbm4b:s2+s4], $0x80, v8, vm9, $0xb8;
	[tilespmem:$0x6C10] =	vst v63  }
0x21e: {  	_ =	swait.ge [sflag:s6], $0x800  }
0x21f: {  	s22 =	simm.s32 $0x2;
	[sflag:s6] =	ssyncset.done $0x0  }
0x220: {  	s8 =	simm.s32 $0x0;
	s7 =	rddreg [dreg:$0xb];
	[sflag:s6] =	ssyncadd.s32 $0xFFFFF800  }
0x221: {  	[hbm4b:s7+s8] =	stream.linear.scatter [tilespmem:s5], [sflag:$0x2], $0x800, $0x38;
	[tilespmem:$0x6C10] =	vst v63  }
0x222: {  	_ =	swait.ge [sflag:s22], $0x800  }
0x223: {  	s11 =	simm.s32 $0x6400;
	[sflag:s22] =	ssyncset.done $0x0  }
0x224: {  	s10 =	simm.s32 $0x0;
	s9 =	rddreg [dreg:$0xc];
	[sflag:s22] =	ssyncadd.s32 $0xFFFFF800  }
0x225: {  	[hbm4b:s9+s10] =	stream.linear.scatter [tilespmem:s11], [sflag:$0x2], $0x10, $0x38;
	[tilespmem:$0x6C10] =	vst v63  }
0x226: {  	_ =	swait.ge [sflag:s22], $0x10  }
0x227: {  	(v2sf) =	vpush v7, $0xD;
	_ =	sdelay $0x1  }
0x228: {  	(v2sf) =	vpush v7, $0xC;
	_ =	sdelay $0x1  }
0x229: {  	(v2sf) =	vpush v7, $0xE;
	_ =	sdelay $0x1  }
0x22a: {  	(v2sf) =	vpush v7, $0xF;
	_ =	sdelay $0x1  }
0x22b: {  	(v2sf) =	vpush v7, $0x9;
	_ =	sdelay $0x1  }
0x22c: {  	(v2sf) =	vpush v7, $0x8;
	_ =	sdelay $0x1  }
0x22d: {  	(v2sf) =	vpush v7, $0xA;
	_ =	sdelay $0x1  }
0x22e: {  	(v2sf) =	vpush v7, $0xB  }
0x22f: {  	s12 =	spop (v2sf)  }
0x230: {  	(v2sf) =	vpush v7, $0x0;
	s13 =	smulhi.u32 $0x51EB851F, s12;
	s0 =	sshra.s32 s12, $0x1F  }
0x231: {  	s14 =	spop (v2sf);
	s0 =	smul.u32 $0x51EB851F, s0  }
0x232: {  	(v2sf) =	vpush v7, $0x7;
	s15 =	smulhi.u32 $0x51EB851F, s14;
	s3 =	sshra.s32 s14, $0x1F  }
0x233: {  	s16 =	spop (v2sf);
	s3 =	smul.u32 $0x51EB851F, s3  }
0x234: {  	(v2sf) =	vpush v7, $0x1;
	s17 =	smulhi.u32 $0x51EB851F, s16;
	s5 =	sshra.s32 s16, $0x1F  }
0x235: {  	s24 =	smov.u32 s2;
	s19 =	spop (v2sf);
	s18 =	smul.u32 $0x51EB851F, s5  }
0x236: {  	s0 =	sadd.s32 s0, s13;
	s20 =	smulhi.u32 $0x51EB851F, s19;
	s5 =	sshra.s32 s19, $0x1F  }
0x237: {  	s23 =	spop (v2sf);
	(v2sf) =	vpush v7, $0x2;
	s10 =	sshra.s32 s0, $0xB;
	s21 =	smul.u32 $0x51EB851F, s5  }
0x238: {  	s28 =	sadd.s32 s3, s15;
	s25 =	smulhi.u32 $0x51EB851F, s23;
	s4 =	sshra.s32 s23, $0x1F  }
0x239: {  	s29 =	spop (v2sf);
	(v2sf) =	vpush v7, $0x3;
	s16 =	sshra.s32 s28, $0xB;
	s26 =	smul.u32 $0x51EB851F, s4  }
0x23a: {  	s1 =	sadd.s32 s18, s17;
	s30 =	smulhi.u32 $0x51EB851F, s29;
	s31 =	sshra.s32 s29, $0x1F  }
0x23b: {  	s9 =	spop (v2sf);
	(v2sf) =	vpush v7, $0x4;
	s15 =	sshra.s32 s1, $0xB;
	s2 =	smul.u32 $0x51EB851F, s31  }
0x23c: {  	s4 =	sadd.s32 s21, s20;
	s11 =	smulhi.u32 $0x51EB851F, s9;
	s7 =	sshra.s32 s9, $0x1F  }
0x23d: {  	s13 =	spop (v2sf);
	s17 =	sshra.s32 s4, $0xB;
	s12 =	smul.u32 $0x51EB851F, s7  }
0x23e: {  	(v2sf) =	vpush v7, $0x5;
	s5 =	sadd.s32 s26, s25;
	s14 =	smulhi.u32 $0x51EB851F, s13;
	s7 =	sshra.s32 s13, $0x1F  }
0x23f: {  	s23 =	spop (v2sf);
	s18 =	sshra.s32 s5, $0xB;
	s21 =	smul.u32 $0x51EB851F, s7  }
0x240: {  	(v2sf) =	vpush v7, $0x6;
	s31 =	sadd.s32 s2, s30;
	s25 =	smulhi.u32 $0x51EB851F, s23;
	s7 =	sshra.s32 s23, $0x1F  }
0x241: {  	s30 =	spop (v2sf);
	s19 =	sshra.s32 s31, $0xB;
	s26 =	smul.u32 $0x51EB851F, s7  }
0x242: {  	s29 =	sadd.s32 s12, s11;
	s2 =	smulhi.u32 $0x51EB851F, s30;
	s7 =	sshra.s32 s30, $0x1F  }
0x243: {  	s13 =	spop (v2sf);
	s20 =	sshra.s32 s29, $0xB;
	s12 =	smul.u32 $0x51EB851F, s7  }
0x244: {  	s30 =	sadd.s32 s21, s14;
	s14 =	smulhi.u32 $0x51EB851F, s13;
	s7 =	sshra.s32 s13, $0x1F  }
0x245: {  	s11 =	sadd.s32 s26, s25;
	s23 =	smul.u32 $0x51EB851F, s7;
	s6 =	sadd.s32 s12, s2  }
0x246: {  	s21 =	sshra.s32 s11, $0xB;
	s25 =	sshra.s32 s6, $0x1F;
	s26 =	spop (v2sf)  }
0x247: {  	s9 =	sadd.s32 s23, s14;
	s2 =	smulhi.u32 $0x51EB851F, s26;
	s23 =	sshra.s32 s26, $0x1F  }
0x248: {  	vm6 =	vcmask $0x300;
	s7 =	sshra.s32 s11, $0x1F;
	v53 =	vmov s25;
	s26 =	spop (v2sf);
	s14 =	smul.u32 $0x51EB851F, s23  }
0x249: {  	vm4 =	vcmask $0x704;
	s25 =	sshra.s32 s9, $0xB;
	v54 =	vsel vm6, s21, v53;
	s23 =	smulhi.u32 $0x51EB851F, s26;
	s21 =	sshra.s32 s26, $0x1F  }
0x24a: {  	v9 =	vsel vm4, s7, v54;
	s12 =	sadd.s32 s14, s2;
	s2 =	smul.u32 $0x51EB851F, s21;
	s21 =	spop (v2sf)  }
0x24b: {  	v61 =	vimm.s32 $0x0;
	s8 =	sshra.s32 s9, $0x1F;
	v9 =	vsel vm15, s25, v9;
	s26 =	sshra.s32 s12, $0xB;
	s25 =	smulhi.u32 $0x51EB851F, s21  }
0x24c: {  	vm14 =	vcmask $0x1F1C;
	vm2 =	vmmov vm3;
	vm5 =	vcmask $0x2724;
	s14 =	sshra.s32 s21, $0x1F;
	s21 =	sshra.s32 s30, $0xB;
	s13 =	sadd.s32 s2, s23  }
0x24d: {  	v55 =	vmov s16;
	v56 =	vmov s19;
	v9 =	vsel vm13, s8, v9;
	s3 =	smul.u32 $0x51EB851F, s14;
	s2 =	spop (v2sf);
	s14 =	sshra.s32 s12, $0x1F  }
0x24e: {  	v10 =	vsel vm15, s10, v55;
	v11 =	vsel vm15, s18, v56;
	v9 =	vsel vm12, s26, v9;
	s26 =	smulhi.u32 $0x51EB851F, s2;
	s19 =	sshra.s32 s2, $0x1F;
	s2 =	sshra.s32 s13, $0xB  }
0x24f: {  	v10 =	vsel vm12, s15, v10;
	v11 =	vsel vm12, s20, v11;
	v9 =	vsel vm11, s14, v9;
	s23 =	spop (v2sf);
	s18 =	sadd.s32 s3, s25;
	s3 =	smul.u32 $0x51EB851F, s19  }
0x250: {  	v10 =	vsel vm10, s17, v10;
	v11 =	vsel vm10, s21, v11;
	s16 =	sshra.s32 s13, $0x1F;
	v9 =	vsel vm10, s2, v9;
	s2 =	smulhi.u32 $0x51EB851F, s23  }
0x251: {  	vm9 =	vmmov vm13;
	v10 =	vcombine.low v11, v10;
	s10 =	sshra.s32 s23, $0x1F;
	s23 =	sshrl.u32 s28, $0x1F;
	v9 =	vsel vm14, s16, v9;
	s25 =	sshra.s32 s18, $0xB  }
0x252: {  	vm13 =	vmmov vm11;
	vm11 =	vcmask $0x3734;
	s19 =	sshra.s32 s18, $0x1F;
	s17 =	smul.u32 $0x51EB851F, s10;
	v9 =	vsel vm8, s25, v9;
	s20 =	sadd.s32 s3, s26  }
0x253: {  	v10 =	vperm.xlane v10, v1;
	v57 =	vmov s23;
	s23 =	sshrl.u32 s1, $0x1F;
	s26 =	sshrl.u32 s0, $0x1F;
	v9 =	vsel vm5, s19, v9;
	s21 =	sshra.s32 s20, $0xB  }
0x254: {  	s10 =	sshra.s32 s20, $0x1F;
	s15 =	sadd.s32 s17, s2;
	s2 =	sshrl.u32 s11, $0x1F;
	v11 =	vsel vm15, s26, v57;
	v9 =	vsel vm3, s21, v9;
	vm3 =	vcmask $0x2F2C  }
0x255: {  	s11 =	sshra.s32 s11, $0xA;
	s25 =	sshra.s32 s15, $0xB;
	v58 =	vmov s2;
	v11 =	vsel vm12, s23, v11;
	v9 =	vsel vm3, s10, v9  }
0x256: {  	s26 =	sshrl.u32 s4, $0x1F;
	s17 =	sshra.s32 s15, $0x1F;
	s21 =	sshrl.u32 s31, $0x1F;
	v8 =	vsel vm6, s11, v53;
	v12 =	vnsel vm6, $0x0, v58;
	v9 =	vsel vm0, s25, v9  }
0x257: {  	s2 =	sshrl.u32 s9, $0x1F;
	v11 =	vsel vm10, s26, v11;
	v59 =	vmov s21;
	s25 =	sshra.s32 s6, $0xB;
	v9 =	vsel vm11, s17, v9  }
0x258: {  	s26 =	sshrl.u32 s5, $0x1F;
	v8 =	vsel vm4, s7, v8;
	v12 =	vsel vm15, s2, v12;
	v9 =	vsel vm1, s25, v9;
	s25 =	sshrl.u32 s12, $0x1F  }
0x259: {  	s21 =	sshrl.u32 s29, $0x1F;
	vm6 =	vmmov vm0;
	s2 =	sshrl.u32 s13, $0x1F;
	v13 =	vsel vm15, s26, v59;
	v12 =	vsel vm12, s25, v12;
	s25 =	sshra.s32 s9, $0xA  }
0x25a: {  	s23 =	sshrl.u32 s18, $0x1F;
	s26 =	sshrl.u32 s30, $0x1F;
	v13 =	vsel vm12, s21, v13;
	v12 =	vsel vm10, s2, v12;
	v8 =	vsel vm15, s25, v8  }
0x25b: {  	s11 =	sshra.s32 s12, $0xA;
	s21 =	sshra.s32 s31, $0xA;
	v13 =	vsel vm10, s26, v13;
	s2 =	sshrl.u32 s20, $0x1F;
	v12 =	vsel vm8, s23, v12;
	v8 =	vsel vm9, s8, v8  }
0x25c: {  	v63 =	vmov s21;
	s9 =	sshrl.u32 s15, $0x1F;
	v12 =	vsel vm2, s2, v12;
	v8 =	vsel vm12, s11, v8  }
0x25d: {  	s12 =	sshrl.u32 s6, $0x1F;
	v11 =	vcombine.low v13, v11;
	v12 =	vsel vm0, s9, v12;
	v8 =	vsel vm13, s14, v8;
	s14 =	sshra.s32 s13, $0xA  }
0x25e: {  	v9 =	vperm.xlane v9, v3;
	v12 =	vsel vm1, s12, v12;
	v8 =	vsel vm10, s14, v8  }
0x25f: {  	v11 =	vperm.xlane v11, v1;
	v12 =	vperm.xlane v12, v3;
	v8 =	vsel vm14, s16, v8;
	s16 =	sshra.s32 s18, $0xA;
	s18 =	sshra.s32 s28, $0xA  }
0x260: {  	v9 =	vsel vm7, v9, v10;
	v8 =	vsel vm8, s16, v8;
	v62 =	vmov s18  }
0x261: {  	s0 =	sshra.s32 s0, $0xA;
	s25 =	sshra.s32 s20, $0xA;
	s23 =	sshra.s32 s5, $0xA;
	v60 =	vsel vm7, v12, v11;
	v11 =	vsel vm7, $0xFFFFFFFF, v61;
	v8 =	vsel vm5, s19, v8  }
0x262: {  	s26 =	sshra.s32 s1, $0xA;
	s28 =	sshra.s32 s29, $0xA;
	v12 =	vsel vm15, s23, v63;
	[tilespmem:$0x1FFF0] =	vst v11;
	v11 =	vsel vm15, s0, v62;
	v8 =	vsel vm2, s25, v8  }
0x263: {  	s31 =	sshra.s32 s30, $0xA;
	s2 =	sshra.s32 s15, $0xA;
	s29 =	sshra.s32 s4, $0xA;
	v12 =	vsel vm12, s28, v12;
	v11 =	vsel vm12, s26, v11;
	v8 =	vsel vm3, s10, v8  }
0x264: {  	v12 =	vsel vm10, s31, v12;
	v11 =	vsel vm10, s29, v11;
	v8 =	vsel vm6, s2, v8  }
0x265: {  	s3 =	sshra.s32 s6, $0xA;
	v9 =	vadd.s32 v60, v9;
	v11 =	vcombine.low v12, v11;
	v8 =	vsel vm11, s17, v8  }
0x266: {  	v16 =	vmul.u32 $0xFFFFE700, v9;
	v8 =	vsel vm1, s3, v8  }
0x267: {  	v17 =	vsub.s32 $0x0, v7;
	v11 =	vperm.xlane v11, v1;
	v8 =	vperm.xlane v8, v3  }
0x268: {  	vm11 =	vlt.s32 v7, $0x1;
	vm14 =	vne.s32 v16, v17  }
0x269: {  	vm5 =	vmand vm11, vm14;
	v8 =	vsel vm7, v8, v11  }
0x26a: {  	v18 =	vsel vm5, $0xFFFFFFFF, v2;
	v8 =	vadd.s32 v60, v8  }
0x26b: {  	v9 =	vadd.s32 v18, v9;
	v8 =	vmul.u32 $0xC80, v8  }
0x26c: {  	v9 =	vmul.u32 $0xC80, v9  }
0x26d: {  	v19 =	vld [tilespmem:$0x1FFE0];
	v8 =	vsub.s32 v7, v8  }
0x26e: {  	v8 =	vadd.s32 v8, v9;
	_ =	sdelay $0x1  }
0x26f: {  	[sflag:s22] =	ssyncset.done $0x0  }
0x270: {  	[sflag:s22] =	ssyncadd.s32 $0xFFFFFFF0  }
0x271: {  	[tilespmem:$0x6400] =	vst v7;
	s6 =	simm.s32 $0x1;
	s5 =	simm.s32 $0x6410;
	s4 =	simm.s32 $0x0;
	vm14 =	vnez.u8 v19  }
0x272: {  	[tilespmem:s5], [sflag:$0x1] =	stream.indirect_vreg.gather [hbm4b:s24+s4], $0x80, v8, vm14, $0xb8;
	[tilespmem:$0x6C10] =	vst v63  }
0x273: {  	_ =	swait.ge [sflag:s6], $0x800  }
0x274: {  	[sflag:s6] =	ssyncset.done $0x0  }
0x275: {  	s8 =	simm.s32 $0x0;
	s7 =	rddreg [dreg:$0xd];
	[sflag:s6] =	ssyncadd.s32 $0xFFFFF800  }
0x276: {  	[hbm4b:s7+s8] =	stream.linear.scatter [tilespmem:s5], [sflag:$0x2], $0x800, $0x38;
	[tilespmem:$0x6C10] =	vst v63  }
0x277: {  	_ =	swait.ge [sflag:s22], $0x800  }
0x278: {  	s11 =	simm.s32 $0x6400;
	[sflag:s22] =	ssyncset.done $0x0  }
0x279: {  	s10 =	simm.s32 $0x0;
	s9 =	rddreg [dreg:$0xe];
	[sflag:s22] =	ssyncadd.s32 $0xFFFFF800  }
0x27a: {  	[hbm4b:s9+s10] =	stream.linear.scatter [tilespmem:s11], [sflag:$0x2], $0x10, $0x38;
	[tilespmem:$0x6C10] =	vst v63  }
0x27b: {  	_ =	swait.ge [sflag:s22], $0x10  }
0x27c: {  	(v2sf) =	vpush v5, $0xD;
	_ =	sdelay $0x1  }
0x27d: {  	(v2sf) =	vpush v5, $0xC;
	_ =	sdelay $0x1  }
0x27e: {  	(v2sf) =	vpush v5, $0xE;
	_ =	sdelay $0x1  }
0x27f: {  	(v2sf) =	vpush v5, $0xF;
	_ =	sdelay $0x1  }
0x280: {  	(v2sf) =	vpush v5, $0x9;
	_ =	sdelay $0x1  }
0x281: {  	(v2sf) =	vpush v5, $0x8;
	_ =	sdelay $0x1  }
0x282: {  	(v2sf) =	vpush v5, $0xA;
	_ =	sdelay $0x1  }
0x283: {  	(v2sf) =	vpush v5, $0xB  }
0x284: {  	s12 =	spop (v2sf)  }
0x285: {  	(v2sf) =	vpush v5, $0x0;
	s13 =	smulhi.u32 $0x51EB851F, s12;
	s0 =	sshra.s32 s12, $0x1F  }
0x286: {  	s14 =	spop (v2sf);
	s0 =	smul.u32 $0x51EB851F, s0  }
0x287: {  	(v2sf) =	vpush v5, $0x7;
	s15 =	smulhi.u32 $0x51EB851F, s14;
	s3 =	sshra.s32 s14, $0x1F  }
0x288: {  	s16 =	spop (v2sf);
	s3 =	smul.u32 $0x51EB851F, s3  }
0x289: {  	(v2sf) =	vpush v5, $0x1;
	s17 =	smulhi.u32 $0x51EB851F, s16;
	s5 =	sshra.s32 s16, $0x1F  }
0x28a: {  	s19 =	spop (v2sf);
	s18 =	smul.u32 $0x51EB851F, s5  }
0x28b: {  	s0 =	sadd.s32 s0, s13;
	s20 =	smulhi.u32 $0x51EB851F, s19;
	s5 =	sshra.s32 s19, $0x1F  }
0x28c: {  	s23 =	spop (v2sf);
	(v2sf) =	vpush v5, $0x2;
	s10 =	sshra.s32 s0, $0xB;
	s21 =	smul.u32 $0x51EB851F, s5  }
0x28d: {  	s28 =	sadd.s32 s3, s15;
	s25 =	smulhi.u32 $0x51EB851F, s23;
	s4 =	sshra.s32 s23, $0x1F  }
0x28e: {  	s29 =	spop (v2sf);
	(v2sf) =	vpush v5, $0x3;
	s16 =	sshra.s32 s28, $0xB;
	s26 =	smul.u32 $0x51EB851F, s4  }
0x28f: {  	s1 =	sadd.s32 s18, s17;
	s30 =	smulhi.u32 $0x51EB851F, s29;
	s31 =	sshra.s32 s29, $0x1F  }
0x290: {  	s9 =	spop (v2sf);
	(v2sf) =	vpush v5, $0x4;
	s15 =	sshra.s32 s1, $0xB;
	s2 =	smul.u32 $0x51EB851F, s31  }
0x291: {  	s4 =	sadd.s32 s21, s20;
	s11 =	smulhi.u32 $0x51EB851F, s9;
	s7 =	sshra.s32 s9, $0x1F  }
0x292: {  	s13 =	spop (v2sf);
	s17 =	sshra.s32 s4, $0xB;
	s12 =	smul.u32 $0x51EB851F, s7  }
0x293: {  	(v2sf) =	vpush v5, $0x5;
	s5 =	sadd.s32 s26, s25;
	s14 =	smulhi.u32 $0x51EB851F, s13;
	s7 =	sshra.s32 s13, $0x1F  }
0x294: {  	s23 =	spop (v2sf);
	s18 =	sshra.s32 s5, $0xB;
	s21 =	smul.u32 $0x51EB851F, s7  }
0x295: {  	(v2sf) =	vpush v5, $0x6;
	s31 =	sadd.s32 s2, s30;
	s25 =	smulhi.u32 $0x51EB851F, s23;
	s7 =	sshra.s32 s23, $0x1F  }
0x296: {  	s30 =	spop (v2sf);
	s19 =	sshra.s32 s31, $0xB;
	s26 =	smul.u32 $0x51EB851F, s7  }
0x297: {  	s29 =	sadd.s32 s12, s11;
	s2 =	smulhi.u32 $0x51EB851F, s30;
	s7 =	sshra.s32 s30, $0x1F  }
0x298: {  	s13 =	spop (v2sf);
	s20 =	sshra.s32 s29, $0xB;
	s12 =	smul.u32 $0x51EB851F, s7  }
0x299: {  	s30 =	sadd.s32 s21, s14;
	s14 =	smulhi.u32 $0x51EB851F, s13;
	s7 =	sshra.s32 s13, $0x1F  }
0x29a: {  	s11 =	sadd.s32 s26, s25;
	s23 =	smul.u32 $0x51EB851F, s7;
	s6 =	sadd.s32 s12, s2  }
0x29b: {  	s21 =	sshra.s32 s11, $0xB;
	s25 =	sshra.s32 s6, $0x1F;
	s26 =	spop (v2sf)  }
0x29c: {  	s9 =	sadd.s32 s23, s14;
	s2 =	smulhi.u32 $0x51EB851F, s26;
	s23 =	sshra.s32 s26, $0x1F  }
0x29d: {  	vm0 =	vmmov vm8;
	vm8 =	vcmask $0x300;
	s7 =	sshra.s32 s11, $0x1F;
	v20 =	vmov s25;
	s26 =	spop (v2sf);
	s14 =	smul.u32 $0x51EB851F, s23  }
0x29e: {  	s25 =	sshra.s32 s9, $0xB;
	v21 =	vsel vm8, s21, v20;
	s23 =	smulhi.u32 $0x51EB851F, s26;
	s21 =	sshra.s32 s26, $0x1F  }
0x29f: {  	v8 =	vsel vm4, s7, v21;
	s12 =	sadd.s32 s14, s2;
	s2 =	smul.u32 $0x51EB851F, s21;
	s21 =	spop (v2sf)  }
0x2a0: {  	vm3 =	vmmov vm0;
	s8 =	sshra.s32 s9, $0x1F;
	v8 =	vsel vm15, s25, v8;
	s26 =	sshra.s32 s12, $0xB;
	s25 =	smulhi.u32 $0x51EB851F, s21  }
0x2a1: {  	vm6 =	vcmask $0x2F2C;
	vm11 =	vmmov vm9;
	vm5 =	vcmask $0x1F1C;
	s14 =	sshra.s32 s21, $0x1F;
	s21 =	sshra.s32 s30, $0xB;
	s13 =	sadd.s32 s2, s23  }
0x2a2: {  	v22 =	vmov s16;
	v23 =	vmov s19;
	v8 =	vsel vm9, s8, v8;
	s3 =	smul.u32 $0x51EB851F, s14;
	s2 =	spop (v2sf);
	s14 =	sshra.s32 s12, $0x1F  }
0x2a3: {  	v9 =	vsel vm15, s10, v22;
	v10 =	vsel vm15, s18, v23;
	v8 =	vsel vm12, s26, v8;
	s26 =	smulhi.u32 $0x51EB851F, s2;
	s19 =	sshra.s32 s2, $0x1F;
	s2 =	sshra.s32 s13, $0xB  }
0x2a4: {  	v9 =	vsel vm12, s15, v9;
	v10 =	vsel vm12, s20, v10;
	v8 =	vsel vm13, s14, v8;
	s23 =	spop (v2sf);
	s18 =	sadd.s32 s3, s25;
	s3 =	smul.u32 $0x51EB851F, s19  }
0x2a5: {  	v9 =	vsel vm10, s17, v9;
	v10 =	vsel vm10, s21, v10;
	s16 =	sshra.s32 s13, $0x1F;
	v8 =	vsel vm10, s2, v8;
	s2 =	smulhi.u32 $0x51EB851F, s23  }
0x2a6: {  	vm7 =	vmmov vm4;
	v9 =	vcombine.low v10, v9;
	s10 =	sshra.s32 s23, $0x1F;
	s23 =	sshrl.u32 s28, $0x1F;
	v8 =	vsel vm5, s16, v8;
	s25 =	sshra.s32 s18, $0xB  }
0x2a7: {  	vm4 =	vcmask $0x3734;
	vm9 =	vcmask $0x2724;
	s19 =	sshra.s32 s18, $0x1F;
	s17 =	smul.u32 $0x51EB851F, s10;
	v8 =	vsel vm0, s25, v8;
	s20 =	sadd.s32 s3, s26  }
0x2a8: {  	v9 =	vperm.xlane v9, v1;
	v24 =	vmov s23;
	s26 =	sshrl.u32 s0, $0x1F;
	v8 =	vsel vm9, s19, v8;
	s21 =	sshra.s32 s20, $0xB  }
0x2a9: {  	v27 =	vld [tilespmem:$0x1FFF0];
	vm0 =	vmmov vm2;
	s10 =	sshra.s32 s20, $0x1F;
	s15 =	sadd.s32 s17, s2;
	s2 =	sshrl.u32 s11, $0x1F;
	v10 =	vsel vm15, s26, v24;
	v8 =	vsel vm2, s21, v8  }
0x2aa: {  	s23 =	sshrl.u32 s1, $0x1F;
	s11 =	sshra.s32 s11, $0xA;
	s25 =	sshra.s32 s15, $0xB;
	vm2 =	vcmask $0x3330;
	v25 =	vmov s2;
	v8 =	vsel vm6, s10, v8  }
0x2ab: {  	s26 =	sshrl.u32 s4, $0x1F;
	s17 =	sshra.s32 s15, $0x1F;
	v10 =	vsel vm12, s23, v10;
	v7 =	vsel vm8, s11, v20;
	v8 =	vsel vm2, s25, v8  }
0x2ac: {  	s2 =	sshrl.u32 s9, $0x1F;
	s21 =	sshrl.u32 s31, $0x1F;
	v11 =	vnsel vm8, $0x0, v25;
	v10 =	vsel vm10, s26, v10;
	s25 =	sshra.s32 s6, $0xB;
	v8 =	vsel vm4, s17, v8  }
0x2ad: {  	v26 =	vmov s21;
	v11 =	vsel vm15, s2, v11;
	v8 =	vsel vm1, s25, v8;
	s25 =	sshrl.u32 s12, $0x1F  }
0x2ae: {  	s26 =	sshrl.u32 s5, $0x1F;
	v7 =	vsel vm7, s7, v7;
	vm8 =	vnez.u8 v27;
	s2 =	sshrl.u32 s13, $0x1F;
	v11 =	vsel vm12, s25, v11;
	s25 =	sshra.s32 s9, $0xA  }
0x2af: {  	s23 =	sshrl.u32 s18, $0x1F;
	s21 =	sshrl.u32 s29, $0x1F;
	v12 =	vsel vm15, s26, v26;
	v11 =	vsel vm10, s2, v11;
	v7 =	vsel vm15, s25, v7  }
0x2b0: {  	s11 =	sshra.s32 s12, $0xA;
	s26 =	sshrl.u32 s30, $0x1F;
	v12 =	vsel vm12, s21, v12;
	s2 =	sshrl.u32 s20, $0x1F;
	v11 =	vsel vm3, s23, v11;
	v7 =	vsel vm11, s8, v7  }
0x2b1: {  	v12 =	vsel vm10, s26, v12;
	s9 =	sshrl.u32 s15, $0x1F;
	v11 =	vsel vm0, s2, v11;
	v7 =	vsel vm12, s11, v7  }
0x2b2: {  	s12 =	sshrl.u32 s6, $0x1F;
	v10 =	vcombine.low v12, v10;
	v11 =	vsel vm2, s9, v11;
	v7 =	vsel vm13, s14, v7;
	s14 =	sshra.s32 s13, $0xA  }
0x2b3: {  	v8 =	vperm.xlane v8, v3;
	v11 =	vsel vm1, s12, v11;
	v7 =	vsel vm10, s14, v7  }
0x2b4: {  	s21 =	sshra.s32 s31, $0xA;
	v10 =	vperm.xlane v10, v1;
	v11 =	vperm.xlane v11, v3;
	v7 =	vsel vm5, s16, v7;
	s16 =	sshra.s32 s18, $0xA  }
0x2b5: {  	v30 =	vmov s21;
	v8 =	vsel vm8, v8, v9;
	s18 =	sshra.s32 s28, $0xA;
	v7 =	vsel vm3, s16, v7  }
0x2b6: {  	s0 =	sshra.s32 s0, $0xA;
	s25 =	sshra.s32 s20, $0xA;
	s23 =	sshra.s32 s5, $0xA;
	v29 =	vmov s18;
	v28 =	vsel vm8, v11, v10;
	v7 =	vsel vm9, s19, v7  }
0x2b7: {  	s26 =	sshra.s32 s1, $0xA;
	s28 =	sshra.s32 s29, $0xA;
	v10 =	vsel vm15, s0, v29;
	v11 =	vsel vm15, s23, v30;
	v7 =	vsel vm0, s25, v7  }
0x2b8: {  	s31 =	sshra.s32 s30, $0xA;
	s2 =	sshra.s32 s15, $0xA;
	s29 =	sshra.s32 s4, $0xA;
	v10 =	vsel vm12, s26, v10;
	v11 =	vsel vm12, s28, v11;
	v7 =	vsel vm6, s10, v7  }
0x2b9: {  	v10 =	vsel vm10, s29, v10;
	v11 =	vsel vm10, s31, v11;
	v7 =	vsel vm2, s2, v7  }
0x2ba: {  	s4 =	sshra.s32 s6, $0xA;
	v8 =	vadd.s32 v28, v8;
	v10 =	vcombine.low v11, v10;
	v7 =	vsel vm4, s17, v7  }
0x2bb: {  	v31 =	vmul.u32 $0xFFFFE700, v8;
	v7 =	vsel vm1, s4, v7  }
0x2bc: {  	v32 =	vsub.s32 $0x0, v5;
	v10 =	vperm.xlane v10, v1;
	v7 =	vperm.xlane v7, v3  }
0x2bd: {  	vm3 =	vmmov vm2;
	vm2 =	vlt.s32 v5, $0x1;
	vm9 =	vne.s32 v31, v32  }
0x2be: {  	vm5 =	vmand vm2, vm9;
	v7 =	vsel vm8, v7, v10  }
0x2bf: {  	v33 =	vsel vm5, $0xFFFFFFFF, v2;
	v7 =	vadd.s32 v28, v7  }
0x2c0: {  	v8 =	vadd.s32 v33, v8;
	v7 =	vmul.u32 $0xC80, v7  }
0x2c1: {  	v8 =	vmul.u32 $0xC80, v8  }
0x2c2: {  	v7 =	vsub.s32 v5, v7  }
0x2c3: {  	v7 =	vadd.s32 v7, v8;
	_ =	sdelay $0x1  }
0x2c4: {  	[sflag:s22] =	ssyncset.done $0x0  }
0x2c5: {  	[sflag:s22] =	ssyncadd.s32 $0xFFFFFFF0  }
0x2c6: {  	[tilespmem:$0x6400] =	vst v5;
	s7 =	simm.s32 $0x1;
	s5 =	simm.s32 $0x0;
	s6 =	simm.s32 $0x6410  }
0x2c7: {  	[tilespmem:s6], [sflag:$0x1] =	stream.indirect_vreg.gather [hbm4b:s24+s5], $0x80, v7, vm14, $0xb8;
	[tilespmem:$0x6C10] =	vst v63  }
0x2c8: {  	_ =	swait.ge [sflag:s7], $0x800  }
0x2c9: {  	s22 =	simm.s32 $0x2;
	[sflag:s7] =	ssyncset.done $0x0  }
0x2ca: {  	s9 =	simm.s32 $0x0;
	s8 =	rddreg [dreg:$0xf];
	[sflag:s7] =	ssyncadd.s32 $0xFFFFF800  }
0x2cb: {  	[hbm4b:s8+s9] =	stream.linear.scatter [tilespmem:s6], [sflag:$0x2], $0x800, $0x38;
	[tilespmem:$0x6C10] =	vst v63  }
0x2cc: {  	_ =	swait.ge [sflag:s22], $0x800  }
0x2cd: {  	s11 =	simm.s32 $0x0;
	s2 =	smov.u32 s24;
	[sflag:s22] =	ssyncset.done $0x0  }
0x2ce: {  	s24 =	simm.s32 $0x6400;
	s10 =	rddreg [dreg:$0x10];
	[sflag:s22] =	ssyncadd.s32 $0xFFFFF800  }
0x2cf: {  	[hbm4b:s10+s11] =	stream.linear.scatter [tilespmem:s24], [sflag:$0x2], $0x10, $0x38;
	[tilespmem:$0x6C10] =	vst v63  }
0x2d0: {  	_ =	swait.ge [sflag:s22], $0x10  }
0x2d1: {  	(v2sf) =	vpush v6, $0xD;
	_ =	sdelay $0x1  }
0x2d2: {  	(v2sf) =	vpush v6, $0xC;
	_ =	sdelay $0x1  }
0x2d3: {  	(v2sf) =	vpush v6, $0xE;
	_ =	sdelay $0x1  }
0x2d4: {  	(v2sf) =	vpush v6, $0xF  }
0x2d5: {  	(v2sf) =	vpush v6, $0x9;
	_ =	sdelay $0x1  }
0x2d6: {  	(v2sf) =	vpush v6, $0x8;
	_ =	sdelay $0x1  }
0x2d7: {  	(v2sf) =	vpush v6, $0xA;
	_ =	sdelay $0x1  }
0x2d8: {  	(v2sf) =	vpush v6, $0xB;
	_ =	sdelay $0x1  }
0x2d9: {  	(v2sf) =	vpush v6, $0x0;
	s12 =	spop (v2sf)  }
0x2da: {  	s13 =	smulhi.u32 $0x51EB851F, s12;
	s0 =	sshra.s32 s12, $0x1F  }
0x2db: {  	(v2sf) =	vpush v6, $0x7;
	s14 =	spop (v2sf);
	s0 =	smul.u32 $0x51EB851F, s0  }
0x2dc: {  	s15 =	smulhi.u32 $0x51EB851F, s14;
	s3 =	sshra.s32 s14, $0x1F  }
0x2dd: {  	s16 =	spop (v2sf);
	s3 =	smul.u32 $0x51EB851F, s3  }
0x2de: {  	(v2sf) =	vpush v6, $0x1;
	s17 =	smulhi.u32 $0x51EB851F, s16;
	s5 =	sshra.s32 s16, $0x1F  }
0x2df: {  	s19 =	spop (v2sf);
	s0 =	sadd.s32 s0, s13;
	s18 =	smul.u32 $0x51EB851F, s5  }
0x2e0: {  	s20 =	smulhi.u32 $0x51EB851F, s19;
	s5 =	sshra.s32 s19, $0x1F;
	s23 =	spop (v2sf)  }
0x2e1: {  	(v2sf) =	vpush v6, $0x2;
	s10 =	sshra.s32 s0, $0xB;
	s28 =	sadd.s32 s3, s15;
	s21 =	smul.u32 $0x51EB851F, s5  }
0x2e2: {  	s25 =	smulhi.u32 $0x51EB851F, s23;
	s4 =	sshra.s32 s23, $0x1F;
	s29 =	spop (v2sf)  }
0x2e3: {  	(v2sf) =	vpush v6, $0x3;
	s16 =	sshra.s32 s28, $0xB;
	s1 =	sadd.s32 s18, s17;
	s26 =	smul.u32 $0x51EB851F, s4  }
0x2e4: {  	s30 =	smulhi.u32 $0x51EB851F, s29;
	s31 =	sshra.s32 s29, $0x1F;
	s12 =	spop (v2sf)  }
0x2e5: {  	(v2sf) =	vpush v6, $0x4;
	s15 =	sshra.s32 s1, $0xB;
	s4 =	sadd.s32 s21, s20;
	s11 =	smul.u32 $0x51EB851F, s31  }
0x2e6: {  	s13 =	smulhi.u32 $0x51EB851F, s12;
	s7 =	sshra.s32 s12, $0x1F;
	s20 =	spop (v2sf)  }
0x2e7: {  	(v2sf) =	vpush v6, $0x5;
	s17 =	sshra.s32 s4, $0xB;
	s5 =	sadd.s32 s26, s25;
	s14 =	smul.u32 $0x51EB851F, s7  }
0x2e8: {  	s21 =	smulhi.u32 $0x51EB851F, s20;
	s7 =	sshra.s32 s20, $0x1F;
	s25 =	spop (v2sf)  }
0x2e9: {  	s18 =	sshra.s32 s5, $0xB;
	s31 =	sadd.s32 s11, s30;
	s23 =	smul.u32 $0x51EB851F, s7  }
0x2ea: {  	(v2sf) =	vpush v6, $0x6;
	s26 =	smulhi.u32 $0x51EB851F, s25;
	s7 =	sshra.s32 s25, $0x1F;
	s12 =	spop (v2sf)  }
0x2eb: {  	s19 =	sshra.s32 s31, $0xB;
	s29 =	sadd.s32 s14, s13;
	s9 =	smul.u32 $0x51EB851F, s7  }
0x2ec: {  	s13 =	smulhi.u32 $0x51EB851F, s12;
	s7 =	sshra.s32 s12, $0x1F;
	s20 =	sshra.s32 s29, $0xB  }
0x2ed: {  	s30 =	sadd.s32 s23, s21;
	s14 =	smul.u32 $0x51EB851F, s7;
	s21 =	spop (v2sf)  }
0x2ee: {  	s11 =	sadd.s32 s9, s26;
	s23 =	smulhi.u32 $0x51EB851F, s21;
	s7 =	sshra.s32 s21, $0x1F  }
0x2ef: {  	s12 =	sshra.s32 s11, $0xB;
	s6 =	sadd.s32 s14, s13;
	s25 =	smul.u32 $0x51EB851F, s7  }
0x2f0: {  	s7 =	sshra.s32 s11, $0x1F;
	s26 =	sshra.s32 s6, $0x1F;
	s21 =	spop (v2sf)  }
0x2f1: {  	s9 =	sadd.s32 s25, s23;
	s3 =	smulhi.u32 $0x51EB851F, s21;
	s23 =	sshra.s32 s21, $0x1F  }
0x2f2: {  	vm2 =	vcmask $0x300;
	v34 =	vmov s26;
	s25 =	sshra.s32 s9, $0xB;
	s26 =	spop (v2sf);
	s14 =	smul.u32 $0x51EB851F, s23  }
0x2f3: {  	vm7 =	vcmask $0x704;
	v35 =	vsel vm2, s12, v34;
	s8 =	sshra.s32 s9, $0x1F;
	s23 =	smulhi.u32 $0x51EB851F, s26;
	s21 =	sshra.s32 s26, $0x1F  }
0x2f4: {  	v7 =	vsel vm7, s7, v35;
	s12 =	sadd.s32 s14, s3;
	s3 =	smul.u32 $0x51EB851F, s21;
	s21 =	spop (v2sf)  }
0x2f5: {  	vm4 =	vcmask $0x2320;
	v7 =	vsel vm15, s25, v7;
	s26 =	sshra.s32 s12, $0xB;
	s25 =	smulhi.u32 $0x51EB851F, s21;
	s14 =	sshra.s32 s21, $0x1F  }
0x2f6: {  	vm9 =	vmmov vm11;
	vm14 =	vcmask $0x2724;
	v7 =	vsel vm11, s8, v7;
	s13 =	sadd.s32 s3, s23;
	s3 =	smul.u32 $0x51EB851F, s14;
	s23 =	spop (v2sf)  }
0x2f7: {  	v36 =	vmov s16;
	v37 =	vmov s19;
	s21 =	sshra.s32 s30, $0xB;
	v7 =	vsel vm12, s26, v7;
	s14 =	sshra.s32 s12, $0x1F;
	s26 =	smulhi.u32 $0x51EB851F, s23  }
0x2f8: {  	v8 =	vsel vm15, s10, v36;
	v9 =	vsel vm15, s18, v37;
	v7 =	vsel vm13, s14, v7;
	s19 =	sshra.s32 s23, $0x1F;
	s23 =	sshra.s32 s13, $0xB;
	s16 =	sshra.s32 s13, $0x1F  }
0x2f9: {  	vm11 =	vmmov vm13;
	vm13 =	vcmask $0x1F1C;
	v7 =	vsel vm10, s23, v7;
	s18 =	sadd.s32 s3, s25;
	s3 =	smul.u32 $0x51EB851F, s19;
	s19 =	spop (v2sf)  }
0x2fa: {  	v8 =	vsel vm12, s15, v8;
	v9 =	vsel vm12, s20, v9;
	v7 =	vsel vm13, s16, v7;
	s23 =	sshra.s32 s18, $0xB;
	s25 =	smulhi.u32 $0x51EB851F, s19;
	s10 =	sshra.s32 s19, $0x1F  }
0x2fb: {  	v8 =	vsel vm10, s17, v8;
	v9 =	vsel vm10, s21, v9;
	s19 =	sshra.s32 s18, $0x1F;
	v7 =	vsel vm4, s23, v7;
	s20 =	sadd.s32 s3, s26;
	s26 =	smul.u32 $0x51EB851F, s10  }
0x2fc: {  	vm6 =	vcmask $0x3734;
	s17 =	sshrl.u32 s28, $0x1F;
	v8 =	vcombine.low v9, v8;
	v7 =	vsel vm14, s19, v7;
	s15 =	sshra.s32 s20, $0xB  }
0x2fd: {  	vm5 =	vcmask $0x2F2C;
	v38 =	vmov s17;
	s23 =	sshrl.u32 s0, $0x1F;
	s10 =	sshra.s32 s20, $0x1F;
	v7 =	vsel vm0, s15, v7;
	s15 =	sadd.s32 s26, s25  }
0x2fe: {  	v8 =	vperm.xlane v8, v1;
	v9 =	vsel vm15, s23, v38;
	s25 =	sshrl.u32 s11, $0x1F;
	s26 =	sshrl.u32 s1, $0x1F;
	s11 =	sshra.s32 s11, $0xA;
	v7 =	vsel vm5, s10, v7  }
0x2ff: {  	s21 =	sshra.s32 s15, $0xB;
	v39 =	vmov s25;
	v9 =	vsel vm12, s26, v9;
	s25 =	sshrl.u32 s4, $0x1F;
	v5 =	vsel vm2, s11, v34  }
0x300: {  	s17 =	sshra.s32 s15, $0x1F;
	s26 =	sshrl.u32 s9, $0x1F;
	v7 =	vsel vm3, s21, v7;
	v10 =	vnsel vm2, $0x0, v39;
	v9 =	vsel vm10, s25, v9  }
0x301: {  	s23 =	sshra.s32 s6, $0xB;
	s21 =	sshrl.u32 s31, $0x1F;
	s25 =	sshrl.u32 s12, $0x1F;
	v5 =	vsel vm7, s7, v5;
	v7 =	vsel vm6, s17, v7;
	v10 =	vsel vm15, s26, v10  }
0x302: {  	s26 =	sshrl.u32 s5, $0x1F;
	v40 =	vmov s21;
	v7 =	vsel vm1, s23, v7;
	v10 =	vsel vm12, s25, v10;
	s25 =	sshrl.u32 s13, $0x1F;
	s23 =	sshra.s32 s9, $0xA  }
0x303: {  	s21 =	sshrl.u32 s18, $0x1F;
	v11 =	vsel vm15, s26, v40;
	s26 =	sshrl.u32 s29, $0x1F;
	v10 =	vsel vm10, s25, v10;
	v5 =	vsel vm15, s23, v5  }
0x304: {  	s11 =	sshra.s32 s12, $0xA;
	v11 =	vsel vm12, s26, v11;
	s25 =	sshrl.u32 s30, $0x1F;
	s26 =	sshrl.u32 s20, $0x1F;
	v10 =	vsel vm4, s21, v10;
	v5 =	vsel vm9, s8, v5  }
0x305: {  	s9 =	sshrl.u32 s15, $0x1F;
	v11 =	vsel vm10, s25, v11;
	v10 =	vsel vm0, s26, v10;
	v5 =	vsel vm12, s11, v5  }
0x306: {  	s12 =	sshrl.u32 s6, $0x1F;
	s21 =	sshra.s32 s13, $0xA;
	v9 =	vcombine.low v11, v9;
	v10 =	vsel vm3, s9, v10;
	v5 =	vsel vm11, s14, v5  }
0x307: {  	v7 =	vperm.xlane v7, v3;
	v10 =	vsel vm1, s12, v10;
	v5 =	vsel vm10, s21, v5  }
0x308: {  	s23 =	sshra.s32 s18, $0xA;
	s25 =	sshra.s32 s28, $0xA;
	v9 =	vperm.xlane v9, v1;
	v10 =	vperm.xlane v10, v3;
	v5 =	vsel vm13, s16, v5  }
0x309: {  	v7 =	vsel vm8, v7, v8;
	s26 =	sshra.s32 s31, $0xA;
	v42 =	vmov s25;
	v5 =	vsel vm4, s23, v5  }
0x30a: {  	s0 =	sshra.s32 s0, $0xA;
	s28 =	sshra.s32 s5, $0xA;
	s31 =	sshra.s32 s20, $0xA;
	v43 =	vmov s26;
	v41 =	vsel vm8, v10, v9;
	v5 =	vsel vm14, s19, v5  }
0x30b: {  	s1 =	sshra.s32 s1, $0xA;
	s7 =	sshra.s32 s29, $0xA;
	v9 =	vsel vm15, s0, v42;
	v10 =	vsel vm15, s28, v43;
	v5 =	vsel vm0, s31, v5  }
0x30c: {  	s8 =	sshra.s32 s4, $0xA;
	s11 =	sshra.s32 s15, $0xA;
	s9 =	sshra.s32 s30, $0xA;
	v9 =	vsel vm12, s1, v9;
	v10 =	vsel vm12, s7, v10;
	v5 =	vsel vm5, s10, v5  }
0x30d: {  	v9 =	vsel vm10, s8, v9;
	v10 =	vsel vm10, s9, v10;
	v5 =	vsel vm3, s11, v5  }
0x30e: {  	s12 =	sshra.s32 s6, $0xA;
	v7 =	vadd.s32 v41, v7;
	v9 =	vcombine.low v10, v9;
	v5 =	vsel vm6, s17, v5  }
0x30f: {  	v44 =	vmul.u32 $0xFFFFE700, v7;
	v5 =	vsel vm1, s12, v5  }
0x310: {  	v45 =	vsub.s32 $0x0, v6;
	v9 =	vperm.xlane v9, v1;
	v5 =	vperm.xlane v5, v3  }
0x311: {  	vm2 =	vne.s32 v44, v45;
	vm1 =	vlt.s32 v6, $0x1  }
0x312: {  	vm5 =	vmand vm1, vm2;
	v5 =	vsel vm8, v5, v9  }
0x313: {  	v46 =	vsel vm5, $0xFFFFFFFF, v2;
	v5 =	vadd.s32 v41, v5  }
0x314: {  	v7 =	vadd.s32 v46, v7;
	v5 =	vmul.u32 $0xC80, v5  }
0x315: {  	v7 =	vmul.u32 $0xC80, v7  }
0x316: {  	v47 =	vld [tilespmem:$0x1FFE0];
	v5 =	vsub.s32 v6, v5  }
0x317: {  	v5 =	vadd.s32 v5, v7;
	_ =	sdelay $0x1  }
0x318: {  	[sflag:s22] =	ssyncset.done $0x0  }
0x319: {  	[sflag:s22] =	ssyncadd.s32 $0xFFFFFFF0  }
0x31a: {  	[tilespmem:$0x6400] =	vst v6;
	s13 =	simm.s32 $0x6410;
	s15 =	simm.s32 $0x1;
	s14 =	simm.s32 $0x0;
	vm14 =	vnez.u8 v47  }
0x31b: {  	[tilespmem:s13], [sflag:$0x1] =	stream.indirect_vreg.gather [hbm4b:s2+s14], $0x80, v5, vm14, $0xb8;
	[tilespmem:$0x6C10] =	vst v63  }
0x31c: {  	_ =	swait.ge [sflag:s15], $0x800  }
0x31d: {  	[sflag:s15] =	ssyncset.done $0x0  }
0x31e: {  	s17 =	simm.s32 $0x0;
	s16 =	rddreg [dreg:$0x11];
	[sflag:s15] =	ssyncadd.s32 $0xFFFFF800  }
0x31f: {  	[hbm4b:s16+s17] =	stream.linear.scatter [tilespmem:s13], [sflag:$0x2], $0x800, $0x38;
	[tilespmem:$0x6C10] =	vst v63  }
0x320: {  	_ =	swait.ge [sflag:s22], $0x800  }
0x321: {  	[sflag:s22] =	ssyncset.done $0x0  }
0x322: {  	s19 =	simm.s32 $0x0;
	s18 =	rddreg [dreg:$0x12];
	[sflag:s22] =	ssyncadd.s32 $0xFFFFF800  }
0x323: {  	[hbm4b:s18+s19] =	stream.linear.scatter [tilespmem:s24], [sflag:$0x2], $0x10, $0x38;
	[tilespmem:$0x6C10] =	vst v63  }
0x324: {  	_ =	swait.ge [sflag:s22], $0x10  }
0x325: {  	(v2sf) =	vpush v4, $0xD;
	_ =	sdelay $0x1  }
0x326: {  	(v2sf) =	vpush v4, $0xC;
	_ =	sdelay $0x1  }
0x327: {  	(v2sf) =	vpush v4, $0xE;
	_ =	sdelay $0x1  }
0x328: {  	(v2sf) =	vpush v4, $0xF  }
0x329: {  	(v2sf) =	vpush v4, $0x9  }
0x32a: {  	(v2sf) =	vpush v4, $0x8  }
0x32b: {  	(v2sf) =	vpush v4, $0xA  }
0x32c: {  	(v2sf) =	vpush v4, $0xB  }
0x32d: {  	(v2sf) =	vpush v4, $0x0  }
0x32e: {  	(v2sf) =	vpush v4, $0x7  }
0x32f: {  	(v2sf) =	vpush v4, $0x1  }
0x330: {  	(v2sf) =	vpush v4, $0x2  }
0x331: {  	(v2sf) =	vpush v4, $0x3;
	s20 =	spop (v2sf)  }
0x332: {  	(v2sf) =	vpush v4, $0x4;
	s24 =	smulhi.u32 $0x51EB851F, s20;
	s0 =	sshra.s32 s20, $0x1F  }
0x333: {  	(v2sf) =	vpush v4, $0x5;
	s21 =	spop (v2sf);
	s0 =	smul.u32 $0x51EB851F, s0  }
0x334: {  	s29 =	smulhi.u32 $0x51EB851F, s21;
	s1 =	sshra.s32 s21, $0x1F  }
0x335: {  	s23 =	spop (v2sf);
	s1 =	smul.u32 $0x51EB851F, s1  }
0x336: {  	s12 =	smulhi.u32 $0x51EB851F, s23;
	s3 =	sshra.s32 s23, $0x1F  }
0x337: {  	s26 =	spop (v2sf);
	s3 =	smul.u32 $0x51EB851F, s3  }
0x338: {  	s28 =	spop (v2sf);
	s18 =	smulhi.u32 $0x51EB851F, s26;
	s5 =	sshra.s32 s26, $0x1F  }
0x339: {  	s4 =	sadd.s32 s0, s24;
	s10 =	spop (v2sf);
	s5 =	smul.u32 $0x51EB851F, s5  }
0x33a: {  	s21 =	smulhi.u32 $0x51EB851F, s28;
	s6 =	sshra.s32 s28, $0x1F;
	s11 =	spop (v2sf)  }
0x33b: {  	s13 =	sshra.s32 s4, $0xB;
	s25 =	smul.u32 $0x51EB851F, s6;
	s14 =	spop (v2sf)  }
0x33c: {  	s26 =	smulhi.u32 $0x51EB851F, s10;
	s30 =	sshra.s32 s10, $0x1F;
	s17 =	spop (v2sf)  }
0x33d: {  	s29 =	sadd.s32 s1, s29;
	s31 =	smul.u32 $0x51EB851F, s30;
	s15 =	spop (v2sf)  }
0x33e: {  	s30 =	smulhi.u32 $0x51EB851F, s11;
	s9 =	sshra.s32 s11, $0x1F;
	s16 =	spop (v2sf)  }
0x33f: {  	s6 =	sadd.s32 s3, s12;
	s1 =	smul.u32 $0x51EB851F, s9;
	s20 =	spop (v2sf)  }
0x340: {  	s3 =	smulhi.u32 $0x51EB851F, s14;
	s11 =	sshra.s32 s14, $0x1F;
	s23 =	spop (v2sf)  }
0x341: {  	s24 =	sshra.s32 s29, $0xB;
	s9 =	smul.u32 $0x51EB851F, s11;
	s8 =	spop (v2sf)  }
0x342: {  	s10 =	smulhi.u32 $0x51EB851F, s17;
	s14 =	sshra.s32 s17, $0x1F;
	s7 =	spop (v2sf);
	(v2sf) =	vpush v4, $0x6  }
0x343: {  	s19 =	sshra.s32 s6, $0xB;
	s0 =	sadd.s32 s5, s18;
	s11 =	smul.u32 $0x51EB851F, s14  }
0x344: {  	s18 =	sshra.s32 s0, $0xB;
	s12 =	smulhi.u32 $0x51EB851F, s15;
	s17 =	sshra.s32 s15, $0x1F  }
0x345: {  	s28 =	sadd.s32 s25, s21;
	s31 =	sadd.s32 s31, s26;
	s25 =	smul.u32 $0x51EB851F, s17  }
0x346: {  	s30 =	sadd.s32 s1, s30;
	s26 =	smulhi.u32 $0x51EB851F, s16;
	s14 =	sshra.s32 s16, $0x1F  }
0x347: {  	s5 =	sadd.s32 s9, s3;
	s15 =	sadd.s32 s11, s10;
	s9 =	smul.u32 $0x51EB851F, s14  }
0x348: {  	s11 =	smulhi.u32 $0x51EB851F, s20;
	s17 =	sshra.s32 s20, $0x1F;
	s1 =	sadd.s32 s25, s12  }
0x349: {  	s21 =	sshra.s32 s28, $0xB;
	s12 =	smul.u32 $0x51EB851F, s17;
	s16 =	sshra.s32 s1, $0x1F  }
0x34a: {  	vm2 =	vcmask $0x300;
	s20 =	sshra.s32 s15, $0xB;
	s3 =	smulhi.u32 $0x51EB851F, s23;
	s25 =	sshra.s32 s23, $0x1F;
	v48 =	vmov s16  }
0x34b: {  	s14 =	sshra.s32 s15, $0x1F;
	s16 =	sadd.s32 s9, s26;
	s9 =	smul.u32 $0x51EB851F, s25;
	v49 =	vsel vm2, s20, v48  }
0x34c: {  	s11 =	sadd.s32 s12, s11;
	s12 =	smulhi.u32 $0x51EB851F, s8;
	s26 =	sshra.s32 s16, $0xB;
	v6 =	vsel vm7, s14, v49  }
0x34d: {  	s10 =	sshra.s32 s16, $0x1F;
	s20 =	sshra.s32 s8, $0x1F;
	s23 =	sshra.s32 s11, $0xB;
	v6 =	vsel vm15, s26, v6  }
0x34e: {  	s8 =	sshra.s32 s11, $0x1F;
	s17 =	smul.u32 $0x51EB851F, s20;
	s9 =	sadd.s32 s9, s3;
	v6 =	vsel vm9, s10, v6  }
0x34f: {  	vm6 =	vcmask $0x2724;
	s3 =	smulhi.u32 $0x51EB851F, s7;
	s7 =	sshra.s32 s7, $0x1F;
	s25 =	sshra.s32 s9, $0xB;
	v6 =	vsel vm12, s23, v6  }
0x350: {  	vm1 =	vmmov vm0;
	vm5 =	vmmov vm4;
	s23 =	smul.u32 $0x51EB851F, s7;
	s7 =	sadd.s32 s17, s12;
	s12 =	sshra.s32 s9, $0x1F;
	v6 =	vsel vm11, s8, v6  }
0x351: {  	vm8 =	vcmask $0x2F2C;
	v50 =	vmov s24;
	s17 =	sshra.s32 s7, $0x1F;
	v6 =	vsel vm10, s25, v6;
	s25 =	sshra.s32 s31, $0xB;
	s26 =	spop (v2sf)  }
0x352: {  	v7 =	vsel vm15, s13, v50;
	v6 =	vsel vm13, s12, v6;
	v51 =	vmov s25;
	s20 =	smulhi.u32 $0x51EB851F, s26;
	s24 =	sshra.s32 s26, $0x1F;
	s26 =	sshra.s32 s7, $0xB  }
0x353: {  	v7 =	vsel vm12, s19, v7;
	s13 =	sadd.s32 s23, s3;
	v8 =	vsel vm15, s21, v51;
	v6 =	vsel vm4, s26, v6;
	s26 =	smul.u32 $0x51EB851F, s24;
	s24 =	sshra.s32 s30, $0xB  }
0x354: {  	v7 =	vsel vm10, s18, v7;
	s25 =	sshra.s32 s5, $0xB;
	s23 =	sshra.s32 s13, $0xB;
	v6 =	vsel vm6, s17, v6;
	v8 =	vsel vm12, s24, v8  }
0x355: {  	vm4 =	vmmov vm2;
	s24 =	sshrl.u32 s15, $0x1F;
	s15 =	sshra.s32 s15, $0xA;
	v6 =	vsel vm0, s23, v6;
	v8 =	vsel vm10, s25, v8  }
0x356: {  	s18 =	sshra.s32 s13, $0x1F;
	s19 =	sadd.s32 s26, s20;
	s26 =	sshrl.u32 s29, $0x1F;
	vm0 =	vmmov vm3;
	v53 =	vmov s24;
	v5 =	vsel vm4, s15, v48  }
0x357: {  	v6 =	vsel vm8, s18, v6;
	v52 =	vmov s26;
	v10 =	vnsel vm2, $0x0, v53  }
0x358: {  	s23 =	sshrl.u32 s4, $0x1F;
	s20 =	sshra.s32 s19, $0xB;
	vm2 =	vcmask $0x3B38;
	v5 =	vsel vm7, s14, v5;
	v7 =	vcombine.low v8, v7  }
0x359: {  	s24 =	sshrl.u32 s16, $0x1F;
	s16 =	sshra.s32 s16, $0xA;
	v6 =	vsel vm3, s20, v6;
	s20 =	sshra.s32 s19, $0x1F;
	v9 =	vsel vm15, s23, v52;
	vm3 =	vcmask $0x3734  }
0x35a: {  	s25 =	sshrl.u32 s6, $0x1F;
	v10 =	vsel vm15, s24, v10;
	v5 =	vsel vm15, s16, v5;
	v6 =	vsel vm3, s20, v6  }
0x35b: {  	s26 =	sshra.s32 s1, $0xB;
	s23 =	sshrl.u32 s0, $0x1F;
	v9 =	vsel vm12, s25, v9;
	s25 =	sshrl.u32 s31, $0x1F;
	v5 =	vsel vm9, s10, v5;
	v7 =	vperm.xlane v7, v1  }
0x35c: {  	s24 =	sshrl.u32 s28, $0x1F;
	v6 =	vsel vm2, s26, v6;
	v9 =	vsel vm10, s23, v9;
	s26 =	sshrl.u32 s11, $0x1F;
	v54 =	vmov s25;
	s11 =	sshra.s32 s11, $0xA  }
0x35d: {  	s25 =	sshrl.u32 s9, $0x1F;
	v10 =	vsel vm12, s26, v10;
	v11 =	vsel vm15, s24, v54;
	s26 =	sshrl.u32 s30, $0x1F;
	v5 =	vsel vm12, s11, v5  }
0x35e: {  	s21 =	sshrl.u32 s5, $0x1F;
	s15 =	sshrl.u32 s7, $0x1F;
	v6 =	vperm.xlane v6, v3;
	v10 =	vsel vm10, s25, v10;
	v11 =	vsel vm12, s26, v11  }
0x35f: {  	v59 =	vld [tilespmem:$0x1FFF0];
	s10 =	sshra.s32 s9, $0xA;
	s26 =	sshra.s32 s29, $0xA;
	v5 =	vsel vm11, s8, v5;
	s8 =	sshra.s32 s31, $0xA;
	v10 =	vsel vm5, s15, v10;
	v11 =	vsel vm10, s21, v11  }
0x360: {  	s4 =	sshra.s32 s4, $0xA;
	s24 =	sshrl.u32 s13, $0x1F;
	s11 =	sshra.s32 s28, $0xA;
	v55 =	vmov s26;
	v56 =	vmov s8;
	v5 =	vsel vm10, s10, v5  }
0x361: {  	s25 =	sshrl.u32 s19, $0x1F;
	v10 =	vsel vm1, s24, v10;
	v12 =	vsel vm15, s4, v55;
	v13 =	vsel vm15, s11, v56  }
0x362: {  	s6 =	sshra.s32 s6, $0xA;
	s14 =	sshra.s32 s30, $0xA;
	s15 =	sshra.s32 s7, $0xA;
	v5 =	vsel vm13, s12, v5;
	v9 =	vcombine.low v11, v9;
	v10 =	vsel vm0, s25, v10  }
0x363: {  	s29 =	sshrl.u32 s1, $0x1F;
	v12 =	vsel vm12, s6, v12;
	v57 =	vsel vm12, s14, v13;
	v5 =	vsel vm5, s15, v5  }
0x364: {  	s16 =	sshra.s32 s13, $0xA;
	vm12 =	vnez.u8 v59;
	v10 =	vsel vm2, s29, v10;
	v5 =	vsel vm6, s17, v5  }
0x365: {  	s0 =	sshra.s32 s0, $0xA;
	v9 =	vperm.xlane v9, v1;
	v5 =	vsel vm1, s16, v5;
	v10 =	vperm.xlane v10, v3  }
0x366: {  	s19 =	sshra.s32 s19, $0xA;
	s17 =	sshra.s32 s5, $0xA;
	v58 =	vsel vm10, s0, v12;
	v6 =	vsel vm12, v6, v7;
	v5 =	vsel vm8, s18, v5  }
0x367: {  	v8 =	vsel vm10, s17, v57;
	v5 =	vsel vm0, s19, v5;
	v60 =	vsel vm12, v10, v9  }
0x368: {  	s21 =	sshra.s32 s1, $0xA;
	v8 =	vcombine.low v8, v58;
	v5 =	vsel vm3, s20, v5;
	v6 =	vadd.s32 v60, v6  }
0x369: {  	v5 =	vsel vm2, s21, v5;
	v61 =	vmul.u32 $0xFFFFE700, v6  }
0x36a: {  	v62 =	vsub.s32 $0x0, v4;
	v8 =	vperm.xlane v8, v1;
	v3 =	vperm.xlane v5, v3  }
0x36b: {  	vm13 =	vlt.s32 v4, $0x1;
	vm15 =	vne.s32 v61, v62  }
0x36c: {  	vm5 =	vmand vm13, vm15;
	v3 =	vsel vm12, v3, v8  }
0x36d: {  	v63 =	vsel vm5, $0xFFFFFFFF, v2;
	v3 =	vadd.s32 v60, v3  }
0x36e: {  	v5 =	vadd.s32 v63, v6;
	v3 =	vmul.u32 $0xC80, v3  }
0x36f: {  	v5 =	vmul.u32 $0xC80, v5  }
0x370: {  	v3 =	vsub.s32 v4, v3  }
0x371: {  	v3 =	vadd.s32 v3, v5;
	_ =	sdelay $0x1  }
0x372: {  	[sflag:s22] =	ssyncset.done $0x0  }
0x373: {  	[sflag:s22] =	ssyncadd.s32 $0xFFFFFFF0  }
0x374: {  	[tilespmem:$0x6400] =	vst v4;
	s23 =	simm.s32 $0x0;
	s24 =	simm.s32 $0x6410;
	s25 =	simm.s32 $0x1  }
0x375: {  	[tilespmem:s24], [sflag:$0x1] =	stream.indirect_vreg.gather [hbm4b:s2+s23], $0x80, v3, vm14, $0xb8;
	[tilespmem:$0x6C10] =	vst v63  }
0x376: {  	_ =	swait.ge [sflag:s25], $0x800  }
0x377: {  	[sflag:s25] =	ssyncset.done $0x0  }
0x378: {  	s26 =	rddreg [dreg:$0x13];
	[sflag:s25] =	ssyncadd.s32 $0xFFFFF800  }
0x379: {  	[hbm4b:s26+s23] =	stream.linear.scatter [tilespmem:s24], [sflag:$0x2], $0x800, $0x38;
	[tilespmem:$0x6C10] =	vst v63  }
0x37a: {  	_ =	swait.ge [sflag:s22], $0x800  }
0x37b: {  	[sflag:s22] =	ssyncset.done $0x0  }
0x37c: {  	s29 =	simm.s32 $0x6400;
	s28 =	rddreg [dreg:$0x14];
	[sflag:s22] =	ssyncadd.s32 $0xFFFFF800  }
0x37d: {  	[hbm4b:s28+s23] =	stream.linear.scatter [tilespmem:s29], [sflag:$0x2], $0x10, $0x38;
	[tilespmem:$0x6C10] =	vst v63  }
0x37e: {  	_ =	swait.ge [sflag:s22], $0x10  }
0x37f: {  	s30 =	rddreg [dreg:$0x16]  }
0x380: {  	s31 =	rddreg [dreg:$0x15];
	s1 =	sadd.s32 $0x1, s30  }
0x381: {  	p0 =	sne.s32 s1, s31  }
.Ltmp1:
0x382: {  	_ = 	snop;
	(pc) =	sbr.rel @p0 .LBB2_1-.Ltmp1, $3  }
0x383: {  	_ =	sdelay $0x1  }
0x384: {  	[sflag:s22] =	ssyncset.done $0x0  }
0x385: {  	[sflag:s22] =	ssyncadd.s32 $0xFFFFFFF0  }
0x386: {  	_ =	sfence.sel $0x180000  }
0x387: {  	[bflag:$0x0] =	sbarrier.arrive $0xFFFF  }
0x388: {  	_ =	strace $0x90000047  }
0x389: {  	s0 =	stileid.u32;
	[bflag:$0x2] =	sbarrier.arrive $0xFFFF  }
0x38a: {  	p0 =	sne.s32 s0, $0x0;
	s0 =	rddreg [dreg:$0x1]  }
0x38b: {  	s0 =	sadd.s32 @!p0 $0x100000, s0  }
0x38c: {  	[sflag:s0] =	ssyncadd.tile.s32 @!p0 $0x1;
	_ =	shalt  }
.Lfunc_end2:
_tile_overlayer_lowered:
.L_overlay_start_2:
0x38d: {  	(tag) =	ssettag $0x2  }
0x38e: {  	s0 =	rddreg [dreg:$0x0];
	s2 =	stileid.u32  }
0x38f: {  	s1 =	rddreg [dreg:$0x1];
	p0 =	sne.s32 s2, $0x0  }
0x390: {  	s3 =	rddreg [dreg:$0x2];
	[bflag:$0x3] =	sbarrier.arrive $0xFFFF;
	s2 =	simm.s32 @!p0 $0x1C02  }
0x391: {  	[timem:s3], [sflag:s2] =	dma.local @!p0 [hbm:s0], s1  }
0x392: {  	s0 =	simm.s32 @!p0 $0x2  }
0x393: {  	_ =	swait.ge @!p0 [sflag:s0], s1  }
0x394: {  	s1 =	ssub.s32 @!p0 $0x0, s1;
	[sflag:s0] =	ssyncset.done @!p0 $0x0  }
0x395: {  	[sflag:s0] =	ssyncadd.s32 @!p0 s1  }
0x396: {  	[bflag:$0x3] =	sbarrier.arrive $0xFFFF  }
0x397: {  	_ =	shalt  }

</sc_bundles>
